<compile_context>
chip_gen: v7x
topology: tpu7x:2x2x1
jax: 0.10.2.dev20260603
libtpu: 0.0.44.dev20260713+nightly
codegen_flags: <defaults>
</compile_context>

<pallas_src>
import functools

import jax
import jax.numpy as jnp
from jax import lax
from jax.experimental import pallas as pl
from jax.experimental.pallas import tpu as pltpu
from jax.experimental.pallas import tpu_sc as plsc

N_NODES = 10000
N_EDGES = 320000
D = 128

NC = 2
NS = 16
NW = NC * NS
CH = 128
CPW = 80
E_PAD = NW * CPW * CH
N_ACC = 10240
RPT = N_ACC // NS


def _make_agg(d: int):
  mesh = plsc.VectorSubcoreMesh(
      core_axis_name="c", subcore_axis_name="s", num_cores=NC, num_subcores=NS)

  @functools.partial(
      pl.kernel,
      out_type=jax.ShapeDtypeStruct((NC, N_ACC, d), jnp.float32),
      mesh=mesh,
      scratch_types=[
          pltpu.VMEM((CPW // 2, CH), jnp.int32),
          pltpu.VMEM((CPW // 2, CH), jnp.int32),
          pltpu.VMEM((CH, d), jnp.float32),
          pltpu.VMEM((CH, d), jnp.float32),
          pltpu.VMEM_SHARED((N_ACC, d), jnp.float32),
          pltpu.SemaphoreType.DMA,
          pltpu.SemaphoreType.DMA,
          pltpu.SemaphoreType.DMA,
          pltpu.SemaphoreType.DMA,
      ],
  )
  def agg(x_hbm, src_hbm, dst_hbm, z_hbm, out_hbm,
          srcv, dstv, rows0, rows1, acc, sem0, sem1, ssem0, ssem1):
    c = lax.axis_index("c")
    s = lax.axis_index("s")
    wid = s * NC + c
    NWH = CPW // 2

    def stage(ph):
      pltpu.sync_copy(src_hbm.at[pl.ds(wid * CPW + ph * NWH, NWH)], srcv)
      pltpu.sync_copy(dst_hbm.at[pl.ds(wid * CPW + ph * NWH, NWH)], dstv)

    def run_phase():
      pltpu.async_copy(x_hbm.at[srcv.at[0]], rows0, sem0)

      def step(i, carry):
        g0 = 2 * i
        pltpu.async_copy(x_hbm.at[srcv.at[g0 + 1]], rows1, sem1)
        pltpu.make_async_copy(x_hbm.at[srcv.at[g0]], rows0, sem0).wait()
        pltpu.sync_copy(rows0, acc.at[dstv.at[g0]], add=True)

        @pl.when(g0 + 2 < NWH)
        def _prefetch():
          pltpu.async_copy(x_hbm.at[srcv.at[g0 + 2]], rows0, sem0)

        pltpu.make_async_copy(x_hbm.at[srcv.at[g0 + 1]], rows1, sem1).wait()
        pltpu.sync_copy(rows1, acc.at[dstv.at[g0 + 1]], add=True)
        return carry

      lax.fori_loop(0, NWH // 2, step, 0)

    stage(0)
    pltpu.sync_copy(z_hbm, rows0)
    r0 = s * RPT
    for k in range(RPT // CH):
      pltpu.sync_copy(rows0, acc.at[pl.ds(r0 + k * CH, CH)])
    plsc.subcore_barrier()

    run_phase()
    stage(1)
    run_phase()
    plsc.subcore_barrier()

    for k in range(RPT // CH):
      pltpu.sync_copy(acc.at[pl.ds(r0 + k * CH, CH)], rows0)
      pltpu.sync_copy(rows0, out_hbm.at[c].at[pl.ds(r0 + k * CH, CH)])

  return agg


@functools.cache
def _agg(d: int):
  return _make_agg(d)


BM = 1000


def _tc_layer(x, p, wt, b, relu=True):

  def body(x_ref, p_ref, wt_ref, b_ref, o_ref):
    h = x_ref[...] + p_ref[0] + p_ref[1]
    h = jnp.dot(h, wt_ref[...], preferred_element_type=jnp.float32)
    h = h + b_ref[...]
    o_ref[...] = jnp.maximum(h, 0.0) if relu else h

  return pl.pallas_call(
      body,
      grid=(N_NODES // BM,),
      in_specs=[
          pl.BlockSpec((BM, D), lambda i: (i, 0)),
          pl.BlockSpec((NC, BM, D), lambda i: (0, i, 0)),
          pl.BlockSpec((D, D), lambda i: (0, 0)),
          pl.BlockSpec((1, D), lambda i: (0, 0)),
      ],
      out_specs=pl.BlockSpec((BM, D), lambda i: (i, 0)),
      out_shape=jax.ShapeDtypeStruct((N_NODES, D), jnp.float32),
  )(x, p, wt, b)


def kernel(x, edge_index, W1, b1, W2, b2, W3, b3):
  e = edge_index.astype(jnp.int32)
  src, dst = e[0], e[1]
  npad = E_PAD - N_EDGES
  pad_i = jnp.arange(npad, dtype=jnp.int32)
  src_p = jnp.concatenate([src, pad_i % N_NODES])
  dst_p = jnp.concatenate([dst, N_NODES + pad_i % (N_ACC - N_NODES)])
  src2d = src_p.reshape(E_PAD // CH, CH)
  dst2d = dst_p.reshape(E_PAD // CH, CH)
  z128 = jnp.zeros((CH, D), jnp.float32)

  p = _agg(D)(x, src2d, dst2d, z128)
  h1 = _tc_layer(x, p, W1.T, b1.reshape(1, D))
  p = _agg(D)(h1, src2d, dst2d, z128)
  h2 = _tc_layer(h1, p, W2.T, b2.reshape(1, D))
  p = _agg(D)(h2, src2d, dst2d, z128)
  w3t_pad = jnp.zeros((D, D), jnp.float32).at[:, :2].set(W3.T)
  b3pad = jnp.zeros((1, D), jnp.float32).at[0, :2].set(b3)
  outpad = _tc_layer(h2, p, w3t_pad, b3pad, relu=False)
  return outpad[:, :2]

# --- scband reference (transcript-rebuilt; emitter-appended) ---
"""Pipeline reference for scband-gin-68616397521286 (READ-ONLY COPY).

The authoritative reference and input builder live on the scoring server;
editing this copy changes nothing except your own understanding.
"""

import jax, jax.numpy as jnp
import numpy as np

N_NODES = 10000
N_EDGES = 320000
D_IN = 128
D_HID = 128
N_CLASSES = 2


def setup_inputs(seed: int = 0) -> dict:
    key = jax.random.key(seed)
    ks = jax.random.split(key, 8)
    x = jax.random.normal(ks[0], (N_NODES, D_IN), dtype=jnp.float32)
    edge_index = jax.random.randint(ks[1], (2, N_EDGES), 0, N_NODES, dtype=jnp.int64)
    s1 = 1.0 / np.sqrt(D_IN)
    s2 = 1.0 / np.sqrt(D_HID)
    W1 = jax.random.uniform(ks[2], (D_HID, D_IN), dtype=jnp.float32, minval=-s1, maxval=s1)
    b1 = jax.random.uniform(ks[3], (D_HID,), dtype=jnp.float32, minval=-s1, maxval=s1)
    W2 = jax.random.uniform(ks[4], (D_HID, D_HID), dtype=jnp.float32, minval=-s2, maxval=s2)
    b2 = jax.random.uniform(ks[5], (D_HID,), dtype=jnp.float32, minval=-s2, maxval=s2)
    W3 = jax.random.uniform(ks[6], (N_CLASSES, D_HID), dtype=jnp.float32, minval=-s2, maxval=s2)
    b3 = jax.random.uniform(ks[7], (N_CLASSES,), dtype=jnp.float32, minval=-s2, maxval=s2)
    return {"x": x, "edge_index": edge_index, "W1": W1, "b1": b1, "W2": W2, "b2": b2, "W3": W3, "b3": b3}


def _gin_conv(x, src, dst, W, b, eps=0.0):
    # PyG GINConv: nn((1 + eps) * x + sum_{j in N(i)} x_j)
    agg = jnp.zeros_like(x).at[dst].add(x[src])
    h = (1.0 + eps) * x + agg
    return h @ W.T + b


def reference(x, edge_index, W1, b1, W2, b2, W3, b3):
    src = edge_index[0]
    dst = edge_index[1]
    h = _gin_conv(x, src, dst, W1, b1)
    h = jax.nn.relu(h)
    h = _gin_conv(h, src, dst, W2, b2)
    h = jax.nn.relu(h)
    out = _gin_conv(h, src, dst, W3, b3)
    return out

if __name__ == "__main__":
    import jax
    _d = setup_inputs()
    print(jax.jit(kernel)(*tuple(_d.values())))

</pallas_src>

<mosaic_0001>
#map = affine_map<(d0, d1) -> (0, 0)>
#map1 = affine_map<(d0, d1) -> (0, 0, 0)>
module attributes {stable_mosaic.version = 14 : i64} {
  func.func @agg(%arg0: i32, %arg1: i32, %arg2: memref<10000x128xf32, #tpu.memory_space<hbm>>, %arg3: memref<2560x128xi32, #tpu.memory_space<hbm>>, %arg4: memref<2560x128xi32, #tpu.memory_space<hbm>>, %arg5: memref<128x128xf32, #tpu.memory_space<hbm>>, %arg6: memref<2x10240x128xf32, #tpu.memory_space<hbm>>, %arg7: memref<40x128xi32, #tpu.memory_space<vmem>>, %arg8: memref<40x128xi32, #tpu.memory_space<vmem>>, %arg9: memref<128x128xf32, #tpu.memory_space<vmem>>, %arg10: memref<128x128xf32, #tpu.memory_space<vmem>>, %arg11: memref<10240x128xf32, #tpu.memory_space<vmem_shared>>, %arg12: memref<!tpu.dma_semaphore, #tpu.memory_space<semaphore_mem>>, %arg13: memref<!tpu.dma_semaphore, #tpu.memory_space<semaphore_mem>>, %arg14: memref<!tpu.dma_semaphore, #tpu.memory_space<semaphore_mem>>, %arg15: memref<!tpu.dma_semaphore, #tpu.memory_space<semaphore_mem>>) attributes {dimension_semantics = [#tpu.dimension_semantics<core_parallel>, #tpu.dimension_semantics<subcore_parallel>], iteration_bounds = array<i64: 2, 16>, scalar_prefetch = 0 : i64, scratch_operands = 9 : i64, tpu.core_type = #tpu.core_type<sc_vector_subcore>, window_params = [{transform_indices = #map}, {transform_indices = #map}, {transform_indices = #map}, {transform_indices = #map}, {transform_indices = #map1}]} {
    %mul3A = arith.constant 2 : i32
    %mul3A_0 = arith.muli %arg1, %mul3A : i32
    %add3A = arith.addi %mul3A_0, %arg0 : i32
    %mul3A_1 = arith.constant 80 : i32
    %mul3A_2 = arith.muli %add3A, %mul3A_1 : i32
    %add3A_3 = arith.constant 0 : i32
    %add3A_4 = arith.addi %mul3A_2, %add3A_3 : i32
    "tpu.region"() ({
      %run_scoped3A = tpu.sem_alloc : memref<!tpu.dma_semaphore, #tpu.memory_space<semaphore_mem>>
      %dma_start3A_74 = arith.constant 0 : i32
      %dma_start3A_75 = tpu.memref_slice %arg3[%add3A_4, %dma_start3A_74] : memref<2560x128xi32, #tpu.memory_space<hbm>> -> memref<40x128xi32, #tpu.memory_space<hbm>>
      %dma_start3A_76 = arith.constant 0 : i32
      %dma_start3A_77 = tpu.memref_slice %arg3[%add3A_4, %dma_start3A_76] : memref<2560x128xi32, #tpu.memory_space<hbm>> -> memref<40x128xi32, #tpu.memory_space<hbm>>
      tpu.enqueue_dma source(%dma_start3A_77 : memref<40x128xi32, #tpu.memory_space<hbm>>) target(%arg7 : memref<40x128xi32, #tpu.memory_space<vmem>>) target_semaphore(%run_scoped3A : memref<!tpu.dma_semaphore, #tpu.memory_space<semaphore_mem>>)
      %dma_wait3A = arith.constant 0 : i32
      %dma_wait3A_78 = tpu.memref_slice %arg3[%add3A_4, %dma_wait3A] : memref<2560x128xi32, #tpu.memory_space<hbm>> -> memref<40x128xi32, #tpu.memory_space<hbm>>
      %dma_wait3A_79 = arith.constant 0 : i32
      %dma_wait3A_80 = tpu.memref_slice %arg3[%add3A_4, %dma_wait3A_79] : memref<2560x128xi32, #tpu.memory_space<hbm>> -> memref<40x128xi32, #tpu.memory_space<hbm>>
      tpu.wait_dma2 semaphore(%run_scoped3A : memref<!tpu.dma_semaphore, #tpu.memory_space<semaphore_mem>>) src(%dma_wait3A_80 : memref<40x128xi32, #tpu.memory_space<hbm>>) dst(%arg7 : memref<40x128xi32, #tpu.memory_space<vmem>>)
      tpu.yield
    }) : () -> ()
    %mul3A_5 = arith.constant 80 : i32
    %mul3A_6 = arith.muli %add3A, %mul3A_5 : i32
    %add3A_7 = arith.constant 0 : i32
    %add3A_8 = arith.addi %mul3A_6, %add3A_7 : i32
    "tpu.region"() ({
      %run_scoped3A = tpu.sem_alloc : memref<!tpu.dma_semaphore, #tpu.memory_space<semaphore_mem>>
      %dma_start3A_74 = arith.constant 0 : i32
      %dma_start3A_75 = tpu.memref_slice %arg4[%add3A_8, %dma_start3A_74] : memref<2560x128xi32, #tpu.memory_space<hbm>> -> memref<40x128xi32, #tpu.memory_space<hbm>>
      %dma_start3A_76 = arith.constant 0 : i32
      %dma_start3A_77 = tpu.memref_slice %arg4[%add3A_8, %dma_start3A_76] : memref<2560x128xi32, #tpu.memory_space<hbm>> -> memref<40x128xi32, #tpu.memory_space<hbm>>
      tpu.enqueue_dma source(%dma_start3A_77 : memref<40x128xi32, #tpu.memory_space<hbm>>) target(%arg8 : memref<40x128xi32, #tpu.memory_space<vmem>>) target_semaphore(%run_scoped3A : memref<!tpu.dma_semaphore, #tpu.memory_space<semaphore_mem>>)
      %dma_wait3A = arith.constant 0 : i32
      %dma_wait3A_78 = tpu.memref_slice %arg4[%add3A_8, %dma_wait3A] : memref<2560x128xi32, #tpu.memory_space<hbm>> -> memref<40x128xi32, #tpu.memory_space<hbm>>
      %dma_wait3A_79 = arith.constant 0 : i32
      %dma_wait3A_80 = tpu.memref_slice %arg4[%add3A_8, %dma_wait3A_79] : memref<2560x128xi32, #tpu.memory_space<hbm>> -> memref<40x128xi32, #tpu.memory_space<hbm>>
      tpu.wait_dma2 semaphore(%run_scoped3A : memref<!tpu.dma_semaphore, #tpu.memory_space<semaphore_mem>>) src(%dma_wait3A_80 : memref<40x128xi32, #tpu.memory_space<hbm>>) dst(%arg8 : memref<40x128xi32, #tpu.memory_space<vmem>>)
      tpu.yield
    }) : () -> ()
    "tpu.region"() ({
      %run_scoped3A = tpu.sem_alloc : memref<!tpu.dma_semaphore, #tpu.memory_space<semaphore_mem>>
      tpu.enqueue_dma source(%arg5 : memref<128x128xf32, #tpu.memory_space<hbm>>) target(%arg9 : memref<128x128xf32, #tpu.memory_space<vmem>>) target_semaphore(%run_scoped3A : memref<!tpu.dma_semaphore, #tpu.memory_space<semaphore_mem>>)
      tpu.wait_dma2 semaphore(%run_scoped3A : memref<!tpu.dma_semaphore, #tpu.memory_space<semaphore_mem>>) src(%arg5 : memref<128x128xf32, #tpu.memory_space<hbm>>) dst(%arg9 : memref<128x128xf32, #tpu.memory_space<vmem>>)
      tpu.yield
    }) : () -> ()
    %mul3A_9 = arith.constant 640 : i32
    %mul3A_10 = arith.muli %arg1, %mul3A_9 : i32
    %add3A_11 = arith.constant 0 : i32
    %add3A_12 = arith.addi %mul3A_10, %add3A_11 : i32
    "tpu.region"() ({
      %run_scoped3A = tpu.sem_alloc : memref<!tpu.dma_semaphore, #tpu.memory_space<semaphore_mem>>
      %dma_start3A_74 = arith.constant 0 : i32
      %dma_start3A_75 = tpu.memref_slice %arg11[%add3A_12, %dma_start3A_74] : memref<10240x128xf32, #tpu.memory_space<vmem_shared>> -> memref<128x128xf32, #tpu.memory_space<vmem_shared>>
      %dma_start3A_76 = arith.constant 0 : i32
      %dma_start3A_77 = tpu.memref_slice %arg11[%add3A_12, %dma_start3A_76] : memref<10240x128xf32, #tpu.memory_space<vmem_shared>> -> memref<128x128xf32, #tpu.memory_space<vmem_shared>>
      tpu.enqueue_dma source(%arg9 : memref<128x128xf32, #tpu.memory_space<vmem>>) target(%dma_start3A_77 : memref<128x128xf32, #tpu.memory_space<vmem_shared>>) target_semaphore(%run_scoped3A : memref<!tpu.dma_semaphore, #tpu.memory_space<semaphore_mem>>)
      %dma_wait3A = arith.constant 0 : i32
      %dma_wait3A_78 = tpu.memref_slice %arg11[%add3A_12, %dma_wait3A] : memref<10240x128xf32, #tpu.memory_space<vmem_shared>> -> memref<128x128xf32, #tpu.memory_space<vmem_shared>>
      %dma_wait3A_79 = arith.constant 0 : i32
      %dma_wait3A_80 = tpu.memref_slice %arg11[%add3A_12, %dma_wait3A_79] : memref<10240x128xf32, #tpu.memory_space<vmem_shared>> -> memref<128x128xf32, #tpu.memory_space<vmem_shared>>
      tpu.wait_dma2 semaphore(%run_scoped3A : memref<!tpu.dma_semaphore, #tpu.memory_space<semaphore_mem>>) src(%arg9 : memref<128x128xf32, #tpu.memory_space<vmem>>) dst(%dma_wait3A_80 : memref<128x128xf32, #tpu.memory_space<vmem_shared>>)
      tpu.yield
    }) : () -> ()
    %add3A_13 = arith.constant 128 : i32
    %add3A_14 = arith.addi %mul3A_10, %add3A_13 : i32
    "tpu.region"() ({
      %run_scoped3A = tpu.sem_alloc : memref<!tpu.dma_semaphore, #tpu.memory_space<semaphore_mem>>
      %dma_start3A_74 = arith.constant 0 : i32
      %dma_start3A_75 = tpu.memref_slice %arg11[%add3A_14, %dma_start3A_74] : memref<10240x128xf32, #tpu.memory_space<vmem_shared>> -> memref<128x128xf32, #tpu.memory_space<vmem_shared>>
      %dma_start3A_76 = arith.constant 0 : i32
      %dma_start3A_77 = tpu.memref_slice %arg11[%add3A_14, %dma_start3A_76] : memref<10240x128xf32, #tpu.memory_space<vmem_shared>> -> memref<128x128xf32, #tpu.memory_space<vmem_shared>>
      tpu.enqueue_dma source(%arg9 : memref<128x128xf32, #tpu.memory_space<vmem>>) target(%dma_start3A_77 : memref<128x128xf32, #tpu.memory_space<vmem_shared>>) target_semaphore(%run_scoped3A : memref<!tpu.dma_semaphore, #tpu.memory_space<semaphore_mem>>)
      %dma_wait3A = arith.constant 0 : i32
      %dma_wait3A_78 = tpu.memref_slice %arg11[%add3A_14, %dma_wait3A] : memref<10240x128xf32, #tpu.memory_space<vmem_shared>> -> memref<128x128xf32, #tpu.memory_space<vmem_shared>>
      %dma_wait3A_79 = arith.constant 0 : i32
      %dma_wait3A_80 = tpu.memref_slice %arg11[%add3A_14, %dma_wait3A_79] : memref<10240x128xf32, #tpu.memory_space<vmem_shared>> -> memref<128x128xf32, #tpu.memory_space<vmem_shared>>
      tpu.wait_dma2 semaphore(%run_scoped3A : memref<!tpu.dma_semaphore, #tpu.memory_space<semaphore_mem>>) src(%arg9 : memref<128x128xf32, #tpu.memory_space<vmem>>) dst(%dma_wait3A_80 : memref<128x128xf32, #tpu.memory_space<vmem_shared>>)
      tpu.yield
    }) : () -> ()
    %add3A_15 = arith.constant 256 : i32
    %add3A_16 = arith.addi %mul3A_10, %add3A_15 : i32
    "tpu.region"() ({
      %run_scoped3A = tpu.sem_alloc : memref<!tpu.dma_semaphore, #tpu.memory_space<semaphore_mem>>
      %dma_start3A_74 = arith.constant 0 : i32
      %dma_start3A_75 = tpu.memref_slice %arg11[%add3A_16, %dma_start3A_74] : memref<10240x128xf32, #tpu.memory_space<vmem_shared>> -> memref<128x128xf32, #tpu.memory_space<vmem_shared>>
      %dma_start3A_76 = arith.constant 0 : i32
      %dma_start3A_77 = tpu.memref_slice %arg11[%add3A_16, %dma_start3A_76] : memref<10240x128xf32, #tpu.memory_space<vmem_shared>> -> memref<128x128xf32, #tpu.memory_space<vmem_shared>>
      tpu.enqueue_dma source(%arg9 : memref<128x128xf32, #tpu.memory_space<vmem>>) target(%dma_start3A_77 : memref<128x128xf32, #tpu.memory_space<vmem_shared>>) target_semaphore(%run_scoped3A : memref<!tpu.dma_semaphore, #tpu.memory_space<semaphore_mem>>)
      %dma_wait3A = arith.constant 0 : i32
      %dma_wait3A_78 = tpu.memref_slice %arg11[%add3A_16, %dma_wait3A] : memref<10240x128xf32, #tpu.memory_space<vmem_shared>> -> memref<128x128xf32, #tpu.memory_space<vmem_shared>>
      %dma_wait3A_79 = arith.constant 0 : i32
      %dma_wait3A_80 = tpu.memref_slice %arg11[%add3A_16, %dma_wait3A_79] : memref<10240x128xf32, #tpu.memory_space<vmem_shared>> -> memref<128x128xf32, #tpu.memory_space<vmem_shared>>
      tpu.wait_dma2 semaphore(%run_scoped3A : memref<!tpu.dma_semaphore, #tpu.memory_space<semaphore_mem>>) src(%arg9 : memref<128x128xf32, #tpu.memory_space<vmem>>) dst(%dma_wait3A_80 : memref<128x128xf32, #tpu.memory_space<vmem_shared>>)
      tpu.yield
    }) : () -> ()
    %add3A_17 = arith.constant 384 : i32
    %add3A_18 = arith.addi %mul3A_10, %add3A_17 : i32
    "tpu.region"() ({
      %run_scoped3A = tpu.sem_alloc : memref<!tpu.dma_semaphore, #tpu.memory_space<semaphore_mem>>
      %dma_start3A_74 = arith.constant 0 : i32
      %dma_start3A_75 = tpu.memref_slice %arg11[%add3A_18, %dma_start3A_74] : memref<10240x128xf32, #tpu.memory_space<vmem_shared>> -> memref<128x128xf32, #tpu.memory_space<vmem_shared>>
      %dma_start3A_76 = arith.constant 0 : i32
      %dma_start3A_77 = tpu.memref_slice %arg11[%add3A_18, %dma_start3A_76] : memref<10240x128xf32, #tpu.memory_space<vmem_shared>> -> memref<128x128xf32, #tpu.memory_space<vmem_shared>>
      tpu.enqueue_dma source(%arg9 : memref<128x128xf32, #tpu.memory_space<vmem>>) target(%dma_start3A_77 : memref<128x128xf32, #tpu.memory_space<vmem_shared>>) target_semaphore(%run_scoped3A : memref<!tpu.dma_semaphore, #tpu.memory_space<semaphore_mem>>)
      %dma_wait3A = arith.constant 0 : i32
      %dma_wait3A_78 = tpu.memref_slice %arg11[%add3A_18, %dma_wait3A] : memref<10240x128xf32, #tpu.memory_space<vmem_shared>> -> memref<128x128xf32, #tpu.memory_space<vmem_shared>>
      %dma_wait3A_79 = arith.constant 0 : i32
      %dma_wait3A_80 = tpu.memref_slice %arg11[%add3A_18, %dma_wait3A_79] : memref<10240x128xf32, #tpu.memory_space<vmem_shared>> -> memref<128x128xf32, #tpu.memory_space<vmem_shared>>
      tpu.wait_dma2 semaphore(%run_scoped3A : memref<!tpu.dma_semaphore, #tpu.memory_space<semaphore_mem>>) src(%arg9 : memref<128x128xf32, #tpu.memory_space<vmem>>) dst(%dma_wait3A_80 : memref<128x128xf32, #tpu.memory_space<vmem_shared>>)
      tpu.yield
    }) : () -> ()
    %add3A_19 = arith.constant 512 : i32
    %add3A_20 = arith.addi %mul3A_10, %add3A_19 : i32
    "tpu.region"() ({
      %run_scoped3A = tpu.sem_alloc : memref<!tpu.dma_semaphore, #tpu.memory_space<semaphore_mem>>
      %dma_start3A_74 = arith.constant 0 : i32
      %dma_start3A_75 = tpu.memref_slice %arg11[%add3A_20, %dma_start3A_74] : memref<10240x128xf32, #tpu.memory_space<vmem_shared>> -> memref<128x128xf32, #tpu.memory_space<vmem_shared>>
      %dma_start3A_76 = arith.constant 0 : i32
      %dma_start3A_77 = tpu.memref_slice %arg11[%add3A_20, %dma_start3A_76] : memref<10240x128xf32, #tpu.memory_space<vmem_shared>> -> memref<128x128xf32, #tpu.memory_space<vmem_shared>>
      tpu.enqueue_dma source(%arg9 : memref<128x128xf32, #tpu.memory_space<vmem>>) target(%dma_start3A_77 : memref<128x128xf32, #tpu.memory_space<vmem_shared>>) target_semaphore(%run_scoped3A : memref<!tpu.dma_semaphore, #tpu.memory_space<semaphore_mem>>)
      %dma_wait3A = arith.constant 0 : i32
      %dma_wait3A_78 = tpu.memref_slice %arg11[%add3A_20, %dma_wait3A] : memref<10240x128xf32, #tpu.memory_space<vmem_shared>> -> memref<128x128xf32, #tpu.memory_space<vmem_shared>>
      %dma_wait3A_79 = arith.constant 0 : i32
      %dma_wait3A_80 = tpu.memref_slice %arg11[%add3A_20, %dma_wait3A_79] : memref<10240x128xf32, #tpu.memory_space<vmem_shared>> -> memref<128x128xf32, #tpu.memory_space<vmem_shared>>
      tpu.wait_dma2 semaphore(%run_scoped3A : memref<!tpu.dma_semaphore, #tpu.memory_space<semaphore_mem>>) src(%arg9 : memref<128x128xf32, #tpu.memory_space<vmem>>) dst(%dma_wait3A_80 : memref<128x128xf32, #tpu.memory_space<vmem_shared>>)
      tpu.yield
    }) : () -> ()
    %barrier3A = arith.constant 0 : index
    tpu.barrier barrier_id(%barrier3A)
    %dma_start3A = arith.constant 0 : i32
    %dma_start3A_21 = arith.constant 0 : i32
    %dma_start3A_22 = tpu.memref_slice %arg7[%dma_start3A, %dma_start3A_21] : memref<40x128xi32, #tpu.memory_space<vmem>> -> memref<1x128xi32, #tpu.memory_space<vmem>>
    %dma_start3A_23 = tpu.memref_squeeze %dma_start3A_22 : memref<1x128xi32, #tpu.memory_space<vmem>> -> memref<128xi32, #tpu.memory_space<vmem>>
    %dma_start3A_24 = arith.constant 0 : i32
    %dma_start3A_25 = arith.constant 0 : i32
    %dma_start3A_26 = tpu.memref_slice %arg2[%dma_start3A_24, %dma_start3A_25] : memref<10000x128xf32, #tpu.memory_space<hbm>> -> memref<10000x128xf32, #tpu.memory_space<hbm>>
    tpu.enqueue_indirect_dma source(%dma_start3A_26 : memref<10000x128xf32, #tpu.memory_space<hbm>>) target(%arg9 : memref<128x128xf32, #tpu.memory_space<vmem>>) offsets(%dma_start3A_23 : memref<128xi32, #tpu.memory_space<vmem>>) semaphore(%arg12 : memref<!tpu.dma_semaphore, #tpu.memory_space<semaphore_mem>>)
    %scan3A = arith.constant 0 : i32
    %scan3A_27 = arith.constant 0 : i32
    %scan3A_28 = arith.constant 20 : i32
    %scan3A_29 = arith.addi %scan3A_27, %scan3A_28 : i32
    %scan3A_30 = arith.constant 1 : i32
    scf.for %scan3A_74 = %scan3A_27 to %scan3A_29 step %scan3A_30  : i32 {
      %mul3A_75 = arith.constant 2 : i32
      %mul3A_76 = arith.muli %mul3A_75, %scan3A_74 : i32
      %add3A_77 = arith.constant 1 : i32
      %add3A_78 = arith.addi %mul3A_76, %add3A_77 : i32
      %dma_start3A_79 = arith.constant 0 : i32
      %dma_start3A_80 = tpu.memref_slice %arg7[%add3A_78, %dma_start3A_79] : memref<40x128xi32, #tpu.memory_space<vmem>> -> memref<1x128xi32, #tpu.memory_space<vmem>>
      %dma_start3A_81 = tpu.memref_squeeze %dma_start3A_80 : memref<1x128xi32, #tpu.memory_space<vmem>> -> memref<128xi32, #tpu.memory_space<vmem>>
      %dma_start3A_82 = arith.constant 0 : i32
      %dma_start3A_83 = arith.constant 0 : i32
      %dma_start3A_84 = tpu.memref_slice %arg2[%dma_start3A_82, %dma_start3A_83] : memref<10000x128xf32, #tpu.memory_space<hbm>> -> memref<10000x128xf32, #tpu.memory_space<hbm>>
      tpu.enqueue_indirect_dma source(%dma_start3A_84 : memref<10000x128xf32, #tpu.memory_space<hbm>>) target(%arg10 : memref<128x128xf32, #tpu.memory_space<vmem>>) offsets(%dma_start3A_81 : memref<128xi32, #tpu.memory_space<vmem>>) semaphore(%arg13 : memref<!tpu.dma_semaphore, #tpu.memory_space<semaphore_mem>>)
      %dma_wait3A = arith.constant 0 : i32
      %dma_wait3A_85 = tpu.memref_slice %arg7[%mul3A_76, %dma_wait3A] : memref<40x128xi32, #tpu.memory_space<vmem>> -> memref<1x128xi32, #tpu.memory_space<vmem>>
      %dma_wait3A_86 = tpu.memref_squeeze %dma_wait3A_85 : memref<1x128xi32, #tpu.memory_space<vmem>> -> memref<128xi32, #tpu.memory_space<vmem>>
      %dma_wait3A_87 = arith.constant 0 : i32
      %dma_wait3A_88 = arith.constant 0 : i32
      %dma_wait3A_89 = tpu.memref_slice %arg2[%dma_wait3A_87, %dma_wait3A_88] : memref<10000x128xf32, #tpu.memory_space<hbm>> -> memref<10000x128xf32, #tpu.memory_space<hbm>>
      tpu.wait_indirect_dma semaphore(%arg12 : memref<!tpu.dma_semaphore, #tpu.memory_space<semaphore_mem>>) src(%dma_wait3A_89 : memref<10000x128xf32, #tpu.memory_space<hbm>>) dst(%arg9 : memref<128x128xf32, #tpu.memory_space<vmem>>)
      "tpu.region"() ({
        %run_scoped3A = tpu.sem_alloc : memref<!tpu.dma_semaphore, #tpu.memory_space<semaphore_mem>>
        %dma_start3A_104 = arith.constant 0 : i32
        %dma_start3A_105 = tpu.memref_slice %arg8[%mul3A_76, %dma_start3A_104] : memref<40x128xi32, #tpu.memory_space<vmem>> -> memref<1x128xi32, #tpu.memory_space<vmem>>
        %dma_start3A_106 = tpu.memref_squeeze %dma_start3A_105 : memref<1x128xi32, #tpu.memory_space<vmem>> -> memref<128xi32, #tpu.memory_space<vmem>>
        %dma_start3A_107 = arith.constant 0 : i32
        %dma_start3A_108 = arith.constant 0 : i32
        %dma_start3A_109 = tpu.memref_slice %arg11[%dma_start3A_107, %dma_start3A_108] : memref<10240x128xf32, #tpu.memory_space<vmem_shared>> -> memref<10240x128xf32, #tpu.memory_space<vmem_shared>>
        tpu.enqueue_indirect_dma source(%arg9 : memref<128x128xf32, #tpu.memory_space<vmem>>) target(%dma_start3A_109 : memref<10240x128xf32, #tpu.memory_space<vmem_shared>>) offsets(%dma_start3A_106 : memref<128xi32, #tpu.memory_space<vmem>>) semaphore(%run_scoped3A : memref<!tpu.dma_semaphore, #tpu.memory_space<semaphore_mem>>) {add = true}
        %dma_wait3A_110 = arith.constant 0 : i32
        %dma_wait3A_111 = tpu.memref_slice %arg8[%mul3A_76, %dma_wait3A_110] : memref<40x128xi32, #tpu.memory_space<vmem>> -> memref<1x128xi32, #tpu.memory_space<vmem>>
        %dma_wait3A_112 = tpu.memref_squeeze %dma_wait3A_111 : memref<1x128xi32, #tpu.memory_space<vmem>> -> memref<128xi32, #tpu.memory_space<vmem>>
        %dma_wait3A_113 = arith.constant 0 : i32
        %dma_wait3A_114 = arith.constant 0 : i32
        %dma_wait3A_115 = tpu.memref_slice %arg11[%dma_wait3A_113, %dma_wait3A_114] : memref<10240x128xf32, #tpu.memory_space<vmem_shared>> -> memref<10240x128xf32, #tpu.memory_space<vmem_shared>>
        tpu.wait_indirect_dma semaphore(%run_scoped3A : memref<!tpu.dma_semaphore, #tpu.memory_space<semaphore_mem>>) src(%arg9 : memref<128x128xf32, #tpu.memory_space<vmem>>) dst(%dma_wait3A_115 : memref<10240x128xf32, #tpu.memory_space<vmem_shared>>)
        tpu.yield
      }) : () -> ()
      %add3A_90 = arith.constant 2 : i32
      %add3A_91 = arith.addi %mul3A_76, %add3A_90 : i32
      %lt3A = arith.constant 40 : i32
      %lt3A_92 = arith.cmpi slt, %add3A_91, %lt3A : i32
      %convert_element_type3A = arith.extui %lt3A_92 : i1 to i32
      %cond3A = arith.constant 0 : i32
      %cond3A_93 = arith.cmpi ne, %convert_element_type3A, %cond3A : i32
      scf.if %cond3A_93 {
        %add3A_104 = arith.constant 2 : i32
        %add3A_105 = arith.addi %mul3A_76, %add3A_104 : i32
        %dma_start3A_106 = arith.constant 0 : i32
        %dma_start3A_107 = tpu.memref_slice %arg7[%add3A_105, %dma_start3A_106] : memref<40x128xi32, #tpu.memory_space<vmem>> -> memref<1x128xi32, #tpu.memory_space<vmem>>
        %dma_start3A_108 = tpu.memref_squeeze %dma_start3A_107 : memref<1x128xi32, #tpu.memory_space<vmem>> -> memref<128xi32, #tpu.memory_space<vmem>>
        %dma_start3A_109 = arith.constant 0 : i32
        %dma_start3A_110 = arith.constant 0 : i32
        %dma_start3A_111 = tpu.memref_slice %arg2[%dma_start3A_109, %dma_start3A_110] : memref<10000x128xf32, #tpu.memory_space<hbm>> -> memref<10000x128xf32, #tpu.memory_space<hbm>>
        tpu.enqueue_indirect_dma source(%dma_start3A_111 : memref<10000x128xf32, #tpu.memory_space<hbm>>) target(%arg9 : memref<128x128xf32, #tpu.memory_space<vmem>>) offsets(%dma_start3A_108 : memref<128xi32, #tpu.memory_space<vmem>>) semaphore(%arg12 : memref<!tpu.dma_semaphore, #tpu.memory_space<semaphore_mem>>)
      } else {
      }
      %add3A_94 = arith.constant 1 : i32
      %add3A_95 = arith.addi %mul3A_76, %add3A_94 : i32
      %dma_wait3A_96 = arith.constant 0 : i32
      %dma_wait3A_97 = tpu.memref_slice %arg7[%add3A_95, %dma_wait3A_96] : memref<40x128xi32, #tpu.memory_space<vmem>> -> memref<1x128xi32, #tpu.memory_space<vmem>>
      %dma_wait3A_98 = tpu.memref_squeeze %dma_wait3A_97 : memref<1x128xi32, #tpu.memory_space<vmem>> -> memref<128xi32, #tpu.memory_space<vmem>>
      %dma_wait3A_99 = arith.constant 0 : i32
      %dma_wait3A_100 = arith.constant 0 : i32
      %dma_wait3A_101 = tpu.memref_slice %arg2[%dma_wait3A_99, %dma_wait3A_100] : memref<10000x128xf32, #tpu.memory_space<hbm>> -> memref<10000x128xf32, #tpu.memory_space<hbm>>
      tpu.wait_indirect_dma semaphore(%arg13 : memref<!tpu.dma_semaphore, #tpu.memory_space<semaphore_mem>>) src(%dma_wait3A_101 : memref<10000x128xf32, #tpu.memory_space<hbm>>) dst(%arg10 : memref<128x128xf32, #tpu.memory_space<vmem>>)
      %add3A_102 = arith.constant 1 : i32
      %add3A_103 = arith.addi %mul3A_76, %add3A_102 : i32
      "tpu.region"() ({
        %run_scoped3A = tpu.sem_alloc : memref<!tpu.dma_semaphore, #tpu.memory_space<semaphore_mem>>
        %dma_start3A_104 = arith.constant 0 : i32
        %dma_start3A_105 = tpu.memref_slice %arg8[%add3A_103, %dma_start3A_104] : memref<40x128xi32, #tpu.memory_space<vmem>> -> memref<1x128xi32, #tpu.memory_space<vmem>>
        %dma_start3A_106 = tpu.memref_squeeze %dma_start3A_105 : memref<1x128xi32, #tpu.memory_space<vmem>> -> memref<128xi32, #tpu.memory_space<vmem>>
        %dma_start3A_107 = arith.constant 0 : i32
        %dma_start3A_108 = arith.constant 0 : i32
        %dma_start3A_109 = tpu.memref_slice %arg11[%dma_start3A_107, %dma_start3A_108] : memref<10240x128xf32, #tpu.memory_space<vmem_shared>> -> memref<10240x128xf32, #tpu.memory_space<vmem_shared>>
        tpu.enqueue_indirect_dma source(%arg10 : memref<128x128xf32, #tpu.memory_space<vmem>>) target(%dma_start3A_109 : memref<10240x128xf32, #tpu.memory_space<vmem_shared>>) offsets(%dma_start3A_106 : memref<128xi32, #tpu.memory_space<vmem>>) semaphore(%run_scoped3A : memref<!tpu.dma_semaphore, #tpu.memory_space<semaphore_mem>>) {add = true}
        %dma_wait3A_110 = arith.constant 0 : i32
        %dma_wait3A_111 = tpu.memref_slice %arg8[%add3A_103, %dma_wait3A_110] : memref<40x128xi32, #tpu.memory_space<vmem>> -> memref<1x128xi32, #tpu.memory_space<vmem>>
        %dma_wait3A_112 = tpu.memref_squeeze %dma_wait3A_111 : memref<1x128xi32, #tpu.memory_space<vmem>> -> memref<128xi32, #tpu.memory_space<vmem>>
        %dma_wait3A_113 = arith.constant 0 : i32
        %dma_wait3A_114 = arith.constant 0 : i32
        %dma_wait3A_115 = tpu.memref_slice %arg11[%dma_wait3A_113, %dma_wait3A_114] : memref<10240x128xf32, #tpu.memory_space<vmem_shared>> -> memref<10240x128xf32, #tpu.memory_space<vmem_shared>>
        tpu.wait_indirect_dma semaphore(%run_scoped3A : memref<!tpu.dma_semaphore, #tpu.memory_space<semaphore_mem>>) src(%arg10 : memref<128x128xf32, #tpu.memory_space<vmem>>) dst(%dma_wait3A_115 : memref<10240x128xf32, #tpu.memory_space<vmem_shared>>)
        tpu.yield
      }) : () -> ()
    }
    %scan3A_31 = arith.constant 20 : i32
    %mul3A_32 = arith.constant 80 : i32
    %mul3A_33 = arith.muli %add3A, %mul3A_32 : i32
    %add3A_34 = arith.constant 40 : i32
    %add3A_35 = arith.addi %mul3A_33, %add3A_34 : i32
    "tpu.region"() ({
      %run_scoped3A = tpu.sem_alloc : memref<!tpu.dma_semaphore, #tpu.memory_space<semaphore_mem>>
      %dma_start3A_74 = arith.constant 0 : i32
      %dma_start3A_75 = tpu.memref_slice %arg3[%add3A_35, %dma_start3A_74] : memref<2560x128xi32, #tpu.memory_space<hbm>> -> memref<40x128xi32, #tpu.memory_space<hbm>>
      %dma_start3A_76 = arith.constant 0 : i32
      %dma_start3A_77 = tpu.memref_slice %arg3[%add3A_35, %dma_start3A_76] : memref<2560x128xi32, #tpu.memory_space<hbm>> -> memref<40x128xi32, #tpu.memory_space<hbm>>
      tpu.enqueue_dma source(%dma_start3A_77 : memref<40x128xi32, #tpu.memory_space<hbm>>) target(%arg7 : memref<40x128xi32, #tpu.memory_space<vmem>>) target_semaphore(%run_scoped3A : memref<!tpu.dma_semaphore, #tpu.memory_space<semaphore_mem>>)
      %dma_wait3A = arith.constant 0 : i32
      %dma_wait3A_78 = tpu.memref_slice %arg3[%add3A_35, %dma_wait3A] : memref<2560x128xi32, #tpu.memory_space<hbm>> -> memref<40x128xi32, #tpu.memory_space<hbm>>
      %dma_wait3A_79 = arith.constant 0 : i32
      %dma_wait3A_80 = tpu.memref_slice %arg3[%add3A_35, %dma_wait3A_79] : memref<2560x128xi32, #tpu.memory_space<hbm>> -> memref<40x128xi32, #tpu.memory_space<hbm>>
      tpu.wait_dma2 semaphore(%run_scoped3A : memref<!tpu.dma_semaphore, #tpu.memory_space<semaphore_mem>>) src(%dma_wait3A_80 : memref<40x128xi32, #tpu.memory_space<hbm>>) dst(%arg7 : memref<40x128xi32, #tpu.memory_space<vmem>>)
      tpu.yield
    }) : () -> ()
    %mul3A_36 = arith.constant 80 : i32
    %mul3A_37 = arith.muli %add3A, %mul3A_36 : i32
    %add3A_38 = arith.constant 40 : i32
    %add3A_39 = arith.addi %mul3A_37, %add3A_38 : i32
    "tpu.region"() ({
      %run_scoped3A = tpu.sem_alloc : memref<!tpu.dma_semaphore, #tpu.memory_space<semaphore_mem>>
      %dma_start3A_74 = arith.constant 0 : i32
      %dma_start3A_75 = tpu.memref_slice %arg4[%add3A_39, %dma_start3A_74] : memref<2560x128xi32, #tpu.memory_space<hbm>> -> memref<40x128xi32, #tpu.memory_space<hbm>>
      %dma_start3A_76 = arith.constant 0 : i32
      %dma_start3A_77 = tpu.memref_slice %arg4[%add3A_39, %dma_start3A_76] : memref<2560x128xi32, #tpu.memory_space<hbm>> -> memref<40x128xi32, #tpu.memory_space<hbm>>
      tpu.enqueue_dma source(%dma_start3A_77 : memref<40x128xi32, #tpu.memory_space<hbm>>) target(%arg8 : memref<40x128xi32, #tpu.memory_space<vmem>>) target_semaphore(%run_scoped3A : memref<!tpu.dma_semaphore, #tpu.memory_space<semaphore_mem>>)
      %dma_wait3A = arith.constant 0 : i32
      %dma_wait3A_78 = tpu.memref_slice %arg4[%add3A_39, %dma_wait3A] : memref<2560x128xi32, #tpu.memory_space<hbm>> -> memref<40x128xi32, #tpu.memory_space<hbm>>
      %dma_wait3A_79 = arith.constant 0 : i32
      %dma_wait3A_80 = tpu.memref_slice %arg4[%add3A_39, %dma_wait3A_79] : memref<2560x128xi32, #tpu.memory_space<hbm>> -> memref<40x128xi32, #tpu.memory_space<hbm>>
      tpu.wait_dma2 semaphore(%run_scoped3A : memref<!tpu.dma_semaphore, #tpu.memory_space<semaphore_mem>>) src(%dma_wait3A_80 : memref<40x128xi32, #tpu.memory_space<hbm>>) dst(%arg8 : memref<40x128xi32, #tpu.memory_space<vmem>>)
      tpu.yield
    }) : () -> ()
    %dma_start3A_40 = arith.constant 0 : i32
    %dma_start3A_41 = arith.constant 0 : i32
    %dma_start3A_42 = tpu.memref_slice %arg7[%dma_start3A_40, %dma_start3A_41] : memref<40x128xi32, #tpu.memory_space<vmem>> -> memref<1x128xi32, #tpu.memory_space<vmem>>
    %dma_start3A_43 = tpu.memref_squeeze %dma_start3A_42 : memref<1x128xi32, #tpu.memory_space<vmem>> -> memref<128xi32, #tpu.memory_space<vmem>>
    %dma_start3A_44 = arith.constant 0 : i32
    %dma_start3A_45 = arith.constant 0 : i32
    %dma_start3A_46 = tpu.memref_slice %arg2[%dma_start3A_44, %dma_start3A_45] : memref<10000x128xf32, #tpu.memory_space<hbm>> -> memref<10000x128xf32, #tpu.memory_space<hbm>>
    tpu.enqueue_indirect_dma source(%dma_start3A_46 : memref<10000x128xf32, #tpu.memory_space<hbm>>) target(%arg9 : memref<128x128xf32, #tpu.memory_space<vmem>>) offsets(%dma_start3A_43 : memref<128xi32, #tpu.memory_space<vmem>>) semaphore(%arg12 : memref<!tpu.dma_semaphore, #tpu.memory_space<semaphore_mem>>)
    %scan3A_47 = arith.constant 0 : i32
    %scan3A_48 = arith.constant 0 : i32
    %scan3A_49 = arith.constant 20 : i32
    %scan3A_50 = arith.addi %scan3A_48, %scan3A_49 : i32
    %scan3A_51 = arith.constant 1 : i32
    scf.for %scan3A_74 = %scan3A_48 to %scan3A_50 step %scan3A_51  : i32 {
      %mul3A_75 = arith.constant 2 : i32
      %mul3A_76 = arith.muli %mul3A_75, %scan3A_74 : i32
      %add3A_77 = arith.constant 1 : i32
      %add3A_78 = arith.addi %mul3A_76, %add3A_77 : i32
      %dma_start3A_79 = arith.constant 0 : i32
      %dma_start3A_80 = tpu.memref_slice %arg7[%add3A_78, %dma_start3A_79] : memref<40x128xi32, #tpu.memory_space<vmem>> -> memref<1x128xi32, #tpu.memory_space<vmem>>
      %dma_start3A_81 = tpu.memref_squeeze %dma_start3A_80 : memref<1x128xi32, #tpu.memory_space<vmem>> -> memref<128xi32, #tpu.memory_space<vmem>>
      %dma_start3A_82 = arith.constant 0 : i32
      %dma_start3A_83 = arith.constant 0 : i32
      %dma_start3A_84 = tpu.memref_slice %arg2[%dma_start3A_82, %dma_start3A_83] : memref<10000x128xf32, #tpu.memory_space<hbm>> -> memref<10000x128xf32, #tpu.memory_space<hbm>>
      tpu.enqueue_indirect_dma source(%dma_start3A_84 : memref<10000x128xf32, #tpu.memory_space<hbm>>) target(%arg10 : memref<128x128xf32, #tpu.memory_space<vmem>>) offsets(%dma_start3A_81 : memref<128xi32, #tpu.memory_space<vmem>>) semaphore(%arg13 : memref<!tpu.dma_semaphore, #tpu.memory_space<semaphore_mem>>)
      %dma_wait3A = arith.constant 0 : i32
      %dma_wait3A_85 = tpu.memref_slice %arg7[%mul3A_76, %dma_wait3A] : memref<40x128xi32, #tpu.memory_space<vmem>> -> memref<1x128xi32, #tpu.memory_space<vmem>>
      %dma_wait3A_86 = tpu.memref_squeeze %dma_wait3A_85 : memref<1x128xi32, #tpu.memory_space<vmem>> -> memref<128xi32, #tpu.memory_space<vmem>>
      %dma_wait3A_87 = arith.constant 0 : i32
      %dma_wait3A_88 = arith.constant 0 : i32
      %dma_wait3A_89 = tpu.memref_slice %arg2[%dma_wait3A_87, %dma_wait3A_88] : memref<10000x128xf32, #tpu.memory_space<hbm>> -> memref<10000x128xf32, #tpu.memory_space<hbm>>
      tpu.wait_indirect_dma semaphore(%arg12 : memref<!tpu.dma_semaphore, #tpu.memory_space<semaphore_mem>>) src(%dma_wait3A_89 : memref<10000x128xf32, #tpu.memory_space<hbm>>) dst(%arg9 : memref<128x128xf32, #tpu.memory_space<vmem>>)
      "tpu.region"() ({
        %run_scoped3A = tpu.sem_alloc : memref<!tpu.dma_semaphore, #tpu.memory_space<semaphore_mem>>
        %dma_start3A_104 = arith.constant 0 : i32
        %dma_start3A_105 = tpu.memref_slice %arg8[%mul3A_76, %dma_start3A_104] : memref<40x128xi32, #tpu.memory_space<vmem>> -> memref<1x128xi32, #tpu.memory_space<vmem>>
        %dma_start3A_106 = tpu.memref_squeeze %dma_start3A_105 : memref<1x128xi32, #tpu.memory_space<vmem>> -> memref<128xi32, #tpu.memory_space<vmem>>
        %dma_start3A_107 = arith.constant 0 : i32
        %dma_start3A_108 = arith.constant 0 : i32
        %dma_start3A_109 = tpu.memref_slice %arg11[%dma_start3A_107, %dma_start3A_108] : memref<10240x128xf32, #tpu.memory_space<vmem_shared>> -> memref<10240x128xf32, #tpu.memory_space<vmem_shared>>
        tpu.enqueue_indirect_dma source(%arg9 : memref<128x128xf32, #tpu.memory_space<vmem>>) target(%dma_start3A_109 : memref<10240x128xf32, #tpu.memory_space<vmem_shared>>) offsets(%dma_start3A_106 : memref<128xi32, #tpu.memory_space<vmem>>) semaphore(%run_scoped3A : memref<!tpu.dma_semaphore, #tpu.memory_space<semaphore_mem>>) {add = true}
        %dma_wait3A_110 = arith.constant 0 : i32
        %dma_wait3A_111 = tpu.memref_slice %arg8[%mul3A_76, %dma_wait3A_110] : memref<40x128xi32, #tpu.memory_space<vmem>> -> memref<1x128xi32, #tpu.memory_space<vmem>>
        %dma_wait3A_112 = tpu.memref_squeeze %dma_wait3A_111 : memref<1x128xi32, #tpu.memory_space<vmem>> -> memref<128xi32, #tpu.memory_space<vmem>>
        %dma_wait3A_113 = arith.constant 0 : i32
        %dma_wait3A_114 = arith.constant 0 : i32
        %dma_wait3A_115 = tpu.memref_slice %arg11[%dma_wait3A_113, %dma_wait3A_114] : memref<10240x128xf32, #tpu.memory_space<vmem_shared>> -> memref<10240x128xf32, #tpu.memory_space<vmem_shared>>
        tpu.wait_indirect_dma semaphore(%run_scoped3A : memref<!tpu.dma_semaphore, #tpu.memory_space<semaphore_mem>>) src(%arg9 : memref<128x128xf32, #tpu.memory_space<vmem>>) dst(%dma_wait3A_115 : memref<10240x128xf32, #tpu.memory_space<vmem_shared>>)
        tpu.yield
      }) : () -> ()
      %add3A_90 = arith.constant 2 : i32
      %add3A_91 = arith.addi %mul3A_76, %add3A_90 : i32
      %lt3A = arith.constant 40 : i32
      %lt3A_92 = arith.cmpi slt, %add3A_91, %lt3A : i32
      %convert_element_type3A = arith.extui %lt3A_92 : i1 to i32
      %cond3A = arith.constant 0 : i32
      %cond3A_93 = arith.cmpi ne, %convert_element_type3A, %cond3A : i32
      scf.if %cond3A_93 {
        %add3A_104 = arith.constant 2 : i32
        %add3A_105 = arith.addi %mul3A_76, %add3A_104 : i32
        %dma_start3A_106 = arith.constant 0 : i32
        %dma_start3A_107 = tpu.memref_slice %arg7[%add3A_105, %dma_start3A_106] : memref<40x128xi32, #tpu.memory_space<vmem>> -> memref<1x128xi32, #tpu.memory_space<vmem>>
        %dma_start3A_108 = tpu.memref_squeeze %dma_start3A_107 : memref<1x128xi32, #tpu.memory_space<vmem>> -> memref<128xi32, #tpu.memory_space<vmem>>
        %dma_start3A_109 = arith.constant 0 : i32
        %dma_start3A_110 = arith.constant 0 : i32
        %dma_start3A_111 = tpu.memref_slice %arg2[%dma_start3A_109, %dma_start3A_110] : memref<10000x128xf32, #tpu.memory_space<hbm>> -> memref<10000x128xf32, #tpu.memory_space<hbm>>
        tpu.enqueue_indirect_dma source(%dma_start3A_111 : memref<10000x128xf32, #tpu.memory_space<hbm>>) target(%arg9 : memref<128x128xf32, #tpu.memory_space<vmem>>) offsets(%dma_start3A_108 : memref<128xi32, #tpu.memory_space<vmem>>) semaphore(%arg12 : memref<!tpu.dma_semaphore, #tpu.memory_space<semaphore_mem>>)
      } else {
      }
      %add3A_94 = arith.constant 1 : i32
      %add3A_95 = arith.addi %mul3A_76, %add3A_94 : i32
      %dma_wait3A_96 = arith.constant 0 : i32
      %dma_wait3A_97 = tpu.memref_slice %arg7[%add3A_95, %dma_wait3A_96] : memref<40x128xi32, #tpu.memory_space<vmem>> -> memref<1x128xi32, #tpu.memory_space<vmem>>
      %dma_wait3A_98 = tpu.memref_squeeze %dma_wait3A_97 : memref<1x128xi32, #tpu.memory_space<vmem>> -> memref<128xi32, #tpu.memory_space<vmem>>
      %dma_wait3A_99 = arith.constant 0 : i32
      %dma_wait3A_100 = arith.constant 0 : i32
      %dma_wait3A_101 = tpu.memref_slice %arg2[%dma_wait3A_99, %dma_wait3A_100] : memref<10000x128xf32, #tpu.memory_space<hbm>> -> memref<10000x128xf32, #tpu.memory_space<hbm>>
      tpu.wait_indirect_dma semaphore(%arg13 : memref<!tpu.dma_semaphore, #tpu.memory_space<semaphore_mem>>) src(%dma_wait3A_101 : memref<10000x128xf32, #tpu.memory_space<hbm>>) dst(%arg10 : memref<128x128xf32, #tpu.memory_space<vmem>>)
      %add3A_102 = arith.constant 1 : i32
      %add3A_103 = arith.addi %mul3A_76, %add3A_102 : i32
      "tpu.region"() ({
        %run_scoped3A = tpu.sem_alloc : memref<!tpu.dma_semaphore, #tpu.memory_space<semaphore_mem>>
        %dma_start3A_104 = arith.constant 0 : i32
        %dma_start3A_105 = tpu.memref_slice %arg8[%add3A_103, %dma_start3A_104] : memref<40x128xi32, #tpu.memory_space<vmem>> -> memref<1x128xi32, #tpu.memory_space<vmem>>
        %dma_start3A_106 = tpu.memref_squeeze %dma_start3A_105 : memref<1x128xi32, #tpu.memory_space<vmem>> -> memref<128xi32, #tpu.memory_space<vmem>>
        %dma_start3A_107 = arith.constant 0 : i32
        %dma_start3A_108 = arith.constant 0 : i32
        %dma_start3A_109 = tpu.memref_slice %arg11[%dma_start3A_107, %dma_start3A_108] : memref<10240x128xf32, #tpu.memory_space<vmem_shared>> -> memref<10240x128xf32, #tpu.memory_space<vmem_shared>>
        tpu.enqueue_indirect_dma source(%arg10 : memref<128x128xf32, #tpu.memory_space<vmem>>) target(%dma_start3A_109 : memref<10240x128xf32, #tpu.memory_space<vmem_shared>>) offsets(%dma_start3A_106 : memref<128xi32, #tpu.memory_space<vmem>>) semaphore(%run_scoped3A : memref<!tpu.dma_semaphore, #tpu.memory_space<semaphore_mem>>) {add = true}
        %dma_wait3A_110 = arith.constant 0 : i32
        %dma_wait3A_111 = tpu.memref_slice %arg8[%add3A_103, %dma_wait3A_110] : memref<40x128xi32, #tpu.memory_space<vmem>> -> memref<1x128xi32, #tpu.memory_space<vmem>>
        %dma_wait3A_112 = tpu.memref_squeeze %dma_wait3A_111 : memref<1x128xi32, #tpu.memory_space<vmem>> -> memref<128xi32, #tpu.memory_space<vmem>>
        %dma_wait3A_113 = arith.constant 0 : i32
        %dma_wait3A_114 = arith.constant 0 : i32
        %dma_wait3A_115 = tpu.memref_slice %arg11[%dma_wait3A_113, %dma_wait3A_114] : memref<10240x128xf32, #tpu.memory_space<vmem_shared>> -> memref<10240x128xf32, #tpu.memory_space<vmem_shared>>
        tpu.wait_indirect_dma semaphore(%run_scoped3A : memref<!tpu.dma_semaphore, #tpu.memory_space<semaphore_mem>>) src(%arg10 : memref<128x128xf32, #tpu.memory_space<vmem>>) dst(%dma_wait3A_115 : memref<10240x128xf32, #tpu.memory_space<vmem_shared>>)
        tpu.yield
      }) : () -> ()
    }
    %scan3A_52 = arith.constant 20 : i32
    %barrier3A_53 = arith.constant 0 : index
    tpu.barrier barrier_id(%barrier3A_53)
    %add3A_54 = arith.constant 0 : i32
    %add3A_55 = arith.addi %mul3A_10, %add3A_54 : i32
    "tpu.region"() ({
      %run_scoped3A = tpu.sem_alloc : memref<!tpu.dma_semaphore, #tpu.memory_space<semaphore_mem>>
      %dma_start3A_74 = arith.constant 0 : i32
      %dma_start3A_75 = tpu.memref_slice %arg11[%add3A_55, %dma_start3A_74] : memref<10240x128xf32, #tpu.memory_space<vmem_shared>> -> memref<128x128xf32, #tpu.memory_space<vmem_shared>>
      %dma_start3A_76 = arith.constant 0 : i32
      %dma_start3A_77 = tpu.memref_slice %arg11[%add3A_55, %dma_start3A_76] : memref<10240x128xf32, #tpu.memory_space<vmem_shared>> -> memref<128x128xf32, #tpu.memory_space<vmem_shared>>
      tpu.enqueue_dma source(%dma_start3A_77 : memref<128x128xf32, #tpu.memory_space<vmem_shared>>) target(%arg9 : memref<128x128xf32, #tpu.memory_space<vmem>>) target_semaphore(%run_scoped3A : memref<!tpu.dma_semaphore, #tpu.memory_space<semaphore_mem>>)
      %dma_wait3A = arith.constant 0 : i32
      %dma_wait3A_78 = tpu.memref_slice %arg11[%add3A_55, %dma_wait3A] : memref<10240x128xf32, #tpu.memory_space<vmem_shared>> -> memref<128x128xf32, #tpu.memory_space<vmem_shared>>
      %dma_wait3A_79 = arith.constant 0 : i32
      %dma_wait3A_80 = tpu.memref_slice %arg11[%add3A_55, %dma_wait3A_79] : memref<10240x128xf32, #tpu.memory_space<vmem_shared>> -> memref<128x128xf32, #tpu.memory_space<vmem_shared>>
      tpu.wait_dma2 semaphore(%run_scoped3A : memref<!tpu.dma_semaphore, #tpu.memory_space<semaphore_mem>>) src(%dma_wait3A_80 : memref<128x128xf32, #tpu.memory_space<vmem_shared>>) dst(%arg9 : memref<128x128xf32, #tpu.memory_space<vmem>>)
      tpu.yield
    }) : () -> ()
    %add3A_56 = arith.constant 0 : i32
    %add3A_57 = arith.addi %mul3A_10, %add3A_56 : i32
    "tpu.region"() ({
      %run_scoped3A = tpu.sem_alloc : memref<!tpu.dma_semaphore, #tpu.memory_space<semaphore_mem>>
      %dma_start3A_74 = arith.constant 0 : i32
      %dma_start3A_75 = arith.constant 0 : i32
      %dma_start3A_76 = tpu.memref_slice %arg6[%arg0, %dma_start3A_74, %dma_start3A_75] : memref<2x10240x128xf32, #tpu.memory_space<hbm>> -> memref<1x10240x128xf32, #tpu.memory_space<hbm>>
      %dma_start3A_77 = tpu.memref_squeeze %dma_start3A_76 : memref<1x10240x128xf32, #tpu.memory_space<hbm>> -> memref<10240x128xf32, #tpu.memory_space<hbm>>
      %dma_start3A_78 = arith.constant 0 : i32
      %dma_start3A_79 = tpu.memref_slice %dma_start3A_77[%add3A_57, %dma_start3A_78] : memref<10240x128xf32, #tpu.memory_space<hbm>> -> memref<128x128xf32, #tpu.memory_space<hbm>>
      %dma_start3A_80 = arith.constant 0 : i32
      %dma_start3A_81 = arith.constant 0 : i32
      %dma_start3A_82 = tpu.memref_slice %arg6[%arg0, %dma_start3A_80, %dma_start3A_81] : memref<2x10240x128xf32, #tpu.memory_space<hbm>> -> memref<1x10240x128xf32, #tpu.memory_space<hbm>>
      %dma_start3A_83 = tpu.memref_squeeze %dma_start3A_82 : memref<1x10240x128xf32, #tpu.memory_space<hbm>> -> memref<10240x128xf32, #tpu.memory_space<hbm>>
      %dma_start3A_84 = arith.constant 0 : i32
      %dma_start3A_85 = tpu.memref_slice %dma_start3A_83[%add3A_57, %dma_start3A_84] : memref<10240x128xf32, #tpu.memory_space<hbm>> -> memref<128x128xf32, #tpu.memory_space<hbm>>
      tpu.enqueue_dma source(%arg9 : memref<128x128xf32, #tpu.memory_space<vmem>>) target(%dma_start3A_85 : memref<128x128xf32, #tpu.memory_space<hbm>>) target_semaphore(%run_scoped3A : memref<!tpu.dma_semaphore, #tpu.memory_space<semaphore_mem>>)
      %dma_wait3A = arith.constant 0 : i32
      %dma_wait3A_86 = arith.constant 0 : i32
      %dma_wait3A_87 = tpu.memref_slice %arg6[%arg0, %dma_wait3A, %dma_wait3A_86] : memref<2x10240x128xf32, #tpu.memory_space<hbm>> -> memref<1x10240x128xf32, #tpu.memory_space<hbm>>
      %dma_wait3A_88 = tpu.memref_squeeze %dma_wait3A_87 : memref<1x10240x128xf32, #tpu.memory_space<hbm>> -> memref<10240x128xf32, #tpu.memory_space<hbm>>
      %dma_wait3A_89 = arith.constant 0 : i32
      %dma_wait3A_90 = tpu.memref_slice %dma_wait3A_88[%add3A_57, %dma_wait3A_89] : memref<10240x128xf32, #tpu.memory_space<hbm>> -> memref<128x128xf32, #tpu.memory_space<hbm>>
      %dma_wait3A_91 = arith.constant 0 : i32
      %dma_wait3A_92 = arith.constant 0 : i32
      %dma_wait3A_93 = tpu.memref_slice %arg6[%arg0, %dma_wait3A_91, %dma_wait3A_92] : memref<2x10240x128xf32, #tpu.memory_space<hbm>> -> memref<1x10240x128xf32, #tpu.memory_space<hbm>>
      %dma_wait3A_94 = tpu.memref_squeeze %dma_wait3A_93 : memref<1x10240x128xf32, #tpu.memory_space<hbm>> -> memref<10240x128xf32, #tpu.memory_space<hbm>>
      %dma_wait3A_95 = arith.constant 0 : i32
      %dma_wait3A_96 = tpu.memref_slice %dma_wait3A_94[%add3A_57, %dma_wait3A_95] : memref<10240x128xf32, #tpu.memory_space<hbm>> -> memref<128x128xf32, #tpu.memory_space<hbm>>
      tpu.wait_dma2 semaphore(%run_scoped3A : memref<!tpu.dma_semaphore, #tpu.memory_space<semaphore_mem>>) src(%arg9 : memref<128x128xf32, #tpu.memory_space<vmem>>) dst(%dma_wait3A_96 : memref<128x128xf32, #tpu.memory_space<hbm>>)
      tpu.yield
    }) : () -> ()
    %add3A_58 = arith.constant 128 : i32
    %add3A_59 = arith.addi %mul3A_10, %add3A_58 : i32
    "tpu.region"() ({
      %run_scoped3A = tpu.sem_alloc : memref<!tpu.dma_semaphore, #tpu.memory_space<semaphore_mem>>
      %dma_start3A_74 = arith.constant 0 : i32
      %dma_start3A_75 = tpu.memref_slice %arg11[%add3A_59, %dma_start3A_74] : memref<10240x128xf32, #tpu.memory_space<vmem_shared>> -> memref<128x128xf32, #tpu.memory_space<vmem_shared>>
      %dma_start3A_76 = arith.constant 0 : i32
      %dma_start3A_77 = tpu.memref_slice %arg11[%add3A_59, %dma_start3A_76] : memref<10240x128xf32, #tpu.memory_space<vmem_shared>> -> memref<128x128xf32, #tpu.memory_space<vmem_shared>>
      tpu.enqueue_dma source(%dma_start3A_77 : memref<128x128xf32, #tpu.memory_space<vmem_shared>>) target(%arg9 : memref<128x128xf32, #tpu.memory_space<vmem>>) target_semaphore(%run_scoped3A : memref<!tpu.dma_semaphore, #tpu.memory_space<semaphore_mem>>)
      %dma_wait3A = arith.constant 0 : i32
      %dma_wait3A_78 = tpu.memref_slice %arg11[%add3A_59, %dma_wait3A] : memref<10240x128xf32, #tpu.memory_space<vmem_shared>> -> memref<128x128xf32, #tpu.memory_space<vmem_shared>>
      %dma_wait3A_79 = arith.constant 0 : i32
      %dma_wait3A_80 = tpu.memref_slice %arg11[%add3A_59, %dma_wait3A_79] : memref<10240x128xf32, #tpu.memory_space<vmem_shared>> -> memref<128x128xf32, #tpu.memory_space<vmem_shared>>
      tpu.wait_dma2 semaphore(%run_scoped3A : memref<!tpu.dma_semaphore, #tpu.memory_space<semaphore_mem>>) src(%dma_wait3A_80 : memref<128x128xf32, #tpu.memory_space<vmem_shared>>) dst(%arg9 : memref<128x128xf32, #tpu.memory_space<vmem>>)
      tpu.yield
    }) : () -> ()
    %add3A_60 = arith.constant 128 : i32
    %add3A_61 = arith.addi %mul3A_10, %add3A_60 : i32
    "tpu.region"() ({
      %run_scoped3A = tpu.sem_alloc : memref<!tpu.dma_semaphore, #tpu.memory_space<semaphore_mem>>
      %dma_start3A_74 = arith.constant 0 : i32
      %dma_start3A_75 = arith.constant 0 : i32
      %dma_start3A_76 = tpu.memref_slice %arg6[%arg0, %dma_start3A_74, %dma_start3A_75] : memref<2x10240x128xf32, #tpu.memory_space<hbm>> -> memref<1x10240x128xf32, #tpu.memory_space<hbm>>
      %dma_start3A_77 = tpu.memref_squeeze %dma_start3A_76 : memref<1x10240x128xf32, #tpu.memory_space<hbm>> -> memref<10240x128xf32, #tpu.memory_space<hbm>>
      %dma_start3A_78 = arith.constant 0 : i32
      %dma_start3A_79 = tpu.memref_slice %dma_start3A_77[%add3A_61, %dma_start3A_78] : memref<10240x128xf32, #tpu.memory_space<hbm>> -> memref<128x128xf32, #tpu.memory_space<hbm>>
      %dma_start3A_80 = arith.constant 0 : i32
      %dma_start3A_81 = arith.constant 0 : i32
      %dma_start3A_82 = tpu.memref_slice %arg6[%arg0, %dma_start3A_80, %dma_start3A_81] : memref<2x10240x128xf32, #tpu.memory_space<hbm>> -> memref<1x10240x128xf32, #tpu.memory_space<hbm>>
      %dma_start3A_83 = tpu.memref_squeeze %dma_start3A_82 : memref<1x10240x128xf32, #tpu.memory_space<hbm>> -> memref<10240x128xf32, #tpu.memory_space<hbm>>
      %dma_start3A_84 = arith.constant 0 : i32
      %dma_start3A_85 = tpu.memref_slice %dma_start3A_83[%add3A_61, %dma_start3A_84] : memref<10240x128xf32, #tpu.memory_space<hbm>> -> memref<128x128xf32, #tpu.memory_space<hbm>>
      tpu.enqueue_dma source(%arg9 : memref<128x128xf32, #tpu.memory_space<vmem>>) target(%dma_start3A_85 : memref<128x128xf32, #tpu.memory_space<hbm>>) target_semaphore(%run_scoped3A : memref<!tpu.dma_semaphore, #tpu.memory_space<semaphore_mem>>)
      %dma_wait3A = arith.constant 0 : i32
      %dma_wait3A_86 = arith.constant 0 : i32
      %dma_wait3A_87 = tpu.memref_slice %arg6[%arg0, %dma_wait3A, %dma_wait3A_86] : memref<2x10240x128xf32, #tpu.memory_space<hbm>> -> memref<1x10240x128xf32, #tpu.memory_space<hbm>>
      %dma_wait3A_88 = tpu.memref_squeeze %dma_wait3A_87 : memref<1x10240x128xf32, #tpu.memory_space<hbm>> -> memref<10240x128xf32, #tpu.memory_space<hbm>>
      %dma_wait3A_89 = arith.constant 0 : i32
      %dma_wait3A_90 = tpu.memref_slice %dma_wait3A_88[%add3A_61, %dma_wait3A_89] : memref<10240x128xf32, #tpu.memory_space<hbm>> -> memref<128x128xf32, #tpu.memory_space<hbm>>
      %dma_wait3A_91 = arith.constant 0 : i32
      %dma_wait3A_92 = arith.constant 0 : i32
      %dma_wait3A_93 = tpu.memref_slice %arg6[%arg0, %dma_wait3A_91, %dma_wait3A_92] : memref<2x10240x128xf32, #tpu.memory_space<hbm>> -> memref<1x10240x128xf32, #tpu.memory_space<hbm>>
      %dma_wait3A_94 = tpu.memref_squeeze %dma_wait3A_93 : memref<1x10240x128xf32, #tpu.memory_space<hbm>> -> memref<10240x128xf32, #tpu.memory_space<hbm>>
      %dma_wait3A_95 = arith.constant 0 : i32
      %dma_wait3A_96 = tpu.memref_slice %dma_wait3A_94[%add3A_61, %dma_wait3A_95] : memref<10240x128xf32, #tpu.memory_space<hbm>> -> memref<128x128xf32, #tpu.memory_space<hbm>>
      tpu.wait_dma2 semaphore(%run_scoped3A : memref<!tpu.dma_semaphore, #tpu.memory_space<semaphore_mem>>) src(%arg9 : memref<128x128xf32, #tpu.memory_space<vmem>>) dst(%dma_wait3A_96 : memref<128x128xf32, #tpu.memory_space<hbm>>)
      tpu.yield
    }) : () -> ()
    %add3A_62 = arith.constant 256 : i32
    %add3A_63 = arith.addi %mul3A_10, %add3A_62 : i32
    "tpu.region"() ({
      %run_scoped3A = tpu.sem_alloc : memref<!tpu.dma_semaphore, #tpu.memory_space<semaphore_mem>>
      %dma_start3A_74 = arith.constant 0 : i32
      %dma_start3A_75 = tpu.memref_slice %arg11[%add3A_63, %dma_start3A_74] : memref<10240x128xf32, #tpu.memory_space<vmem_shared>> -> memref<128x128xf32, #tpu.memory_space<vmem_shared>>
      %dma_start3A_76 = arith.constant 0 : i32
      %dma_start3A_77 = tpu.memref_slice %arg11[%add3A_63, %dma_start3A_76] : memref<10240x128xf32, #tpu.memory_space<vmem_shared>> -> memref<128x128xf32, #tpu.memory_space<vmem_shared>>
      tpu.enqueue_dma source(%dma_start3A_77 : memref<128x128xf32, #tpu.memory_space<vmem_shared>>) target(%arg9 : memref<128x128xf32, #tpu.memory_space<vmem>>) target_semaphore(%run_scoped3A : memref<!tpu.dma_semaphore, #tpu.memory_space<semaphore_mem>>)
      %dma_wait3A = arith.constant 0 : i32
      %dma_wait3A_78 = tpu.memref_slice %arg11[%add3A_63, %dma_wait3A] : memref<10240x128xf32, #tpu.memory_space<vmem_shared>> -> memref<128x128xf32, #tpu.memory_space<vmem_shared>>
      %dma_wait3A_79 = arith.constant 0 : i32
      %dma_wait3A_80 = tpu.memref_slice %arg11[%add3A_63, %dma_wait3A_79] : memref<10240x128xf32, #tpu.memory_space<vmem_shared>> -> memref<128x128xf32, #tpu.memory_space<vmem_shared>>
      tpu.wait_dma2 semaphore(%run_scoped3A : memref<!tpu.dma_semaphore, #tpu.memory_space<semaphore_mem>>) src(%dma_wait3A_80 : memref<128x128xf32, #tpu.memory_space<vmem_shared>>) dst(%arg9 : memref<128x128xf32, #tpu.memory_space<vmem>>)
      tpu.yield
    }) : () -> ()
    %add3A_64 = arith.constant 256 : i32
    %add3A_65 = arith.addi %mul3A_10, %add3A_64 : i32
    "tpu.region"() ({
      %run_scoped3A = tpu.sem_alloc : memref<!tpu.dma_semaphore, #tpu.memory_space<semaphore_mem>>
      %dma_start3A_74 = arith.constant 0 : i32
      %dma_start3A_75 = arith.constant 0 : i32
      %dma_start3A_76 = tpu.memref_slice %arg6[%arg0, %dma_start3A_74, %dma_start3A_75] : memref<2x10240x128xf32, #tpu.memory_space<hbm>> -> memref<1x10240x128xf32, #tpu.memory_space<hbm>>
      %dma_start3A_77 = tpu.memref_squeeze %dma_start3A_76 : memref<1x10240x128xf32, #tpu.memory_space<hbm>> -> memref<10240x128xf32, #tpu.memory_space<hbm>>
      %dma_start3A_78 = arith.constant 0 : i32
      %dma_start3A_79 = tpu.memref_slice %dma_start3A_77[%add3A_65, %dma_start3A_78] : memref<10240x128xf32, #tpu.memory_space<hbm>> -> memref<128x128xf32, #tpu.memory_space<hbm>>
      %dma_start3A_80 = arith.constant 0 : i32
      %dma_start3A_81 = arith.constant 0 : i32
      %dma_start3A_82 = tpu.memref_slice %arg6[%arg0, %dma_start3A_80, %dma_start3A_81] : memref<2x10240x128xf32, #tpu.memory_space<hbm>> -> memref<1x10240x128xf32, #tpu.memory_space<hbm>>
      %dma_start3A_83 = tpu.memref_squeeze %dma_start3A_82 : memref<1x10240x128xf32, #tpu.memory_space<hbm>> -> memref<10240x128xf32, #tpu.memory_space<hbm>>
      %dma_start3A_84 = arith.constant 0 : i32
      %dma_start3A_85 = tpu.memref_slice %dma_start3A_83[%add3A_65, %dma_start3A_84] : memref<10240x128xf32, #tpu.memory_space<hbm>> -> memref<128x128xf32, #tpu.memory_space<hbm>>
      tpu.enqueue_dma source(%arg9 : memref<128x128xf32, #tpu.memory_space<vmem>>) target(%dma_start3A_85 : memref<128x128xf32, #tpu.memory_space<hbm>>) target_semaphore(%run_scoped3A : memref<!tpu.dma_semaphore, #tpu.memory_space<semaphore_mem>>)
      %dma_wait3A = arith.constant 0 : i32
      %dma_wait3A_86 = arith.constant 0 : i32
      %dma_wait3A_87 = tpu.memref_slice %arg6[%arg0, %dma_wait3A, %dma_wait3A_86] : memref<2x10240x128xf32, #tpu.memory_space<hbm>> -> memref<1x10240x128xf32, #tpu.memory_space<hbm>>
      %dma_wait3A_88 = tpu.memref_squeeze %dma_wait3A_87 : memref<1x10240x128xf32, #tpu.memory_space<hbm>> -> memref<10240x128xf32, #tpu.memory_space<hbm>>
      %dma_wait3A_89 = arith.constant 0 : i32
      %dma_wait3A_90 = tpu.memref_slice %dma_wait3A_88[%add3A_65, %dma_wait3A_89] : memref<10240x128xf32, #tpu.memory_space<hbm>> -> memref<128x128xf32, #tpu.memory_space<hbm>>
      %dma_wait3A_91 = arith.constant 0 : i32
      %dma_wait3A_92 = arith.constant 0 : i32
      %dma_wait3A_93 = tpu.memref_slice %arg6[%arg0, %dma_wait3A_91, %dma_wait3A_92] : memref<2x10240x128xf32, #tpu.memory_space<hbm>> -> memref<1x10240x128xf32, #tpu.memory_space<hbm>>
      %dma_wait3A_94 = tpu.memref_squeeze %dma_wait3A_93 : memref<1x10240x128xf32, #tpu.memory_space<hbm>> -> memref<10240x128xf32, #tpu.memory_space<hbm>>
      %dma_wait3A_95 = arith.constant 0 : i32
      %dma_wait3A_96 = tpu.memref_slice %dma_wait3A_94[%add3A_65, %dma_wait3A_95] : memref<10240x128xf32, #tpu.memory_space<hbm>> -> memref<128x128xf32, #tpu.memory_space<hbm>>
      tpu.wait_dma2 semaphore(%run_scoped3A : memref<!tpu.dma_semaphore, #tpu.memory_space<semaphore_mem>>) src(%arg9 : memref<128x128xf32, #tpu.memory_space<vmem>>) dst(%dma_wait3A_96 : memref<128x128xf32, #tpu.memory_space<hbm>>)
      tpu.yield
    }) : () -> ()
    %add3A_66 = arith.constant 384 : i32
    %add3A_67 = arith.addi %mul3A_10, %add3A_66 : i32
    "tpu.region"() ({
      %run_scoped3A = tpu.sem_alloc : memref<!tpu.dma_semaphore, #tpu.memory_space<semaphore_mem>>
      %dma_start3A_74 = arith.constant 0 : i32
      %dma_start3A_75 = tpu.memref_slice %arg11[%add3A_67, %dma_start3A_74] : memref<10240x128xf32, #tpu.memory_space<vmem_shared>> -> memref<128x128xf32, #tpu.memory_space<vmem_shared>>
      %dma_start3A_76 = arith.constant 0 : i32
      %dma_start3A_77 = tpu.memref_slice %arg11[%add3A_67, %dma_start3A_76] : memref<10240x128xf32, #tpu.memory_space<vmem_shared>> -> memref<128x128xf32, #tpu.memory_space<vmem_shared>>
      tpu.enqueue_dma source(%dma_start3A_77 : memref<128x128xf32, #tpu.memory_space<vmem_shared>>) target(%arg9 : memref<128x128xf32, #tpu.memory_space<vmem>>) target_semaphore(%run_scoped3A : memref<!tpu.dma_semaphore, #tpu.memory_space<semaphore_mem>>)
      %dma_wait3A = arith.constant 0 : i32
      %dma_wait3A_78 = tpu.memref_slice %arg11[%add3A_67, %dma_wait3A] : memref<10240x128xf32, #tpu.memory_space<vmem_shared>> -> memref<128x128xf32, #tpu.memory_space<vmem_shared>>
      %dma_wait3A_79 = arith.constant 0 : i32
      %dma_wait3A_80 = tpu.memref_slice %arg11[%add3A_67, %dma_wait3A_79] : memref<10240x128xf32, #tpu.memory_space<vmem_shared>> -> memref<128x128xf32, #tpu.memory_space<vmem_shared>>
      tpu.wait_dma2 semaphore(%run_scoped3A : memref<!tpu.dma_semaphore, #tpu.memory_space<semaphore_mem>>) src(%dma_wait3A_80 : memref<128x128xf32, #tpu.memory_space<vmem_shared>>) dst(%arg9 : memref<128x128xf32, #tpu.memory_space<vmem>>)
      tpu.yield
    }) : () -> ()
    %add3A_68 = arith.constant 384 : i32
    %add3A_69 = arith.addi %mul3A_10, %add3A_68 : i32
    "tpu.region"() ({
      %run_scoped3A = tpu.sem_alloc : memref<!tpu.dma_semaphore, #tpu.memory_space<semaphore_mem>>
      %dma_start3A_74 = arith.constant 0 : i32
      %dma_start3A_75 = arith.constant 0 : i32
      %dma_start3A_76 = tpu.memref_slice %arg6[%arg0, %dma_start3A_74, %dma_start3A_75] : memref<2x10240x128xf32, #tpu.memory_space<hbm>> -> memref<1x10240x128xf32, #tpu.memory_space<hbm>>
      %dma_start3A_77 = tpu.memref_squeeze %dma_start3A_76 : memref<1x10240x128xf32, #tpu.memory_space<hbm>> -> memref<10240x128xf32, #tpu.memory_space<hbm>>
      %dma_start3A_78 = arith.constant 0 : i32
      %dma_start3A_79 = tpu.memref_slice %dma_start3A_77[%add3A_69, %dma_start3A_78] : memref<10240x128xf32, #tpu.memory_space<hbm>> -> memref<128x128xf32, #tpu.memory_space<hbm>>
      %dma_start3A_80 = arith.constant 0 : i32
      %dma_start3A_81 = arith.constant 0 : i32
      %dma_start3A_82 = tpu.memref_slice %arg6[%arg0, %dma_start3A_80, %dma_start3A_81] : memref<2x10240x128xf32, #tpu.memory_space<hbm>> -> memref<1x10240x128xf32, #tpu.memory_space<hbm>>
      %dma_start3A_83 = tpu.memref_squeeze %dma_start3A_82 : memref<1x10240x128xf32, #tpu.memory_space<hbm>> -> memref<10240x128xf32, #tpu.memory_space<hbm>>
      %dma_start3A_84 = arith.constant 0 : i32
      %dma_start3A_85 = tpu.memref_slice %dma_start3A_83[%add3A_69, %dma_start3A_84] : memref<10240x128xf32, #tpu.memory_space<hbm>> -> memref<128x128xf32, #tpu.memory_space<hbm>>
      tpu.enqueue_dma source(%arg9 : memref<128x128xf32, #tpu.memory_space<vmem>>) target(%dma_start3A_85 : memref<128x128xf32, #tpu.memory_space<hbm>>) target_semaphore(%run_scoped3A : memref<!tpu.dma_semaphore, #tpu.memory_space<semaphore_mem>>)
      %dma_wait3A = arith.constant 0 : i32
      %dma_wait3A_86 = arith.constant 0 : i32
      %dma_wait3A_87 = tpu.memref_slice %arg6[%arg0, %dma_wait3A, %dma_wait3A_86] : memref<2x10240x128xf32, #tpu.memory_space<hbm>> -> memref<1x10240x128xf32, #tpu.memory_space<hbm>>
      %dma_wait3A_88 = tpu.memref_squeeze %dma_wait3A_87 : memref<1x10240x128xf32, #tpu.memory_space<hbm>> -> memref<10240x128xf32, #tpu.memory_space<hbm>>
      %dma_wait3A_89 = arith.constant 0 : i32
      %dma_wait3A_90 = tpu.memref_slice %dma_wait3A_88[%add3A_69, %dma_wait3A_89] : memref<10240x128xf32, #tpu.memory_space<hbm>> -> memref<128x128xf32, #tpu.memory_space<hbm>>
      %dma_wait3A_91 = arith.constant 0 : i32
      %dma_wait3A_92 = arith.constant 0 : i32
      %dma_wait3A_93 = tpu.memref_slice %arg6[%arg0, %dma_wait3A_91, %dma_wait3A_92] : memref<2x10240x128xf32, #tpu.memory_space<hbm>> -> memref<1x10240x128xf32, #tpu.memory_space<hbm>>
      %dma_wait3A_94 = tpu.memref_squeeze %dma_wait3A_93 : memref<1x10240x128xf32, #tpu.memory_space<hbm>> -> memref<10240x128xf32, #tpu.memory_space<hbm>>
      %dma_wait3A_95 = arith.constant 0 : i32
      %dma_wait3A_96 = tpu.memref_slice %dma_wait3A_94[%add3A_69, %dma_wait3A_95] : memref<10240x128xf32, #tpu.memory_space<hbm>> -> memref<128x128xf32, #tpu.memory_space<hbm>>
      tpu.wait_dma2 semaphore(%run_scoped3A : memref<!tpu.dma_semaphore, #tpu.memory_space<semaphore_mem>>) src(%arg9 : memref<128x128xf32, #tpu.memory_space<vmem>>) dst(%dma_wait3A_96 : memref<128x128xf32, #tpu.memory_space<hbm>>)
      tpu.yield
    }) : () -> ()
    %add3A_70 = arith.constant 512 : i32
    %add3A_71 = arith.addi %mul3A_10, %add3A_70 : i32
    "tpu.region"() ({
      %run_scoped3A = tpu.sem_alloc : memref<!tpu.dma_semaphore, #tpu.memory_space<semaphore_mem>>
      %dma_start3A_74 = arith.constant 0 : i32
      %dma_start3A_75 = tpu.memref_slice %arg11[%add3A_71, %dma_start3A_74] : memref<10240x128xf32, #tpu.memory_space<vmem_shared>> -> memref<128x128xf32, #tpu.memory_space<vmem_shared>>
      %dma_start3A_76 = arith.constant 0 : i32
      %dma_start3A_77 = tpu.memref_slice %arg11[%add3A_71, %dma_start3A_76] : memref<10240x128xf32, #tpu.memory_space<vmem_shared>> -> memref<128x128xf32, #tpu.memory_space<vmem_shared>>
      tpu.enqueue_dma source(%dma_start3A_77 : memref<128x128xf32, #tpu.memory_space<vmem_shared>>) target(%arg9 : memref<128x128xf32, #tpu.memory_space<vmem>>) target_semaphore(%run_scoped3A : memref<!tpu.dma_semaphore, #tpu.memory_space<semaphore_mem>>)
      %dma_wait3A = arith.constant 0 : i32
      %dma_wait3A_78 = tpu.memref_slice %arg11[%add3A_71, %dma_wait3A] : memref<10240x128xf32, #tpu.memory_space<vmem_shared>> -> memref<128x128xf32, #tpu.memory_space<vmem_shared>>
      %dma_wait3A_79 = arith.constant 0 : i32
      %dma_wait3A_80 = tpu.memref_slice %arg11[%add3A_71, %dma_wait3A_79] : memref<10240x128xf32, #tpu.memory_space<vmem_shared>> -> memref<128x128xf32, #tpu.memory_space<vmem_shared>>
      tpu.wait_dma2 semaphore(%run_scoped3A : memref<!tpu.dma_semaphore, #tpu.memory_space<semaphore_mem>>) src(%dma_wait3A_80 : memref<128x128xf32, #tpu.memory_space<vmem_shared>>) dst(%arg9 : memref<128x128xf32, #tpu.memory_space<vmem>>)
      tpu.yield
    }) : () -> ()
    %add3A_72 = arith.constant 512 : i32
    %add3A_73 = arith.addi %mul3A_10, %add3A_72 : i32
    "tpu.region"() ({
      %run_scoped3A = tpu.sem_alloc : memref<!tpu.dma_semaphore, #tpu.memory_space<semaphore_mem>>
      %dma_start3A_74 = arith.constant 0 : i32
      %dma_start3A_75 = arith.constant 0 : i32
      %dma_start3A_76 = tpu.memref_slice %arg6[%arg0, %dma_start3A_74, %dma_start3A_75] : memref<2x10240x128xf32, #tpu.memory_space<hbm>> -> memref<1x10240x128xf32, #tpu.memory_space<hbm>>
      %dma_start3A_77 = tpu.memref_squeeze %dma_start3A_76 : memref<1x10240x128xf32, #tpu.memory_space<hbm>> -> memref<10240x128xf32, #tpu.memory_space<hbm>>
      %dma_start3A_78 = arith.constant 0 : i32
      %dma_start3A_79 = tpu.memref_slice %dma_start3A_77[%add3A_73, %dma_start3A_78] : memref<10240x128xf32, #tpu.memory_space<hbm>> -> memref<128x128xf32, #tpu.memory_space<hbm>>
      %dma_start3A_80 = arith.constant 0 : i32
      %dma_start3A_81 = arith.constant 0 : i32
      %dma_start3A_82 = tpu.memref_slice %arg6[%arg0, %dma_start3A_80, %dma_start3A_81] : memref<2x10240x128xf32, #tpu.memory_space<hbm>> -> memref<1x10240x128xf32, #tpu.memory_space<hbm>>
      %dma_start3A_83 = tpu.memref_squeeze %dma_start3A_82 : memref<1x10240x128xf32, #tpu.memory_space<hbm>> -> memref<10240x128xf32, #tpu.memory_space<hbm>>
      %dma_start3A_84 = arith.constant 0 : i32
      %dma_start3A_85 = tpu.memref_slice %dma_start3A_83[%add3A_73, %dma_start3A_84] : memref<10240x128xf32, #tpu.memory_space<hbm>> -> memref<128x128xf32, #tpu.memory_space<hbm>>
      tpu.enqueue_dma source(%arg9 : memref<128x128xf32, #tpu.memory_space<vmem>>) target(%dma_start3A_85 : memref<128x128xf32, #tpu.memory_space<hbm>>) target_semaphore(%run_scoped3A : memref<!tpu.dma_semaphore, #tpu.memory_space<semaphore_mem>>)
      %dma_wait3A = arith.constant 0 : i32
      %dma_wait3A_86 = arith.constant 0 : i32
      %dma_wait3A_87 = tpu.memref_slice %arg6[%arg0, %dma_wait3A, %dma_wait3A_86] : memref<2x10240x128xf32, #tpu.memory_space<hbm>> -> memref<1x10240x128xf32, #tpu.memory_space<hbm>>
      %dma_wait3A_88 = tpu.memref_squeeze %dma_wait3A_87 : memref<1x10240x128xf32, #tpu.memory_space<hbm>> -> memref<10240x128xf32, #tpu.memory_space<hbm>>
      %dma_wait3A_89 = arith.constant 0 : i32
      %dma_wait3A_90 = tpu.memref_slice %dma_wait3A_88[%add3A_73, %dma_wait3A_89] : memref<10240x128xf32, #tpu.memory_space<hbm>> -> memref<128x128xf32, #tpu.memory_space<hbm>>
      %dma_wait3A_91 = arith.constant 0 : i32
      %dma_wait3A_92 = arith.constant 0 : i32
      %dma_wait3A_93 = tpu.memref_slice %arg6[%arg0, %dma_wait3A_91, %dma_wait3A_92] : memref<2x10240x128xf32, #tpu.memory_space<hbm>> -> memref<1x10240x128xf32, #tpu.memory_space<hbm>>
      %dma_wait3A_94 = tpu.memref_squeeze %dma_wait3A_93 : memref<1x10240x128xf32, #tpu.memory_space<hbm>> -> memref<10240x128xf32, #tpu.memory_space<hbm>>
      %dma_wait3A_95 = arith.constant 0 : i32
      %dma_wait3A_96 = tpu.memref_slice %dma_wait3A_94[%add3A_73, %dma_wait3A_95] : memref<10240x128xf32, #tpu.memory_space<hbm>> -> memref<128x128xf32, #tpu.memory_space<hbm>>
      tpu.wait_dma2 semaphore(%run_scoped3A : memref<!tpu.dma_semaphore, #tpu.memory_space<semaphore_mem>>) src(%arg9 : memref<128x128xf32, #tpu.memory_space<vmem>>) dst(%dma_wait3A_96 : memref<128x128xf32, #tpu.memory_space<hbm>>)
      tpu.yield
    }) : () -> ()
    return
  }
}

#map = affine_map<(d0, d1) -> (0, 0)>
#map1 = affine_map<(d0, d1) -> (0, 0, 0)>
module attributes {stable_mosaic.version = 14 : i64} {
  func.func @agg(%arg0: i32, %arg1: i32, %arg2: memref<10000x128xf32, #tpu.memory_space<hbm>>, %arg3: memref<2560x128xi32, #tpu.memory_space<hbm>>, %arg4: memref<2560x128xi32, #tpu.memory_space<hbm>>, %arg5: memref<128x128xf32, #tpu.memory_space<hbm>>, %arg6: memref<2x10240x128xf32, #tpu.memory_space<hbm>>, %arg7: memref<40x128xi32, #tpu.memory_space<vmem>>, %arg8: memref<40x128xi32, #tpu.memory_space<vmem>>, %arg9: memref<128x128xf32, #tpu.memory_space<vmem>>, %arg10: memref<128x128xf32, #tpu.memory_space<vmem>>, %arg11: memref<10240x128xf32, #tpu.memory_space<vmem_shared>>, %arg12: memref<!tpu.dma_semaphore, #tpu.memory_space<semaphore_mem>>, %arg13: memref<!tpu.dma_semaphore, #tpu.memory_space<semaphore_mem>>, %arg14: memref<!tpu.dma_semaphore, #tpu.memory_space<semaphore_mem>>, %arg15: memref<!tpu.dma_semaphore, #tpu.memory_space<semaphore_mem>>) attributes {dimension_semantics = [#tpu.dimension_semantics<core_parallel>, #tpu.dimension_semantics<subcore_parallel>], iteration_bounds = array<i64: 2, 16>, scalar_prefetch = 0 : i64, scratch_operands = 9 : i64, tpu.core_type = #tpu.core_type<sc_vector_subcore>, window_params = [{transform_indices = #map}, {transform_indices = #map}, {transform_indices = #map}, {transform_indices = #map}, {transform_indices = #map1}]} {
    %mul3A = arith.constant 2 : i32
    %mul3A_0 = arith.muli %arg1, %mul3A : i32
    %add3A = arith.addi %mul3A_0, %arg0 : i32
    %mul3A_1 = arith.constant 80 : i32
    %mul3A_2 = arith.muli %add3A, %mul3A_1 : i32
    %add3A_3 = arith.constant 0 : i32
    %add3A_4 = arith.addi %mul3A_2, %add3A_3 : i32
    "tpu.region"() ({
      %run_scoped3A = tpu.sem_alloc : memref<!tpu.dma_semaphore, #tpu.memory_space<semaphore_mem>>
      %dma_start3A_74 = arith.constant 0 : i32
      %dma_start3A_75 = tpu.memref_slice %arg3[%add3A_4, %dma_start3A_74] : memref<2560x128xi32, #tpu.memory_space<hbm>> -> memref<40x128xi32, #tpu.memory_space<hbm>>
      %dma_start3A_76 = arith.constant 0 : i32
      %dma_start3A_77 = tpu.memref_slice %arg3[%add3A_4, %dma_start3A_76] : memref<2560x128xi32, #tpu.memory_space<hbm>> -> memref<40x128xi32, #tpu.memory_space<hbm>>
      tpu.enqueue_dma source(%dma_start3A_77 : memref<40x128xi32, #tpu.memory_space<hbm>>) target(%arg7 : memref<40x128xi32, #tpu.memory_space<vmem>>) target_semaphore(%run_scoped3A : memref<!tpu.dma_semaphore, #tpu.memory_space<semaphore_mem>>)
      %dma_wait3A = arith.constant 0 : i32
      %dma_wait3A_78 = tpu.memref_slice %arg3[%add3A_4, %dma_wait3A] : memref<2560x128xi32, #tpu.memory_space<hbm>> -> memref<40x128xi32, #tpu.memory_space<hbm>>
      %dma_wait3A_79 = arith.constant 0 : i32
      %dma_wait3A_80 = tpu.memref_slice %arg3[%add3A_4, %dma_wait3A_79] : memref<2560x128xi32, #tpu.memory_space<hbm>> -> memref<40x128xi32, #tpu.memory_space<hbm>>
      tpu.wait_dma2 semaphore(%run_scoped3A : memref<!tpu.dma_semaphore, #tpu.memory_space<semaphore_mem>>) src(%dma_wait3A_80 : memref<40x128xi32, #tpu.memory_space<hbm>>) dst(%arg7 : memref<40x128xi32, #tpu.memory_space<vmem>>)
      tpu.yield
    }) : () -> ()
    %mul3A_5 = arith.constant 80 : i32
    %mul3A_6 = arith.muli %add3A, %mul3A_5 : i32
    %add3A_7 = arith.constant 0 : i32
    %add3A_8 = arith.addi %mul3A_6, %add3A_7 : i32
    "tpu.region"() ({
      %run_scoped3A = tpu.sem_alloc : memref<!tpu.dma_semaphore, #tpu.memory_space<semaphore_mem>>
      %dma_start3A_74 = arith.constant 0 : i32
      %dma_start3A_75 = tpu.memref_slice %arg4[%add3A_8, %dma_start3A_74] : memref<2560x128xi32, #tpu.memory_space<hbm>> -> memref<40x128xi32, #tpu.memory_space<hbm>>
      %dma_start3A_76 = arith.constant 0 : i32
      %dma_start3A_77 = tpu.memref_slice %arg4[%add3A_8, %dma_start3A_76] : memref<2560x128xi32, #tpu.memory_space<hbm>> -> memref<40x128xi32, #tpu.memory_space<hbm>>
      tpu.enqueue_dma source(%dma_start3A_77 : memref<40x128xi32, #tpu.memory_space<hbm>>) target(%arg8 : memref<40x128xi32, #tpu.memory_space<vmem>>) target_semaphore(%run_scoped3A : memref<!tpu.dma_semaphore, #tpu.memory_space<semaphore_mem>>)
      %dma_wait3A = arith.constant 0 : i32
      %dma_wait3A_78 = tpu.memref_slice %arg4[%add3A_8, %dma_wait3A] : memref<2560x128xi32, #tpu.memory_space<hbm>> -> memref<40x128xi32, #tpu.memory_space<hbm>>
      %dma_wait3A_79 = arith.constant 0 : i32
      %dma_wait3A_80 = tpu.memref_slice %arg4[%add3A_8, %dma_wait3A_79] : memref<2560x128xi32, #tpu.memory_space<hbm>> -> memref<40x128xi32, #tpu.memory_space<hbm>>
      tpu.wait_dma2 semaphore(%run_scoped3A : memref<!tpu.dma_semaphore, #tpu.memory_space<semaphore_mem>>) src(%dma_wait3A_80 : memref<40x128xi32, #tpu.memory_space<hbm>>) dst(%arg8 : memref<40x128xi32, #tpu.memory_space<vmem>>)
      tpu.yield
    }) : () -> ()
    "tpu.region"() ({
      %run_scoped3A = tpu.sem_alloc : memref<!tpu.dma_semaphore, #tpu.memory_space<semaphore_mem>>
      tpu.enqueue_dma source(%arg5 : memref<128x128xf32, #tpu.memory_space<hbm>>) target(%arg9 : memref<128x128xf32, #tpu.memory_space<vmem>>) target_semaphore(%run_scoped3A : memref<!tpu.dma_semaphore, #tpu.memory_space<semaphore_mem>>)
      tpu.wait_dma2 semaphore(%run_scoped3A : memref<!tpu.dma_semaphore, #tpu.memory_space<semaphore_mem>>) src(%arg5 : memref<128x128xf32, #tpu.memory_space<hbm>>) dst(%arg9 : memref<128x128xf32, #tpu.memory_space<vmem>>)
      tpu.yield
    }) : () -> ()
    %mul3A_9 = arith.constant 640 : i32
    %mul3A_10 = arith.muli %arg1, %mul3A_9 : i32
    %add3A_11 = arith.constant 0 : i32
    %add3A_12 = arith.addi %mul3A_10, %add3A_11 : i32
    "tpu.region"() ({
      %run_scoped3A = tpu.sem_alloc : memref<!tpu.dma_semaphore, #tpu.memory_space<semaphore_mem>>
      %dma_start3A_74 = arith.constant 0 : i32
      %dma_start3A_75 = tpu.memref_slice %arg11[%add3A_12, %dma_start3A_74] : memref<10240x128xf32, #tpu.memory_space<vmem_shared>> -> memref<128x128xf32, #tpu.memory_space<vmem_shared>>
      %dma_start3A_76 = arith.constant 0 : i32
      %dma_start3A_77 = tpu.memref_slice %arg11[%add3A_12, %dma_start3A_76] : memref<10240x128xf32, #tpu.memory_space<vmem_shared>> -> memref<128x128xf32, #tpu.memory_space<vmem_shared>>
      tpu.enqueue_dma source(%arg9 : memref<128x128xf32, #tpu.memory_space<vmem>>) target(%dma_start3A_77 : memref<128x128xf32, #tpu.memory_space<vmem_shared>>) target_semaphore(%run_scoped3A : memref<!tpu.dma_semaphore, #tpu.memory_space<semaphore_mem>>)
      %dma_wait3A = arith.constant 0 : i32
      %dma_wait3A_78 = tpu.memref_slice %arg11[%add3A_12, %dma_wait3A] : memref<10240x128xf32, #tpu.memory_space<vmem_shared>> -> memref<128x128xf32, #tpu.memory_space<vmem_shared>>
      %dma_wait3A_79 = arith.constant 0 : i32
      %dma_wait3A_80 = tpu.memref_slice %arg11[%add3A_12, %dma_wait3A_79] : memref<10240x128xf32, #tpu.memory_space<vmem_shared>> -> memref<128x128xf32, #tpu.memory_space<vmem_shared>>
      tpu.wait_dma2 semaphore(%run_scoped3A : memref<!tpu.dma_semaphore, #tpu.memory_space<semaphore_mem>>) src(%arg9 : memref<128x128xf32, #tpu.memory_space<vmem>>) dst(%dma_wait3A_80 : memref<128x128xf32, #tpu.memory_space<vmem_shared>>)
      tpu.yield
    }) : () -> ()
    %add3A_13 = arith.constant 128 : i32
    %add3A_14 = arith.addi %mul3A_10, %add3A_13 : i32
    "tpu.region"() ({
      %run_scoped3A = tpu.sem_alloc : memref<!tpu.dma_semaphore, #tpu.memory_space<semaphore_mem>>
      %dma_start3A_74 = arith.constant 0 : i32
      %dma_start3A_75 = tpu.memref_slice %arg11[%add3A_14, %dma_start3A_74] : memref<10240x128xf32, #tpu.memory_space<vmem_shared>> -> memref<128x128xf32, #tpu.memory_space<vmem_shared>>
      %dma_start3A_76 = arith.constant 0 : i32
      %dma_start3A_77 = tpu.memref_slice %arg11[%add3A_14, %dma_start3A_76] : memref<10240x128xf32, #tpu.memory_space<vmem_shared>> -> memref<128x128xf32, #tpu.memory_space<vmem_shared>>
      tpu.enqueue_dma source(%arg9 : memref<128x128xf32, #tpu.memory_space<vmem>>) target(%dma_start3A_77 : memref<128x128xf32, #tpu.memory_space<vmem_shared>>) target_semaphore(%run_scoped3A : memref<!tpu.dma_semaphore, #tpu.memory_space<semaphore_mem>>)
      %dma_wait3A = arith.constant 0 : i32
      %dma_wait3A_78 = tpu.memref_slice %arg11[%add3A_14, %dma_wait3A] : memref<10240x128xf32, #tpu.memory_space<vmem_shared>> -> memref<128x128xf32, #tpu.memory_space<vmem_shared>>
      %dma_wait3A_79 = arith.constant 0 : i32
      %dma_wait3A_80 = tpu.memref_slice %arg11[%add3A_14, %dma_wait3A_79] : memref<10240x128xf32, #tpu.memory_space<vmem_shared>> -> memref<128x128xf32, #tpu.memory_space<vmem_shared>>
      tpu.wait_dma2 semaphore(%run_scoped3A : memref<!tpu.dma_semaphore, #tpu.memory_space<semaphore_mem>>) src(%arg9 : memref<128x128xf32, #tpu.memory_space<vmem>>) dst(%dma_wait3A_80 : memref<128x128xf32, #tpu.memory_space<vmem_shared>>)
      tpu.yield
    }) : () -> ()
    %add3A_15 = arith.constant 256 : i32
    %add3A_16 = arith.addi %mul3A_10, %add3A_15 : i32
    "tpu.region"() ({
      %run_scoped3A = tpu.sem_alloc : memref<!tpu.dma_semaphore, #tpu.memory_space<semaphore_mem>>
      %dma_start3A_74 = arith.constant 0 : i32
      %dma_start3A_75 = tpu.memref_slice %arg11[%add3A_16, %dma_start3A_74] : memref<10240x128xf32, #tpu.memory_space<vmem_shared>> -> memref<128x128xf32, #tpu.memory_space<vmem_shared>>
      %dma_start3A_76 = arith.constant 0 : i32
      %dma_start3A_77 = tpu.memref_slice %arg11[%add3A_16, %dma_start3A_76] : memref<10240x128xf32, #tpu.memory_space<vmem_shared>> -> memref<128x128xf32, #tpu.memory_space<vmem_shared>>
      tpu.enqueue_dma source(%arg9 : memref<128x128xf32, #tpu.memory_space<vmem>>) target(%dma_start3A_77 : memref<128x128xf32, #tpu.memory_space<vmem_shared>>) target_semaphore(%run_scoped3A : memref<!tpu.dma_semaphore, #tpu.memory_space<semaphore_mem>>)
      %dma_wait3A = arith.constant 0 : i32
      %dma_wait3A_78 = tpu.memref_slice %arg11[%add3A_16, %dma_wait3A] : memref<10240x128xf32, #tpu.memory_space<vmem_shared>> -> memref<128x128xf32, #tpu.memory_space<vmem_shared>>
      %dma_wait3A_79 = arith.constant 0 : i32
      %dma_wait3A_80 = tpu.memref_slice %arg11[%add3A_16, %dma_wait3A_79] : memref<10240x128xf32, #tpu.memory_space<vmem_shared>> -> memref<128x128xf32, #tpu.memory_space<vmem_shared>>
      tpu.wait_dma2 semaphore(%run_scoped3A : memref<!tpu.dma_semaphore, #tpu.memory_space<semaphore_mem>>) src(%arg9 : memref<128x128xf32, #tpu.memory_space<vmem>>) dst(%dma_wait3A_80 : memref<128x128xf32, #tpu.memory_space<vmem_shared>>)
      tpu.yield
    }) : () -> ()
    %add3A_17 = arith.constant 384 : i32
    %add3A_18 = arith.addi %mul3A_10, %add3A_17 : i32
    "tpu.region"() ({
      %run_scoped3A = tpu.sem_alloc : memref<!tpu.dma_semaphore, #tpu.memory_space<semaphore_mem>>
      %dma_start3A_74 = arith.constant 0 : i32
      %dma_start3A_75 = tpu.memref_slice %arg11[%add3A_18, %dma_start3A_74] : memref<10240x128xf32, #tpu.memory_space<vmem_shared>> -> memref<128x128xf32, #tpu.memory_space<vmem_shared>>
      %dma_start3A_76 = arith.constant 0 : i32
      %dma_start3A_77 = tpu.memref_slice %arg11[%add3A_18, %dma_start3A_76] : memref<10240x128xf32, #tpu.memory_space<vmem_shared>> -> memref<128x128xf32, #tpu.memory_space<vmem_shared>>
      tpu.enqueue_dma source(%arg9 : memref<128x128xf32, #tpu.memory_space<vmem>>) target(%dma_start3A_77 : memref<128x128xf32, #tpu.memory_space<vmem_shared>>) target_semaphore(%run_scoped3A : memref<!tpu.dma_semaphore, #tpu.memory_space<semaphore_mem>>)
      %dma_wait3A = arith.constant 0 : i32
      %dma_wait3A_78 = tpu.memref_slice %arg11[%add3A_18, %dma_wait3A] : memref<10240x128xf32, #tpu.memory_space<vmem_shared>> -> memref<128x128xf32, #tpu.memory_space<vmem_shared>>
      %dma_wait3A_79 = arith.constant 0 : i32
      %dma_wait3A_80 = tpu.memref_slice %arg11[%add3A_18, %dma_wait3A_79] : memref<10240x128xf32, #tpu.memory_space<vmem_shared>> -> memref<128x128xf32, #tpu.memory_space<vmem_shared>>
      tpu.wait_dma2 semaphore(%run_scoped3A : memref<!tpu.dma_semaphore, #tpu.memory_space<semaphore_mem>>) src(%arg9 : memref<128x128xf32, #tpu.memory_space<vmem>>) dst(%dma_wait3A_80 : memref<128x128xf32, #tpu.memory_space<vmem_shared>>)
      tpu.yield
    }) : () -> ()
    %add3A_19 = arith.constant 512 : i32
    %add3A_20 = arith.addi %mul3A_10, %add3A_19 : i32
    "tpu.region"() ({
      %run_scoped3A = tpu.sem_alloc : memref<!tpu.dma_semaphore, #tpu.memory_space<semaphore_mem>>
      %dma_start3A_74 = arith.constant 0 : i32
      %dma_start3A_75 = tpu.memref_slice %arg11[%add3A_20, %dma_start3A_74] : memref<10240x128xf32, #tpu.memory_space<vmem_shared>> -> memref<128x128xf32, #tpu.memory_space<vmem_shared>>
      %dma_start3A_76 = arith.constant 0 : i32
      %dma_start3A_77 = tpu.memref_slice %arg11[%add3A_20, %dma_start3A_76] : memref<10240x128xf32, #tpu.memory_space<vmem_shared>> -> memref<128x128xf32, #tpu.memory_space<vmem_shared>>
      tpu.enqueue_dma source(%arg9 : memref<128x128xf32, #tpu.memory_space<vmem>>) target(%dma_start3A_77 : memref<128x128xf32, #tpu.memory_space<vmem_shared>>) target_semaphore(%run_scoped3A : memref<!tpu.dma_semaphore, #tpu.memory_space<semaphore_mem>>)
      %dma_wait3A = arith.constant 0 : i32
      %dma_wait3A_78 = tpu.memref_slice %arg11[%add3A_20, %dma_wait3A] : memref<10240x128xf32, #tpu.memory_space<vmem_shared>> -> memref<128x128xf32, #tpu.memory_space<vmem_shared>>
      %dma_wait3A_79 = arith.constant 0 : i32
      %dma_wait3A_80 = tpu.memref_slice %arg11[%add3A_20, %dma_wait3A_79] : memref<10240x128xf32, #tpu.memory_space<vmem_shared>> -> memref<128x128xf32, #tpu.memory_space<vmem_shared>>
      tpu.wait_dma2 semaphore(%run_scoped3A : memref<!tpu.dma_semaphore, #tpu.memory_space<semaphore_mem>>) src(%arg9 : memref<128x128xf32, #tpu.memory_space<vmem>>) dst(%dma_wait3A_80 : memref<128x128xf32, #tpu.memory_space<vmem_shared>>)
      tpu.yield
    }) : () -> ()
    %barrier3A = arith.constant 0 : index
    tpu.barrier barrier_id(%barrier3A)
    %dma_start3A = arith.constant 0 : i32
    %dma_start3A_21 = arith.constant 0 : i32
    %dma_start3A_22 = tpu.memref_slice %arg7[%dma_start3A, %dma_start3A_21] : memref<40x128xi32, #tpu.memory_space<vmem>> -> memref<1x128xi32, #tpu.memory_space<vmem>>
    %dma_start3A_23 = tpu.memref_squeeze %dma_start3A_22 : memref<1x128xi32, #tpu.memory_space<vmem>> -> memref<128xi32, #tpu.memory_space<vmem>>
    %dma_start3A_24 = arith.constant 0 : i32
    %dma_start3A_25 = arith.constant 0 : i32
    %dma_start3A_26 = tpu.memref_slice %arg2[%dma_start3A_24, %dma_start3A_25] : memref<10000x128xf32, #tpu.memory_space<hbm>> -> memref<10000x128xf32, #tpu.memory_space<hbm>>
    tpu.enqueue_indirect_dma source(%dma_start3A_26 : memref<10000x128xf32, #tpu.memory_space<hbm>>) target(%arg9 : memref<128x128xf32, #tpu.memory_space<vmem>>) offsets(%dma_start3A_23 : memref<128xi32, #tpu.memory_space<vmem>>) semaphore(%arg12 : memref<!tpu.dma_semaphore, #tpu.memory_space<semaphore_mem>>)
    %scan3A = arith.constant 0 : i32
    %scan3A_27 = arith.constant 0 : i32
    %scan3A_28 = arith.constant 20 : i32
    %scan3A_29 = arith.addi %scan3A_27, %scan3A_28 : i32
    %scan3A_30 = arith.constant 1 : i32
    scf.for %scan3A_74 = %scan3A_27 to %scan3A_29 step %scan3A_30  : i32 {
      %mul3A_75 = arith.constant 2 : i32
      %mul3A_76 = arith.muli %mul3A_75, %scan3A_74 : i32
      %add3A_77 = arith.constant 1 : i32
      %add3A_78 = arith.addi %mul3A_76, %add3A_77 : i32
      %dma_start3A_79 = arith.constant 0 : i32
      %dma_start3A_80 = tpu.memref_slice %arg7[%add3A_78, %dma_start3A_79] : memref<40x128xi32, #tpu.memory_space<vmem>> -> memref<1x128xi32, #tpu.memory_space<vmem>>
      %dma_start3A_81 = tpu.memref_squeeze %dma_start3A_80 : memref<1x128xi32, #tpu.memory_space<vmem>> -> memref<128xi32, #tpu.memory_space<vmem>>
      %dma_start3A_82 = arith.constant 0 : i32
      %dma_start3A_83 = arith.constant 0 : i32
      %dma_start3A_84 = tpu.memref_slice %arg2[%dma_start3A_82, %dma_start3A_83] : memref<10000x128xf32, #tpu.memory_space<hbm>> -> memref<10000x128xf32, #tpu.memory_space<hbm>>
      tpu.enqueue_indirect_dma source(%dma_start3A_84 : memref<10000x128xf32, #tpu.memory_space<hbm>>) target(%arg10 : memref<128x128xf32, #tpu.memory_space<vmem>>) offsets(%dma_start3A_81 : memref<128xi32, #tpu.memory_space<vmem>>) semaphore(%arg13 : memref<!tpu.dma_semaphore, #tpu.memory_space<semaphore_mem>>)
      %dma_wait3A = arith.constant 0 : i32
      %dma_wait3A_85 = tpu.memref_slice %arg7[%mul3A_76, %dma_wait3A] : memref<40x128xi32, #tpu.memory_space<vmem>> -> memref<1x128xi32, #tpu.memory_space<vmem>>
      %dma_wait3A_86 = tpu.memref_squeeze %dma_wait3A_85 : memref<1x128xi32, #tpu.memory_space<vmem>> -> memref<128xi32, #tpu.memory_space<vmem>>
      %dma_wait3A_87 = arith.constant 0 : i32
      %dma_wait3A_88 = arith.constant 0 : i32
      %dma_wait3A_89 = tpu.memref_slice %arg2[%dma_wait3A_87, %dma_wait3A_88] : memref<10000x128xf32, #tpu.memory_space<hbm>> -> memref<10000x128xf32, #tpu.memory_space<hbm>>
      tpu.wait_indirect_dma semaphore(%arg12 : memref<!tpu.dma_semaphore, #tpu.memory_space<semaphore_mem>>) src(%dma_wait3A_89 : memref<10000x128xf32, #tpu.memory_space<hbm>>) dst(%arg9 : memref<128x128xf32, #tpu.memory_space<vmem>>)
      "tpu.region"() ({
        %run_scoped3A = tpu.sem_alloc : memref<!tpu.dma_semaphore, #tpu.memory_space<semaphore_mem>>
        %dma_start3A_104 = arith.constant 0 : i32
        %dma_start3A_105 = tpu.memref_slice %arg8[%mul3A_76, %dma_start3A_104] : memref<40x128xi32, #tpu.memory_space<vmem>> -> memref<1x128xi32, #tpu.memory_space<vmem>>
        %dma_start3A_106 = tpu.memref_squeeze %dma_start3A_105 : memref<1x128xi32, #tpu.memory_space<vmem>> -> memref<128xi32, #tpu.memory_space<vmem>>
        %dma_start3A_107 = arith.constant 0 : i32
        %dma_start3A_108 = arith.constant 0 : i32
        %dma_start3A_109 = tpu.memref_slice %arg11[%dma_start3A_107, %dma_start3A_108] : memref<10240x128xf32, #tpu.memory_space<vmem_shared>> -> memref<10240x128xf32, #tpu.memory_space<vmem_shared>>
        tpu.enqueue_indirect_dma source(%arg9 : memref<128x128xf32, #tpu.memory_space<vmem>>) target(%dma_start3A_109 : memref<10240x128xf32, #tpu.memory_space<vmem_shared>>) offsets(%dma_start3A_106 : memref<128xi32, #tpu.memory_space<vmem>>) semaphore(%run_scoped3A : memref<!tpu.dma_semaphore, #tpu.memory_space<semaphore_mem>>) {add = true}
        %dma_wait3A_110 = arith.constant 0 : i32
        %dma_wait3A_111 = tpu.memref_slice %arg8[%mul3A_76, %dma_wait3A_110] : memref<40x128xi32, #tpu.memory_space<vmem>> -> memref<1x128xi32, #tpu.memory_space<vmem>>
        %dma_wait3A_112 = tpu.memref_squeeze %dma_wait3A_111 : memref<1x128xi32, #tpu.memory_space<vmem>> -> memref<128xi32, #tpu.memory_space<vmem>>
        %dma_wait3A_113 = arith.constant 0 : i32
        %dma_wait3A_114 = arith.constant 0 : i32
        %dma_wait3A_115 = tpu.memref_slice %arg11[%dma_wait3A_113, %dma_wait3A_114] : memref<10240x128xf32, #tpu.memory_space<vmem_shared>> -> memref<10240x128xf32, #tpu.memory_space<vmem_shared>>
        tpu.wait_indirect_dma semaphore(%run_scoped3A : memref<!tpu.dma_semaphore, #tpu.memory_space<semaphore_mem>>) src(%arg9 : memref<128x128xf32, #tpu.memory_space<vmem>>) dst(%dma_wait3A_115 : memref<10240x128xf32, #tpu.memory_space<vmem_shared>>)
        tpu.yield
      }) : () -> ()
      %add3A_90 = arith.constant 2 : i32
      %add3A_91 = arith.addi %mul3A_76, %add3A_90 : i32
      %lt3A = arith.constant 40 : i32
      %lt3A_92 = arith.cmpi slt, %add3A_91, %lt3A : i32
      %convert_element_type3A = arith.extui %lt3A_92 : i1 to i32
      %cond3A = arith.constant 0 : i32
      %cond3A_93 = arith.cmpi ne, %convert_element_type3A, %cond3A : i32
      scf.if %cond3A_93 {
        %add3A_104 = arith.constant 2 : i32
        %add3A_105 = arith.addi %mul3A_76, %add3A_104 : i32
        %dma_start3A_106 = arith.constant 0 : i32
        %dma_start3A_107 = tpu.memref_slice %arg7[%add3A_105, %dma_start3A_106] : memref<40x128xi32, #tpu.memory_space<vmem>> -> memref<1x128xi32, #tpu.memory_space<vmem>>
        %dma_start3A_108 = tpu.memref_squeeze %dma_start3A_107 : memref<1x128xi32, #tpu.memory_space<vmem>> -> memref<128xi32, #tpu.memory_space<vmem>>
        %dma_start3A_109 = arith.constant 0 : i32
        %dma_start3A_110 = arith.constant 0 : i32
        %dma_start3A_111 = tpu.memref_slice %arg2[%dma_start3A_109, %dma_start3A_110] : memref<10000x128xf32, #tpu.memory_space<hbm>> -> memref<10000x128xf32, #tpu.memory_space<hbm>>
        tpu.enqueue_indirect_dma source(%dma_start3A_111 : memref<10000x128xf32, #tpu.memory_space<hbm>>) target(%arg9 : memref<128x128xf32, #tpu.memory_space<vmem>>) offsets(%dma_start3A_108 : memref<128xi32, #tpu.memory_space<vmem>>) semaphore(%arg12 : memref<!tpu.dma_semaphore, #tpu.memory_space<semaphore_mem>>)
      } else {
      }
      %add3A_94 = arith.constant 1 : i32
      %add3A_95 = arith.addi %mul3A_76, %add3A_94 : i32
      %dma_wait3A_96 = arith.constant 0 : i32
      %dma_wait3A_97 = tpu.memref_slice %arg7[%add3A_95, %dma_wait3A_96] : memref<40x128xi32, #tpu.memory_space<vmem>> -> memref<1x128xi32, #tpu.memory_space<vmem>>
      %dma_wait3A_98 = tpu.memref_squeeze %dma_wait3A_97 : memref<1x128xi32, #tpu.memory_space<vmem>> -> memref<128xi32, #tpu.memory_space<vmem>>
      %dma_wait3A_99 = arith.constant 0 : i32
      %dma_wait3A_100 = arith.constant 0 : i32
      %dma_wait3A_101 = tpu.memref_slice %arg2[%dma_wait3A_99, %dma_wait3A_100] : memref<10000x128xf32, #tpu.memory_space<hbm>> -> memref<10000x128xf32, #tpu.memory_space<hbm>>
      tpu.wait_indirect_dma semaphore(%arg13 : memref<!tpu.dma_semaphore, #tpu.memory_space<semaphore_mem>>) src(%dma_wait3A_101 : memref<10000x128xf32, #tpu.memory_space<hbm>>) dst(%arg10 : memref<128x128xf32, #tpu.memory_space<vmem>>)
      %add3A_102 = arith.constant 1 : i32
      %add3A_103 = arith.addi %mul3A_76, %add3A_102 : i32
      "tpu.region"() ({
        %run_scoped3A = tpu.sem_alloc : memref<!tpu.dma_semaphore, #tpu.memory_space<semaphore_mem>>
        %dma_start3A_104 = arith.constant 0 : i32
        %dma_start3A_105 = tpu.memref_slice %arg8[%add3A_103, %dma_start3A_104] : memref<40x128xi32, #tpu.memory_space<vmem>> -> memref<1x128xi32, #tpu.memory_space<vmem>>
        %dma_start3A_106 = tpu.memref_squeeze %dma_start3A_105 : memref<1x128xi32, #tpu.memory_space<vmem>> -> memref<128xi32, #tpu.memory_space<vmem>>
        %dma_start3A_107 = arith.constant 0 : i32
        %dma_start3A_108 = arith.constant 0 : i32
        %dma_start3A_109 = tpu.memref_slice %arg11[%dma_start3A_107, %dma_start3A_108] : memref<10240x128xf32, #tpu.memory_space<vmem_shared>> -> memref<10240x128xf32, #tpu.memory_space<vmem_shared>>
        tpu.enqueue_indirect_dma source(%arg10 : memref<128x128xf32, #tpu.memory_space<vmem>>) target(%dma_start3A_109 : memref<10240x128xf32, #tpu.memory_space<vmem_shared>>) offsets(%dma_start3A_106 : memref<128xi32, #tpu.memory_space<vmem>>) semaphore(%run_scoped3A : memref<!tpu.dma_semaphore, #tpu.memory_space<semaphore_mem>>) {add = true}
        %dma_wait3A_110 = arith.constant 0 : i32
        %dma_wait3A_111 = tpu.memref_slice %arg8[%add3A_103, %dma_wait3A_110] : memref<40x128xi32, #tpu.memory_space<vmem>> -> memref<1x128xi32, #tpu.memory_space<vmem>>
        %dma_wait3A_112 = tpu.memref_squeeze %dma_wait3A_111 : memref<1x128xi32, #tpu.memory_space<vmem>> -> memref<128xi32, #tpu.memory_space<vmem>>
        %dma_wait3A_113 = arith.constant 0 : i32
        %dma_wait3A_114 = arith.constant 0 : i32
        %dma_wait3A_115 = tpu.memref_slice %arg11[%dma_wait3A_113, %dma_wait3A_114] : memref<10240x128xf32, #tpu.memory_space<vmem_shared>> -> memref<10240x128xf32, #tpu.memory_space<vmem_shared>>
        tpu.wait_indirect_dma semaphore(%run_scoped3A : memref<!tpu.dma_semaphore, #tpu.memory_space<semaphore_mem>>) src(%arg10 : memref<128x128xf32, #tpu.memory_space<vmem>>) dst(%dma_wait3A_115 : memref<10240x128xf32, #tpu.memory_space<vmem_shared>>)
        tpu.yield
      }) : () -> ()
    }
    %scan3A_31 = arith.constant 20 : i32
    %mul3A_32 = arith.constant 80 : i32
    %mul3A_33 = arith.muli %add3A, %mul3A_32 : i32
    %add3A_34 = arith.constant 40 : i32
    %add3A_35 = arith.addi %mul3A_33, %add3A_34 : i32
    "tpu.region"() ({
      %run_scoped3A = tpu.sem_alloc : memref<!tpu.dma_semaphore, #tpu.memory_space<semaphore_mem>>
      %dma_start3A_74 = arith.constant 0 : i32
      %dma_start3A_75 = tpu.memref_slice %arg3[%add3A_35, %dma_start3A_74] : memref<2560x128xi32, #tpu.memory_space<hbm>> -> memref<40x128xi32, #tpu.memory_space<hbm>>
      %dma_start3A_76 = arith.constant 0 : i32
      %dma_start3A_77 = tpu.memref_slice %arg3[%add3A_35, %dma_start3A_76] : memref<2560x128xi32, #tpu.memory_space<hbm>> -> memref<40x128xi32, #tpu.memory_space<hbm>>
      tpu.enqueue_dma source(%dma_start3A_77 : memref<40x128xi32, #tpu.memory_space<hbm>>) target(%arg7 : memref<40x128xi32, #tpu.memory_space<vmem>>) target_semaphore(%run_scoped3A : memref<!tpu.dma_semaphore, #tpu.memory_space<semaphore_mem>>)
      %dma_wait3A = arith.constant 0 : i32
      %dma_wait3A_78 = tpu.memref_slice %arg3[%add3A_35, %dma_wait3A] : memref<2560x128xi32, #tpu.memory_space<hbm>> -> memref<40x128xi32, #tpu.memory_space<hbm>>
      %dma_wait3A_79 = arith.constant 0 : i32
      %dma_wait3A_80 = tpu.memref_slice %arg3[%add3A_35, %dma_wait3A_79] : memref<2560x128xi32, #tpu.memory_space<hbm>> -> memref<40x128xi32, #tpu.memory_space<hbm>>
      tpu.wait_dma2 semaphore(%run_scoped3A : memref<!tpu.dma_semaphore, #tpu.memory_space<semaphore_mem>>) src(%dma_wait3A_80 : memref<40x128xi32, #tpu.memory_space<hbm>>) dst(%arg7 : memref<40x128xi32, #tpu.memory_space<vmem>>)
      tpu.yield
    }) : () -> ()
    %mul3A_36 = arith.constant 80 : i32
    %mul3A_37 = arith.muli %add3A, %mul3A_36 : i32
    %add3A_38 = arith.constant 40 : i32
    %add3A_39 = arith.addi %mul3A_37, %add3A_38 : i32
    "tpu.region"() ({
      %run_scoped3A = tpu.sem_alloc : memref<!tpu.dma_semaphore, #tpu.memory_space<semaphore_mem>>
      %dma_start3A_74 = arith.constant 0 : i32
      %dma_start3A_75 = tpu.memref_slice %arg4[%add3A_39, %dma_start3A_74] : memref<2560x128xi32, #tpu.memory_space<hbm>> -> memref<40x128xi32, #tpu.memory_space<hbm>>
      %dma_start3A_76 = arith.constant 0 : i32
      %dma_start3A_77 = tpu.memref_slice %arg4[%add3A_39, %dma_start3A_76] : memref<2560x128xi32, #tpu.memory_space<hbm>> -> memref<40x128xi32, #tpu.memory_space<hbm>>
      tpu.enqueue_dma source(%dma_start3A_77 : memref<40x128xi32, #tpu.memory_space<hbm>>) target(%arg8 : memref<40x128xi32, #tpu.memory_space<vmem>>) target_semaphore(%run_scoped3A : memref<!tpu.dma_semaphore, #tpu.memory_space<semaphore_mem>>)
      %dma_wait3A = arith.constant 0 : i32
      %dma_wait3A_78 = tpu.memref_slice %arg4[%add3A_39, %dma_wait3A] : memref<2560x128xi32, #tpu.memory_space<hbm>> -> memref<40x128xi32, #tpu.memory_space<hbm>>
      %dma_wait3A_79 = arith.constant 0 : i32
      %dma_wait3A_80 = tpu.memref_slice %arg4[%add3A_39, %dma_wait3A_79] : memref<2560x128xi32, #tpu.memory_space<hbm>> -> memref<40x128xi32, #tpu.memory_space<hbm>>
      tpu.wait_dma2 semaphore(%run_scoped3A : memref<!tpu.dma_semaphore, #tpu.memory_space<semaphore_mem>>) src(%dma_wait3A_80 : memref<40x128xi32, #tpu.memory_space<hbm>>) dst(%arg8 : memref<40x128xi32, #tpu.memory_space<vmem>>)
      tpu.yield
    }) : () -> ()
    %dma_start3A_40 = arith.constant 0 : i32
    %dma_start3A_41 = arith.constant 0 : i32
    %dma_start3A_42 = tpu.memref_slice %arg7[%dma_start3A_40, %dma_start3A_41] : memref<40x128xi32, #tpu.memory_space<vmem>> -> memref<1x128xi32, #tpu.memory_space<vmem>>
    %dma_start3A_43 = tpu.memref_squeeze %dma_start3A_42 : memref<1x128xi32, #tpu.memory_space<vmem>> -> memref<128xi32, #tpu.memory_space<vmem>>
    %dma_start3A_44 = arith.constant 0 : i32
    %dma_start3A_45 = arith.constant 0 : i32
    %dma_start3A_46 = tpu.memref_slice %arg2[%dma_start3A_44, %dma_start3A_45] : memref<10000x128xf32, #tpu.memory_space<hbm>> -> memref<10000x128xf32, #tpu.memory_space<hbm>>
    tpu.enqueue_indirect_dma source(%dma_start3A_46 : memref<10000x128xf32, #tpu.memory_space<hbm>>) target(%arg9 : memref<128x128xf32, #tpu.memory_space<vmem>>) offsets(%dma_start3A_43 : memref<128xi32, #tpu.memory_space<vmem>>) semaphore(%arg12 : memref<!tpu.dma_semaphore, #tpu.memory_space<semaphore_mem>>)
    %scan3A_47 = arith.constant 0 : i32
    %scan3A_48 = arith.constant 0 : i32
    %scan3A_49 = arith.constant 20 : i32
    %scan3A_50 = arith.addi %scan3A_48, %scan3A_49 : i32
    %scan3A_51 = arith.constant 1 : i32
    scf.for %scan3A_74 = %scan3A_48 to %scan3A_50 step %scan3A_51  : i32 {
      %mul3A_75 = arith.constant 2 : i32
      %mul3A_76 = arith.muli %mul3A_75, %scan3A_74 : i32
      %add3A_77 = arith.constant 1 : i32
      %add3A_78 = arith.addi %mul3A_76, %add3A_77 : i32
      %dma_start3A_79 = arith.constant 0 : i32
      %dma_start3A_80 = tpu.memref_slice %arg7[%add3A_78, %dma_start3A_79] : memref<40x128xi32, #tpu.memory_space<vmem>> -> memref<1x128xi32, #tpu.memory_space<vmem>>
      %dma_start3A_81 = tpu.memref_squeeze %dma_start3A_80 : memref<1x128xi32, #tpu.memory_space<vmem>> -> memref<128xi32, #tpu.memory_space<vmem>>
      %dma_start3A_82 = arith.constant 0 : i32
      %dma_start3A_83 = arith.constant 0 : i32
      %dma_start3A_84 = tpu.memref_slice %arg2[%dma_start3A_82, %dma_start3A_83] : memref<10000x128xf32, #tpu.memory_space<hbm>> -> memref<10000x128xf32, #tpu.memory_space<hbm>>
      tpu.enqueue_indirect_dma source(%dma_start3A_84 : memref<10000x128xf32, #tpu.memory_space<hbm>>) target(%arg10 : memref<128x128xf32, #tpu.memory_space<vmem>>) offsets(%dma_start3A_81 : memref<128xi32, #tpu.memory_space<vmem>>) semaphore(%arg13 : memref<!tpu.dma_semaphore, #tpu.memory_space<semaphore_mem>>)
      %dma_wait3A = arith.constant 0 : i32
      %dma_wait3A_85 = tpu.memref_slice %arg7[%mul3A_76, %dma_wait3A] : memref<40x128xi32, #tpu.memory_space<vmem>> -> memref<1x128xi32, #tpu.memory_space<vmem>>
      %dma_wait3A_86 = tpu.memref_squeeze %dma_wait3A_85 : memref<1x128xi32, #tpu.memory_space<vmem>> -> memref<128xi32, #tpu.memory_space<vmem>>
      %dma_wait3A_87 = arith.constant 0 : i32
      %dma_wait3A_88 = arith.constant 0 : i32
      %dma_wait3A_89 = tpu.memref_slice %arg2[%dma_wait3A_87, %dma_wait3A_88] : memref<10000x128xf32, #tpu.memory_space<hbm>> -> memref<10000x128xf32, #tpu.memory_space<hbm>>
      tpu.wait_indirect_dma semaphore(%arg12 : memref<!tpu.dma_semaphore, #tpu.memory_space<semaphore_mem>>) src(%dma_wait3A_89 : memref<10000x128xf32, #tpu.memory_space<hbm>>) dst(%arg9 : memref<128x128xf32, #tpu.memory_space<vmem>>)
      "tpu.region"() ({
        %run_scoped3A = tpu.sem_alloc : memref<!tpu.dma_semaphore, #tpu.memory_space<semaphore_mem>>
        %dma_start3A_104 = arith.constant 0 : i32
        %dma_start3A_105 = tpu.memref_slice %arg8[%mul3A_76, %dma_start3A_104] : memref<40x128xi32, #tpu.memory_space<vmem>> -> memref<1x128xi32, #tpu.memory_space<vmem>>
        %dma_start3A_106 = tpu.memref_squeeze %dma_start3A_105 : memref<1x128xi32, #tpu.memory_space<vmem>> -> memref<128xi32, #tpu.memory_space<vmem>>
        %dma_start3A_107 = arith.constant 0 : i32
        %dma_start3A_108 = arith.constant 0 : i32
        %dma_start3A_109 = tpu.memref_slice %arg11[%dma_start3A_107, %dma_start3A_108] : memref<10240x128xf32, #tpu.memory_space<vmem_shared>> -> memref<10240x128xf32, #tpu.memory_space<vmem_shared>>
        tpu.enqueue_indirect_dma source(%arg9 : memref<128x128xf32, #tpu.memory_space<vmem>>) target(%dma_start3A_109 : memref<10240x128xf32, #tpu.memory_space<vmem_shared>>) offsets(%dma_start3A_106 : memref<128xi32, #tpu.memory_space<vmem>>) semaphore(%run_scoped3A : memref<!tpu.dma_semaphore, #tpu.memory_space<semaphore_mem>>) {add = true}
        %dma_wait3A_110 = arith.constant 0 : i32
        %dma_wait3A_111 = tpu.memref_slice %arg8[%mul3A_76, %dma_wait3A_110] : memref<40x128xi32, #tpu.memory_space<vmem>> -> memref<1x128xi32, #tpu.memory_space<vmem>>
        %dma_wait3A_112 = tpu.memref_squeeze %dma_wait3A_111 : memref<1x128xi32, #tpu.memory_space<vmem>> -> memref<128xi32, #tpu.memory_space<vmem>>
        %dma_wait3A_113 = arith.constant 0 : i32
        %dma_wait3A_114 = arith.constant 0 : i32
        %dma_wait3A_115 = tpu.memref_slice %arg11[%dma_wait3A_113, %dma_wait3A_114] : memref<10240x128xf32, #tpu.memory_space<vmem_shared>> -> memref<10240x128xf32, #tpu.memory_space<vmem_shared>>
        tpu.wait_indirect_dma semaphore(%run_scoped3A : memref<!tpu.dma_semaphore, #tpu.memory_space<semaphore_mem>>) src(%arg9 : memref<128x128xf32, #tpu.memory_space<vmem>>) dst(%dma_wait3A_115 : memref<10240x128xf32, #tpu.memory_space<vmem_shared>>)
        tpu.yield
      }) : () -> ()
      %add3A_90 = arith.constant 2 : i32
      %add3A_91 = arith.addi %mul3A_76, %add3A_90 : i32
      %lt3A = arith.constant 40 : i32
      %lt3A_92 = arith.cmpi slt, %add3A_91, %lt3A : i32
      %convert_element_type3A = arith.extui %lt3A_92 : i1 to i32
      %cond3A = arith.constant 0 : i32
      %cond3A_93 = arith.cmpi ne, %convert_element_type3A, %cond3A : i32
      scf.if %cond3A_93 {
        %add3A_104 = arith.constant 2 : i32
        %add3A_105 = arith.addi %mul3A_76, %add3A_104 : i32
        %dma_start3A_106 = arith.constant 0 : i32
        %dma_start3A_107 = tpu.memref_slice %arg7[%add3A_105, %dma_start3A_106] : memref<40x128xi32, #tpu.memory_space<vmem>> -> memref<1x128xi32, #tpu.memory_space<vmem>>
        %dma_start3A_108 = tpu.memref_squeeze %dma_start3A_107 : memref<1x128xi32, #tpu.memory_space<vmem>> -> memref<128xi32, #tpu.memory_space<vmem>>
        %dma_start3A_109 = arith.constant 0 : i32
        %dma_start3A_110 = arith.constant 0 : i32
        %dma_start3A_111 = tpu.memref_slice %arg2[%dma_start3A_109, %dma_start3A_110] : memref<10000x128xf32, #tpu.memory_space<hbm>> -> memref<10000x128xf32, #tpu.memory_space<hbm>>
        tpu.enqueue_indirect_dma source(%dma_start3A_111 : memref<10000x128xf32, #tpu.memory_space<hbm>>) target(%arg9 : memref<128x128xf32, #tpu.memory_space<vmem>>) offsets(%dma_start3A_108 : memref<128xi32, #tpu.memory_space<vmem>>) semaphore(%arg12 : memref<!tpu.dma_semaphore, #tpu.memory_space<semaphore_mem>>)
      } else {
      }
      %add3A_94 = arith.constant 1 : i32
      %add3A_95 = arith.addi %mul3A_76, %add3A_94 : i32
      %dma_wait3A_96 = arith.constant 0 : i32
      %dma_wait3A_97 = tpu.memref_slice %arg7[%add3A_95, %dma_wait3A_96] : memref<40x128xi32, #tpu.memory_space<vmem>> -> memref<1x128xi32, #tpu.memory_space<vmem>>
      %dma_wait3A_98 = tpu.memref_squeeze %dma_wait3A_97 : memref<1x128xi32, #tpu.memory_space<vmem>> -> memref<128xi32, #tpu.memory_space<vmem>>
      %dma_wait3A_99 = arith.constant 0 : i32
      %dma_wait3A_100 = arith.constant 0 : i32
      %dma_wait3A_101 = tpu.memref_slice %arg2[%dma_wait3A_99, %dma_wait3A_100] : memref<10000x128xf32, #tpu.memory_space<hbm>> -> memref<10000x128xf32, #tpu.memory_space<hbm>>
      tpu.wait_indirect_dma semaphore(%arg13 : memref<!tpu.dma_semaphore, #tpu.memory_space<semaphore_mem>>) src(%dma_wait3A_101 : memref<10000x128xf32, #tpu.memory_space<hbm>>) dst(%arg10 : memref<128x128xf32, #tpu.memory_space<vmem>>)
      %add3A_102 = arith.constant 1 : i32
      %add3A_103 = arith.addi %mul3A_76, %add3A_102 : i32
      "tpu.region"() ({
        %run_scoped3A = tpu.sem_alloc : memref<!tpu.dma_semaphore, #tpu.memory_space<semaphore_mem>>
        %dma_start3A_104 = arith.constant 0 : i32
        %dma_start3A_105 = tpu.memref_slice %arg8[%add3A_103, %dma_start3A_104] : memref<40x128xi32, #tpu.memory_space<vmem>> -> memref<1x128xi32, #tpu.memory_space<vmem>>
        %dma_start3A_106 = tpu.memref_squeeze %dma_start3A_105 : memref<1x128xi32, #tpu.memory_space<vmem>> -> memref<128xi32, #tpu.memory_space<vmem>>
        %dma_start3A_107 = arith.constant 0 : i32
        %dma_start3A_108 = arith.constant 0 : i32
        %dma_start3A_109 = tpu.memref_slice %arg11[%dma_start3A_107, %dma_start3A_108] : memref<10240x128xf32, #tpu.memory_space<vmem_shared>> -> memref<10240x128xf32, #tpu.memory_space<vmem_shared>>
        tpu.enqueue_indirect_dma source(%arg10 : memref<128x128xf32, #tpu.memory_space<vmem>>) target(%dma_start3A_109 : memref<10240x128xf32, #tpu.memory_space<vmem_shared>>) offsets(%dma_start3A_106 : memref<128xi32, #tpu.memory_space<vmem>>) semaphore(%run_scoped3A : memref<!tpu.dma_semaphore, #tpu.memory_space<semaphore_mem>>) {add = true}
        %dma_wait3A_110 = arith.constant 0 : i32
        %dma_wait3A_111 = tpu.memref_slice %arg8[%add3A_103, %dma_wait3A_110] : memref<40x128xi32, #tpu.memory_space<vmem>> -> memref<1x128xi32, #tpu.memory_space<vmem>>
        %dma_wait3A_112 = tpu.memref_squeeze %dma_wait3A_111 : memref<1x128xi32, #tpu.memory_space<vmem>> -> memref<128xi32, #tpu.memory_space<vmem>>
        %dma_wait3A_113 = arith.constant 0 : i32
        %dma_wait3A_114 = arith.constant 0 : i32
        %dma_wait3A_115 = tpu.memref_slice %arg11[%dma_wait3A_113, %dma_wait3A_114] : memref<10240x128xf32, #tpu.memory_space<vmem_shared>> -> memref<10240x128xf32, #tpu.memory_space<vmem_shared>>
        tpu.wait_indirect_dma semaphore(%run_scoped3A : memref<!tpu.dma_semaphore, #tpu.memory_space<semaphore_mem>>) src(%arg10 : memref<128x128xf32, #tpu.memory_space<vmem>>) dst(%dma_wait3A_115 : memref<10240x128xf32, #tpu.memory_space<vmem_shared>>)
        tpu.yield
      }) : () -> ()
    }
    %scan3A_52 = arith.constant 20 : i32
    %barrier3A_53 = arith.constant 0 : index
    tpu.barrier barrier_id(%barrier3A_53)
    %add3A_54 = arith.constant 0 : i32
    %add3A_55 = arith.addi %mul3A_10, %add3A_54 : i32
    "tpu.region"() ({
      %run_scoped3A = tpu.sem_alloc : memref<!tpu.dma_semaphore, #tpu.memory_space<semaphore_mem>>
      %dma_start3A_74 = arith.constant 0 : i32
      %dma_start3A_75 = tpu.memref_slice %arg11[%add3A_55, %dma_start3A_74] : memref<10240x128xf32, #tpu.memory_space<vmem_shared>> -> memref<128x128xf32, #tpu.memory_space<vmem_shared>>
      %dma_start3A_76 = arith.constant 0 : i32
      %dma_start3A_77 = tpu.memref_slice %arg11[%add3A_55, %dma_start3A_76] : memref<10240x128xf32, #tpu.memory_space<vmem_shared>> -> memref<128x128xf32, #tpu.memory_space<vmem_shared>>
      tpu.enqueue_dma source(%dma_start3A_77 : memref<128x128xf32, #tpu.memory_space<vmem_shared>>) target(%arg9 : memref<128x128xf32, #tpu.memory_space<vmem>>) target_semaphore(%run_scoped3A : memref<!tpu.dma_semaphore, #tpu.memory_space<semaphore_mem>>)
      %dma_wait3A = arith.constant 0 : i32
      %dma_wait3A_78 = tpu.memref_slice %arg11[%add3A_55, %dma_wait3A] : memref<10240x128xf32, #tpu.memory_space<vmem_shared>> -> memref<128x128xf32, #tpu.memory_space<vmem_shared>>
      %dma_wait3A_79 = arith.constant 0 : i32
      %dma_wait3A_80 = tpu.memref_slice %arg11[%add3A_55, %dma_wait3A_79] : memref<10240x128xf32, #tpu.memory_space<vmem_shared>> -> memref<128x128xf32, #tpu.memory_space<vmem_shared>>
      tpu.wait_dma2 semaphore(%run_scoped3A : memref<!tpu.dma_semaphore, #tpu.memory_space<semaphore_mem>>) src(%dma_wait3A_80 : memref<128x128xf32, #tpu.memory_space<vmem_shared>>) dst(%arg9 : memref<128x128xf32, #tpu.memory_space<vmem>>)
      tpu.yield
    }) : () -> ()
    %add3A_56 = arith.constant 0 : i32
    %add3A_57 = arith.addi %mul3A_10, %add3A_56 : i32
    "tpu.region"() ({
      %run_scoped3A = tpu.sem_alloc : memref<!tpu.dma_semaphore, #tpu.memory_space<semaphore_mem>>
      %dma_start3A_74 = arith.constant 0 : i32
      %dma_start3A_75 = arith.constant 0 : i32
      %dma_start3A_76 = tpu.memref_slice %arg6[%arg0, %dma_start3A_74, %dma_start3A_75] : memref<2x10240x128xf32, #tpu.memory_space<hbm>> -> memref<1x10240x128xf32, #tpu.memory_space<hbm>>
      %dma_start3A_77 = tpu.memref_squeeze %dma_start3A_76 : memref<1x10240x128xf32, #tpu.memory_space<hbm>> -> memref<10240x128xf32, #tpu.memory_space<hbm>>
      %dma_start3A_78 = arith.constant 0 : i32
      %dma_start3A_79 = tpu.memref_slice %dma_start3A_77[%add3A_57, %dma_start3A_78] : memref<10240x128xf32, #tpu.memory_space<hbm>> -> memref<128x128xf32, #tpu.memory_space<hbm>>
      %dma_start3A_80 = arith.constant 0 : i32
      %dma_start3A_81 = arith.constant 0 : i32
      %dma_start3A_82 = tpu.memref_slice %arg6[%arg0, %dma_start3A_80, %dma_start3A_81] : memref<2x10240x128xf32, #tpu.memory_space<hbm>> -> memref<1x10240x128xf32, #tpu.memory_space<hbm>>
      %dma_start3A_83 = tpu.memref_squeeze %dma_start3A_82 : memref<1x10240x128xf32, #tpu.memory_space<hbm>> -> memref<10240x128xf32, #tpu.memory_space<hbm>>
      %dma_start3A_84 = arith.constant 0 : i32
      %dma_start3A_85 = tpu.memref_slice %dma_start3A_83[%add3A_57, %dma_start3A_84] : memref<10240x128xf32, #tpu.memory_space<hbm>> -> memref<128x128xf32, #tpu.memory_space<hbm>>
      tpu.enqueue_dma source(%arg9 : memref<128x128xf32, #tpu.memory_space<vmem>>) target(%dma_start3A_85 : memref<128x128xf32, #tpu.memory_space<hbm>>) target_semaphore(%run_scoped3A : memref<!tpu.dma_semaphore, #tpu.memory_space<semaphore_mem>>)
      %dma_wait3A = arith.constant 0 : i32
      %dma_wait3A_86 = arith.constant 0 : i32
      %dma_wait3A_87 = tpu.memref_slice %arg6[%arg0, %dma_wait3A, %dma_wait3A_86] : memref<2x10240x128xf32, #tpu.memory_space<hbm>> -> memref<1x10240x128xf32, #tpu.memory_space<hbm>>
      %dma_wait3A_88 = tpu.memref_squeeze %dma_wait3A_87 : memref<1x10240x128xf32, #tpu.memory_space<hbm>> -> memref<10240x128xf32, #tpu.memory_space<hbm>>
      %dma_wait3A_89 = arith.constant 0 : i32
      %dma_wait3A_90 = tpu.memref_slice %dma_wait3A_88[%add3A_57, %dma_wait3A_89] : memref<10240x128xf32, #tpu.memory_space<hbm>> -> memref<128x128xf32, #tpu.memory_space<hbm>>
      %dma_wait3A_91 = arith.constant 0 : i32
      %dma_wait3A_92 = arith.constant 0 : i32
      %dma_wait3A_93 = tpu.memref_slice %arg6[%arg0, %dma_wait3A_91, %dma_wait3A_92] : memref<2x10240x128xf32, #tpu.memory_space<hbm>> -> memref<1x10240x128xf32, #tpu.memory_space<hbm>>
      %dma_wait3A_94 = tpu.memref_squeeze %dma_wait3A_93 : memref<1x10240x128xf32, #tpu.memory_space<hbm>> -> memref<10240x128xf32, #tpu.memory_space<hbm>>
      %dma_wait3A_95 = arith.constant 0 : i32
      %dma_wait3A_96 = tpu.memref_slice %dma_wait3A_94[%add3A_57, %dma_wait3A_95] : memref<10240x128xf32, #tpu.memory_space<hbm>> -> memref<128x128xf32, #tpu.memory_space<hbm>>
      tpu.wait_dma2 semaphore(%run_scoped3A : memref<!tpu.dma_semaphore, #tpu.memory_space<semaphore_mem>>) src(%arg9 : memref<128x128xf32, #tpu.memory_space<vmem>>) dst(%dma_wait3A_96 : memref<128x128xf32, #tpu.memory_space<hbm>>)
      tpu.yield
    }) : () -> ()
    %add3A_58 = arith.constant 128 : i32
    %add3A_59 = arith.addi %mul3A_10, %add3A_58 : i32
    "tpu.region"() ({
      %run_scoped3A = tpu.sem_alloc : memref<!tpu.dma_semaphore, #tpu.memory_space<semaphore_mem>>
      %dma_start3A_74 = arith.constant 0 : i32
      %dma_start3A_75 = tpu.memref_slice %arg11[%add3A_59, %dma_start3A_74] : memref<10240x128xf32, #tpu.memory_space<vmem_shared>> -> memref<128x128xf32, #tpu.memory_space<vmem_shared>>
      %dma_start3A_76 = arith.constant 0 : i32
      %dma_start3A_77 = tpu.memref_slice %arg11[%add3A_59, %dma_start3A_76] : memref<10240x128xf32, #tpu.memory_space<vmem_shared>> -> memref<128x128xf32, #tpu.memory_space<vmem_shared>>
      tpu.enqueue_dma source(%dma_start3A_77 : memref<128x128xf32, #tpu.memory_space<vmem_shared>>) target(%arg9 : memref<128x128xf32, #tpu.memory_space<vmem>>) target_semaphore(%run_scoped3A : memref<!tpu.dma_semaphore, #tpu.memory_space<semaphore_mem>>)
      %dma_wait3A = arith.constant 0 : i32
      %dma_wait3A_78 = tpu.memref_slice %arg11[%add3A_59, %dma_wait3A] : memref<10240x128xf32, #tpu.memory_space<vmem_shared>> -> memref<128x128xf32, #tpu.memory_space<vmem_shared>>
      %dma_wait3A_79 = arith.constant 0 : i32
      %dma_wait3A_80 = tpu.memref_slice %arg11[%add3A_59, %dma_wait3A_79] : memref<10240x128xf32, #tpu.memory_space<vmem_shared>> -> memref<128x128xf32, #tpu.memory_space<vmem_shared>>
      tpu.wait_dma2 semaphore(%run_scoped3A : memref<!tpu.dma_semaphore, #tpu.memory_space<semaphore_mem>>) src(%dma_wait3A_80 : memref<128x128xf32, #tpu.memory_space<vmem_shared>>) dst(%arg9 : memref<128x128xf32, #tpu.memory_space<vmem>>)
      tpu.yield
    }) : () -> ()
    %add3A_60 = arith.constant 128 : i32
    %add3A_61 = arith.addi %mul3A_10, %add3A_60 : i32
    "tpu.region"() ({
      %run_scoped3A = tpu.sem_alloc : memref<!tpu.dma_semaphore, #tpu.memory_space<semaphore_mem>>
      %dma_start3A_74 = arith.constant 0 : i32
      %dma_start3A_75 = arith.constant 0 : i32
      %dma_start3A_76 = tpu.memref_slice %arg6[%arg0, %dma_start3A_74, %dma_start3A_75] : memref<2x10240x128xf32, #tpu.memory_space<hbm>> -> memref<1x10240x128xf32, #tpu.memory_space<hbm>>
      %dma_start3A_77 = tpu.memref_squeeze %dma_start3A_76 : memref<1x10240x128xf32, #tpu.memory_space<hbm>> -> memref<10240x128xf32, #tpu.memory_space<hbm>>
      %dma_start3A_78 = arith.constant 0 : i32
      %dma_start3A_79 = tpu.memref_slice %dma_start3A_77[%add3A_61, %dma_start3A_78] : memref<10240x128xf32, #tpu.memory_space<hbm>> -> memref<128x128xf32, #tpu.memory_space<hbm>>
      %dma_start3A_80 = arith.constant 0 : i32
      %dma_start3A_81 = arith.constant 0 : i32
      %dma_start3A_82 = tpu.memref_slice %arg6[%arg0, %dma_start3A_80, %dma_start3A_81] : memref<2x10240x128xf32, #tpu.memory_space<hbm>> -> memref<1x10240x128xf32, #tpu.memory_space<hbm>>
      %dma_start3A_83 = tpu.memref_squeeze %dma_start3A_82 : memref<1x10240x128xf32, #tpu.memory_space<hbm>> -> memref<10240x128xf32, #tpu.memory_space<hbm>>
      %dma_start3A_84 = arith.constant 0 : i32
      %dma_start3A_85 = tpu.memref_slice %dma_start3A_83[%add3A_61, %dma_start3A_84] : memref<10240x128xf32, #tpu.memory_space<hbm>> -> memref<128x128xf32, #tpu.memory_space<hbm>>
      tpu.enqueue_dma source(%arg9 : memref<128x128xf32, #tpu.memory_space<vmem>>) target(%dma_start3A_85 : memref<128x128xf32, #tpu.memory_space<hbm>>) target_semaphore(%run_scoped3A : memref<!tpu.dma_semaphore, #tpu.memory_space<semaphore_mem>>)
      %dma_wait3A = arith.constant 0 : i32
      %dma_wait3A_86 = arith.constant 0 : i32
      %dma_wait3A_87 = tpu.memref_slice %arg6[%arg0, %dma_wait3A, %dma_wait3A_86] : memref<2x10240x128xf32, #tpu.memory_space<hbm>> -> memref<1x10240x128xf32, #tpu.memory_space<hbm>>
      %dma_wait3A_88 = tpu.memref_squeeze %dma_wait3A_87 : memref<1x10240x128xf32, #tpu.memory_space<hbm>> -> memref<10240x128xf32, #tpu.memory_space<hbm>>
      %dma_wait3A_89 = arith.constant 0 : i32
      %dma_wait3A_90 = tpu.memref_slice %dma_wait3A_88[%add3A_61, %dma_wait3A_89] : memref<10240x128xf32, #tpu.memory_space<hbm>> -> memref<128x128xf32, #tpu.memory_space<hbm>>
      %dma_wait3A_91 = arith.constant 0 : i32
      %dma_wait3A_92 = arith.constant 0 : i32
      %dma_wait3A_93 = tpu.memref_slice %arg6[%arg0, %dma_wait3A_91, %dma_wait3A_92] : memref<2x10240x128xf32, #tpu.memory_space<hbm>> -> memref<1x10240x128xf32, #tpu.memory_space<hbm>>
      %dma_wait3A_94 = tpu.memref_squeeze %dma_wait3A_93 : memref<1x10240x128xf32, #tpu.memory_space<hbm>> -> memref<10240x128xf32, #tpu.memory_space<hbm>>
      %dma_wait3A_95 = arith.constant 0 : i32
      %dma_wait3A_96 = tpu.memref_slice %dma_wait3A_94[%add3A_61, %dma_wait3A_95] : memref<10240x128xf32, #tpu.memory_space<hbm>> -> memref<128x128xf32, #tpu.memory_space<hbm>>
      tpu.wait_dma2 semaphore(%run_scoped3A : memref<!tpu.dma_semaphore, #tpu.memory_space<semaphore_mem>>) src(%arg9 : memref<128x128xf32, #tpu.memory_space<vmem>>) dst(%dma_wait3A_96 : memref<128x128xf32, #tpu.memory_space<hbm>>)
      tpu.yield
    }) : () -> ()
    %add3A_62 = arith.constant 256 : i32
    %add3A_63 = arith.addi %mul3A_10, %add3A_62 : i32
    "tpu.region"() ({
      %run_scoped3A = tpu.sem_alloc : memref<!tpu.dma_semaphore, #tpu.memory_space<semaphore_mem>>
      %dma_start3A_74 = arith.constant 0 : i32
      %dma_start3A_75 = tpu.memref_slice %arg11[%add3A_63, %dma_start3A_74] : memref<10240x128xf32, #tpu.memory_space<vmem_shared>> -> memref<128x128xf32, #tpu.memory_space<vmem_shared>>
      %dma_start3A_76 = arith.constant 0 : i32
      %dma_start3A_77 = tpu.memref_slice %arg11[%add3A_63, %dma_start3A_76] : memref<10240x128xf32, #tpu.memory_space<vmem_shared>> -> memref<128x128xf32, #tpu.memory_space<vmem_shared>>
      tpu.enqueue_dma source(%dma_start3A_77 : memref<128x128xf32, #tpu.memory_space<vmem_shared>>) target(%arg9 : memref<128x128xf32, #tpu.memory_space<vmem>>) target_semaphore(%run_scoped3A : memref<!tpu.dma_semaphore, #tpu.memory_space<semaphore_mem>>)
      %dma_wait3A = arith.constant 0 : i32
      %dma_wait3A_78 = tpu.memref_slice %arg11[%add3A_63, %dma_wait3A] : memref<10240x128xf32, #tpu.memory_space<vmem_shared>> -> memref<128x128xf32, #tpu.memory_space<vmem_shared>>
      %dma_wait3A_79 = arith.constant 0 : i32
      %dma_wait3A_80 = tpu.memref_slice %arg11[%add3A_63, %dma_wait3A_79] : memref<10240x128xf32, #tpu.memory_space<vmem_shared>> -> memref<128x128xf32, #tpu.memory_space<vmem_shared>>
      tpu.wait_dma2 semaphore(%run_scoped3A : memref<!tpu.dma_semaphore, #tpu.memory_space<semaphore_mem>>) src(%dma_wait3A_80 : memref<128x128xf32, #tpu.memory_space<vmem_shared>>) dst(%arg9 : memref<128x128xf32, #tpu.memory_space<vmem>>)
      tpu.yield
    }) : () -> ()
    %add3A_64 = arith.constant 256 : i32
    %add3A_65 = arith.addi %mul3A_10, %add3A_64 : i32
    "tpu.region"() ({
      %run_scoped3A = tpu.sem_alloc : memref<!tpu.dma_semaphore, #tpu.memory_space<semaphore_mem>>
      %dma_start3A_74 = arith.constant 0 : i32
      %dma_start3A_75 = arith.constant 0 : i32
      %dma_start3A_76 = tpu.memref_slice %arg6[%arg0, %dma_start3A_74, %dma_start3A_75] : memref<2x10240x128xf32, #tpu.memory_space<hbm>> -> memref<1x10240x128xf32, #tpu.memory_space<hbm>>
      %dma_start3A_77 = tpu.memref_squeeze %dma_start3A_76 : memref<1x10240x128xf32, #tpu.memory_space<hbm>> -> memref<10240x128xf32, #tpu.memory_space<hbm>>
      %dma_start3A_78 = arith.constant 0 : i32
      %dma_start3A_79 = tpu.memref_slice %dma_start3A_77[%add3A_65, %dma_start3A_78] : memref<10240x128xf32, #tpu.memory_space<hbm>> -> memref<128x128xf32, #tpu.memory_space<hbm>>
      %dma_start3A_80 = arith.constant 0 : i32
      %dma_start3A_81 = arith.constant 0 : i32
      %dma_start3A_82 = tpu.memref_slice %arg6[%arg0, %dma_start3A_80, %dma_start3A_81] : memref<2x10240x128xf32, #tpu.memory_space<hbm>> -> memref<1x10240x128xf32, #tpu.memory_space<hbm>>
      %dma_start3A_83 = tpu.memref_squeeze %dma_start3A_82 : memref<1x10240x128xf32, #tpu.memory_space<hbm>> -> memref<10240x128xf32, #tpu.memory_space<hbm>>
      %dma_start3A_84 = arith.constant 0 : i32
      %dma_start3A_85 = tpu.memref_slice %dma_start3A_83[%add3A_65, %dma_start3A_84] : memref<10240x128xf32, #tpu.memory_space<hbm>> -> memref<128x128xf32, #tpu.memory_space<hbm>>
      tpu.enqueue_dma source(%arg9 : memref<128x128xf32, #tpu.memory_space<vmem>>) target(%dma_start3A_85 : memref<128x128xf32, #tpu.memory_space<hbm>>) target_semaphore(%run_scoped3A : memref<!tpu.dma_semaphore, #tpu.memory_space<semaphore_mem>>)
      %dma_wait3A = arith.constant 0 : i32
      %dma_wait3A_86 = arith.constant 0 : i32
      %dma_wait3A_87 = tpu.memref_slice %arg6[%arg0, %dma_wait3A, %dma_wait3A_86] : memref<2x10240x128xf32, #tpu.memory_space<hbm>> -> memref<1x10240x128xf32, #tpu.memory_space<hbm>>
      %dma_wait3A_88 = tpu.memref_squeeze %dma_wait3A_87 : memref<1x10240x128xf32, #tpu.memory_space<hbm>> -> memref<10240x128xf32, #tpu.memory_space<hbm>>
      %dma_wait3A_89 = arith.constant 0 : i32
      %dma_wait3A_90 = tpu.memref_slice %dma_wait3A_88[%add3A_65, %dma_wait3A_89] : memref<10240x128xf32, #tpu.memory_space<hbm>> -> memref<128x128xf32, #tpu.memory_space<hbm>>
      %dma_wait3A_91 = arith.constant 0 : i32
      %dma_wait3A_92 = arith.constant 0 : i32
      %dma_wait3A_93 = tpu.memref_slice %arg6[%arg0, %dma_wait3A_91, %dma_wait3A_92] : memref<2x10240x128xf32, #tpu.memory_space<hbm>> -> memref<1x10240x128xf32, #tpu.memory_space<hbm>>
      %dma_wait3A_94 = tpu.memref_squeeze %dma_wait3A_93 : memref<1x10240x128xf32, #tpu.memory_space<hbm>> -> memref<10240x128xf32, #tpu.memory_space<hbm>>
      %dma_wait3A_95 = arith.constant 0 : i32
      %dma_wait3A_96 = tpu.memref_slice %dma_wait3A_94[%add3A_65, %dma_wait3A_95] : memref<10240x128xf32, #tpu.memory_space<hbm>> -> memref<128x128xf32, #tpu.memory_space<hbm>>
      tpu.wait_dma2 semaphore(%run_scoped3A : memref<!tpu.dma_semaphore, #tpu.memory_space<semaphore_mem>>) src(%arg9 : memref<128x128xf32, #tpu.memory_space<vmem>>) dst(%dma_wait3A_96 : memref<128x128xf32, #tpu.memory_space<hbm>>)
      tpu.yield
    }) : () -> ()
    %add3A_66 = arith.constant 384 : i32
    %add3A_67 = arith.addi %mul3A_10, %add3A_66 : i32
    "tpu.region"() ({
      %run_scoped3A = tpu.sem_alloc : memref<!tpu.dma_semaphore, #tpu.memory_space<semaphore_mem>>
      %dma_start3A_74 = arith.constant 0 : i32
      %dma_start3A_75 = tpu.memref_slice %arg11[%add3A_67, %dma_start3A_74] : memref<10240x128xf32, #tpu.memory_space<vmem_shared>> -> memref<128x128xf32, #tpu.memory_space<vmem_shared>>
      %dma_start3A_76 = arith.constant 0 : i32
      %dma_start3A_77 = tpu.memref_slice %arg11[%add3A_67, %dma_start3A_76] : memref<10240x128xf32, #tpu.memory_space<vmem_shared>> -> memref<128x128xf32, #tpu.memory_space<vmem_shared>>
      tpu.enqueue_dma source(%dma_start3A_77 : memref<128x128xf32, #tpu.memory_space<vmem_shared>>) target(%arg9 : memref<128x128xf32, #tpu.memory_space<vmem>>) target_semaphore(%run_scoped3A : memref<!tpu.dma_semaphore, #tpu.memory_space<semaphore_mem>>)
      %dma_wait3A = arith.constant 0 : i32
      %dma_wait3A_78 = tpu.memref_slice %arg11[%add3A_67, %dma_wait3A] : memref<10240x128xf32, #tpu.memory_space<vmem_shared>> -> memref<128x128xf32, #tpu.memory_space<vmem_shared>>
      %dma_wait3A_79 = arith.constant 0 : i32
      %dma_wait3A_80 = tpu.memref_slice %arg11[%add3A_67, %dma_wait3A_79] : memref<10240x128xf32, #tpu.memory_space<vmem_shared>> -> memref<128x128xf32, #tpu.memory_space<vmem_shared>>
      tpu.wait_dma2 semaphore(%run_scoped3A : memref<!tpu.dma_semaphore, #tpu.memory_space<semaphore_mem>>) src(%dma_wait3A_80 : memref<128x128xf32, #tpu.memory_space<vmem_shared>>) dst(%arg9 : memref<128x128xf32, #tpu.memory_space<vmem>>)
      tpu.yield
    }) : () -> ()
    %add3A_68 = arith.constant 384 : i32
    %add3A_69 = arith.addi %mul3A_10, %add3A_68 : i32
    "tpu.region"() ({
      %run_scoped3A = tpu.sem_alloc : memref<!tpu.dma_semaphore, #tpu.memory_space<semaphore_mem>>
      %dma_start3A_74 = arith.constant 0 : i32
      %dma_start3A_75 = arith.constant 0 : i32
      %dma_start3A_76 = tpu.memref_slice %arg6[%arg0, %dma_start3A_74, %dma_start3A_75] : memref<2x10240x128xf32, #tpu.memory_space<hbm>> -> memref<1x10240x128xf32, #tpu.memory_space<hbm>>
      %dma_start3A_77 = tpu.memref_squeeze %dma_start3A_76 : memref<1x10240x128xf32, #tpu.memory_space<hbm>> -> memref<10240x128xf32, #tpu.memory_space<hbm>>
      %dma_start3A_78 = arith.constant 0 : i32
      %dma_start3A_79 = tpu.memref_slice %dma_start3A_77[%add3A_69, %dma_start3A_78] : memref<10240x128xf32, #tpu.memory_space<hbm>> -> memref<128x128xf32, #tpu.memory_space<hbm>>
      %dma_start3A_80 = arith.constant 0 : i32
      %dma_start3A_81 = arith.constant 0 : i32
      %dma_start3A_82 = tpu.memref_slice %arg6[%arg0, %dma_start3A_80, %dma_start3A_81] : memref<2x10240x128xf32, #tpu.memory_space<hbm>> -> memref<1x10240x128xf32, #tpu.memory_space<hbm>>
      %dma_start3A_83 = tpu.memref_squeeze %dma_start3A_82 : memref<1x10240x128xf32, #tpu.memory_space<hbm>> -> memref<10240x128xf32, #tpu.memory_space<hbm>>
      %dma_start3A_84 = arith.constant 0 : i32
      %dma_start3A_85 = tpu.memref_slice %dma_start3A_83[%add3A_69, %dma_start3A_84] : memref<10240x128xf32, #tpu.memory_space<hbm>> -> memref<128x128xf32, #tpu.memory_space<hbm>>
      tpu.enqueue_dma source(%arg9 : memref<128x128xf32, #tpu.memory_space<vmem>>) target(%dma_start3A_85 : memref<128x128xf32, #tpu.memory_space<hbm>>) target_semaphore(%run_scoped3A : memref<!tpu.dma_semaphore, #tpu.memory_space<semaphore_mem>>)
      %dma_wait3A = arith.constant 0 : i32
      %dma_wait3A_86 = arith.constant 0 : i32
      %dma_wait3A_87 = tpu.memref_slice %arg6[%arg0, %dma_wait3A, %dma_wait3A_86] : memref<2x10240x128xf32, #tpu.memory_space<hbm>> -> memref<1x10240x128xf32, #tpu.memory_space<hbm>>
      %dma_wait3A_88 = tpu.memref_squeeze %dma_wait3A_87 : memref<1x10240x128xf32, #tpu.memory_space<hbm>> -> memref<10240x128xf32, #tpu.memory_space<hbm>>
      %dma_wait3A_89 = arith.constant 0 : i32
      %dma_wait3A_90 = tpu.memref_slice %dma_wait3A_88[%add3A_69, %dma_wait3A_89] : memref<10240x128xf32, #tpu.memory_space<hbm>> -> memref<128x128xf32, #tpu.memory_space<hbm>>
      %dma_wait3A_91 = arith.constant 0 : i32
      %dma_wait3A_92 = arith.constant 0 : i32
      %dma_wait3A_93 = tpu.memref_slice %arg6[%arg0, %dma_wait3A_91, %dma_wait3A_92] : memref<2x10240x128xf32, #tpu.memory_space<hbm>> -> memref<1x10240x128xf32, #tpu.memory_space<hbm>>
      %dma_wait3A_94 = tpu.memref_squeeze %dma_wait3A_93 : memref<1x10240x128xf32, #tpu.memory_space<hbm>> -> memref<10240x128xf32, #tpu.memory_space<hbm>>
      %dma_wait3A_95 = arith.constant 0 : i32
      %dma_wait3A_96 = tpu.memref_slice %dma_wait3A_94[%add3A_69, %dma_wait3A_95] : memref<10240x128xf32, #tpu.memory_space<hbm>> -> memref<128x128xf32, #tpu.memory_space<hbm>>
      tpu.wait_dma2 semaphore(%run_scoped3A : memref<!tpu.dma_semaphore, #tpu.memory_space<semaphore_mem>>) src(%arg9 : memref<128x128xf32, #tpu.memory_space<vmem>>) dst(%dma_wait3A_96 : memref<128x128xf32, #tpu.memory_space<hbm>>)
      tpu.yield
    }) : () -> ()
    %add3A_70 = arith.constant 512 : i32
    %add3A_71 = arith.addi %mul3A_10, %add3A_70 : i32
    "tpu.region"() ({
      %run_scoped3A = tpu.sem_alloc : memref<!tpu.dma_semaphore, #tpu.memory_space<semaphore_mem>>
      %dma_start3A_74 = arith.constant 0 : i32
      %dma_start3A_75 = tpu.memref_slice %arg11[%add3A_71, %dma_start3A_74] : memref<10240x128xf32, #tpu.memory_space<vmem_shared>> -> memref<128x128xf32, #tpu.memory_space<vmem_shared>>
      %dma_start3A_76 = arith.constant 0 : i32
      %dma_start3A_77 = tpu.memref_slice %arg11[%add3A_71, %dma_start3A_76] : memref<10240x128xf32, #tpu.memory_space<vmem_shared>> -> memref<128x128xf32, #tpu.memory_space<vmem_shared>>
      tpu.enqueue_dma source(%dma_start3A_77 : memref<128x128xf32, #tpu.memory_space<vmem_shared>>) target(%arg9 : memref<128x128xf32, #tpu.memory_space<vmem>>) target_semaphore(%run_scoped3A : memref<!tpu.dma_semaphore, #tpu.memory_space<semaphore_mem>>)
      %dma_wait3A = arith.constant 0 : i32
      %dma_wait3A_78 = tpu.memref_slice %arg11[%add3A_71, %dma_wait3A] : memref<10240x128xf32, #tpu.memory_space<vmem_shared>> -> memref<128x128xf32, #tpu.memory_space<vmem_shared>>
      %dma_wait3A_79 = arith.constant 0 : i32
      %dma_wait3A_80 = tpu.memref_slice %arg11[%add3A_71, %dma_wait3A_79] : memref<10240x128xf32, #tpu.memory_space<vmem_shared>> -> memref<128x128xf32, #tpu.memory_space<vmem_shared>>
      tpu.wait_dma2 semaphore(%run_scoped3A : memref<!tpu.dma_semaphore, #tpu.memory_space<semaphore_mem>>) src(%dma_wait3A_80 : memref<128x128xf32, #tpu.memory_space<vmem_shared>>) dst(%arg9 : memref<128x128xf32, #tpu.memory_space<vmem>>)
      tpu.yield
    }) : () -> ()
    %add3A_72 = arith.constant 512 : i32
    %add3A_73 = arith.addi %mul3A_10, %add3A_72 : i32
    "tpu.region"() ({
      %run_scoped3A = tpu.sem_alloc : memref<!tpu.dma_semaphore, #tpu.memory_space<semaphore_mem>>
      %dma_start3A_74 = arith.constant 0 : i32
      %dma_start3A_75 = arith.constant 0 : i32
      %dma_start3A_76 = tpu.memref_slice %arg6[%arg0, %dma_start3A_74, %dma_start3A_75] : memref<2x10240x128xf32, #tpu.memory_space<hbm>> -> memref<1x10240x128xf32, #tpu.memory_space<hbm>>
      %dma_start3A_77 = tpu.memref_squeeze %dma_start3A_76 : memref<1x10240x128xf32, #tpu.memory_space<hbm>> -> memref<10240x128xf32, #tpu.memory_space<hbm>>
      %dma_start3A_78 = arith.constant 0 : i32
      %dma_start3A_79 = tpu.memref_slice %dma_start3A_77[%add3A_73, %dma_start3A_78] : memref<10240x128xf32, #tpu.memory_space<hbm>> -> memref<128x128xf32, #tpu.memory_space<hbm>>
      %dma_start3A_80 = arith.constant 0 : i32
      %dma_start3A_81 = arith.constant 0 : i32
      %dma_start3A_82 = tpu.memref_slice %arg6[%arg0, %dma_start3A_80, %dma_start3A_81] : memref<2x10240x128xf32, #tpu.memory_space<hbm>> -> memref<1x10240x128xf32, #tpu.memory_space<hbm>>
      %dma_start3A_83 = tpu.memref_squeeze %dma_start3A_82 : memref<1x10240x128xf32, #tpu.memory_space<hbm>> -> memref<10240x128xf32, #tpu.memory_space<hbm>>
      %dma_start3A_84 = arith.constant 0 : i32
      %dma_start3A_85 = tpu.memref_slice %dma_start3A_83[%add3A_73, %dma_start3A_84] : memref<10240x128xf32, #tpu.memory_space<hbm>> -> memref<128x128xf32, #tpu.memory_space<hbm>>
      tpu.enqueue_dma source(%arg9 : memref<128x128xf32, #tpu.memory_space<vmem>>) target(%dma_start3A_85 : memref<128x128xf32, #tpu.memory_space<hbm>>) target_semaphore(%run_scoped3A : memref<!tpu.dma_semaphore, #tpu.memory_space<semaphore_mem>>)
      %dma_wait3A = arith.constant 0 : i32
      %dma_wait3A_86 = arith.constant 0 : i32
      %dma_wait3A_87 = tpu.memref_slice %arg6[%arg0, %dma_wait3A, %dma_wait3A_86] : memref<2x10240x128xf32, #tpu.memory_space<hbm>> -> memref<1x10240x128xf32, #tpu.memory_space<hbm>>
      %dma_wait3A_88 = tpu.memref_squeeze %dma_wait3A_87 : memref<1x10240x128xf32, #tpu.memory_space<hbm>> -> memref<10240x128xf32, #tpu.memory_space<hbm>>
      %dma_wait3A_89 = arith.constant 0 : i32
      %dma_wait3A_90 = tpu.memref_slice %dma_wait3A_88[%add3A_73, %dma_wait3A_89] : memref<10240x128xf32, #tpu.memory_space<hbm>> -> memref<128x128xf32, #tpu.memory_space<hbm>>
      %dma_wait3A_91 = arith.constant 0 : i32
      %dma_wait3A_92 = arith.constant 0 : i32
      %dma_wait3A_93 = tpu.memref_slice %arg6[%arg0, %dma_wait3A_91, %dma_wait3A_92] : memref<2x10240x128xf32, #tpu.memory_space<hbm>> -> memref<1x10240x128xf32, #tpu.memory_space<hbm>>
      %dma_wait3A_94 = tpu.memref_squeeze %dma_wait3A_93 : memref<1x10240x128xf32, #tpu.memory_space<hbm>> -> memref<10240x128xf32, #tpu.memory_space<hbm>>
      %dma_wait3A_95 = arith.constant 0 : i32
      %dma_wait3A_96 = tpu.memref_slice %dma_wait3A_94[%add3A_73, %dma_wait3A_95] : memref<10240x128xf32, #tpu.memory_space<hbm>> -> memref<128x128xf32, #tpu.memory_space<hbm>>
      tpu.wait_dma2 semaphore(%run_scoped3A : memref<!tpu.dma_semaphore, #tpu.memory_space<semaphore_mem>>) src(%arg9 : memref<128x128xf32, #tpu.memory_space<vmem>>) dst(%dma_wait3A_96 : memref<128x128xf32, #tpu.memory_space<hbm>>)
      tpu.yield
    }) : () -> ()
    return
  }
}

#map = affine_map<(d0, d1) -> (0, 0)>
#map1 = affine_map<(d0, d1) -> (0, 0, 0)>
module attributes {stable_mosaic.version = 14 : i64} {
  func.func @agg(%arg0: i32, %arg1: i32, %arg2: memref<10000x128xf32, #tpu.memory_space<hbm>>, %arg3: memref<2560x128xi32, #tpu.memory_space<hbm>>, %arg4: memref<2560x128xi32, #tpu.memory_space<hbm>>, %arg5: memref<128x128xf32, #tpu.memory_space<hbm>>, %arg6: memref<2x10240x128xf32, #tpu.memory_space<hbm>>, %arg7: memref<40x128xi32, #tpu.memory_space<vmem>>, %arg8: memref<40x128xi32, #tpu.memory_space<vmem>>, %arg9: memref<128x128xf32, #tpu.memory_space<vmem>>, %arg10: memref<128x128xf32, #tpu.memory_space<vmem>>, %arg11: memref<10240x128xf32, #tpu.memory_space<vmem_shared>>, %arg12: memref<!tpu.dma_semaphore, #tpu.memory_space<semaphore_mem>>, %arg13: memref<!tpu.dma_semaphore, #tpu.memory_space<semaphore_mem>>, %arg14: memref<!tpu.dma_semaphore, #tpu.memory_space<semaphore_mem>>, %arg15: memref<!tpu.dma_semaphore, #tpu.memory_space<semaphore_mem>>) attributes {dimension_semantics = [#tpu.dimension_semantics<core_parallel>, #tpu.dimension_semantics<subcore_parallel>], iteration_bounds = array<i64: 2, 16>, scalar_prefetch = 0 : i64, scratch_operands = 9 : i64, tpu.core_type = #tpu.core_type<sc_vector_subcore>, window_params = [{transform_indices = #map}, {transform_indices = #map}, {transform_indices = #map}, {transform_indices = #map}, {transform_indices = #map1}]} {
    %mul3A = arith.constant 2 : i32
    %mul3A_0 = arith.muli %arg1, %mul3A : i32
    %add3A = arith.addi %mul3A_0, %arg0 : i32
    %mul3A_1 = arith.constant 80 : i32
    %mul3A_2 = arith.muli %add3A, %mul3A_1 : i32
    %add3A_3 = arith.constant 0 : i32
    %add3A_4 = arith.addi %mul3A_2, %add3A_3 : i32
    "tpu.region"() ({
      %run_scoped3A = tpu.sem_alloc : memref<!tpu.dma_semaphore, #tpu.memory_space<semaphore_mem>>
      %dma_start3A_74 = arith.constant 0 : i32
      %dma_start3A_75 = tpu.memref_slice %arg3[%add3A_4, %dma_start3A_74] : memref<2560x128xi32, #tpu.memory_space<hbm>> -> memref<40x128xi32, #tpu.memory_space<hbm>>
      %dma_start3A_76 = arith.constant 0 : i32
      %dma_start3A_77 = tpu.memref_slice %arg3[%add3A_4, %dma_start3A_76] : memref<2560x128xi32, #tpu.memory_space<hbm>> -> memref<40x128xi32, #tpu.memory_space<hbm>>
      tpu.enqueue_dma source(%dma_start3A_77 : memref<40x128xi32, #tpu.memory_space<hbm>>) target(%arg7 : memref<40x128xi32, #tpu.memory_space<vmem>>) target_semaphore(%run_scoped3A : memref<!tpu.dma_semaphore, #tpu.memory_space<semaphore_mem>>)
      %dma_wait3A = arith.constant 0 : i32
      %dma_wait3A_78 = tpu.memref_slice %arg3[%add3A_4, %dma_wait3A] : memref<2560x128xi32, #tpu.memory_space<hbm>> -> memref<40x128xi32, #tpu.memory_space<hbm>>
      %dma_wait3A_79 = arith.constant 0 : i32
      %dma_wait3A_80 = tpu.memref_slice %arg3[%add3A_4, %dma_wait3A_79] : memref<2560x128xi32, #tpu.memory_space<hbm>> -> memref<40x128xi32, #tpu.memory_space<hbm>>
      tpu.wait_dma2 semaphore(%run_scoped3A : memref<!tpu.dma_semaphore, #tpu.memory_space<semaphore_mem>>) src(%dma_wait3A_80 : memref<40x128xi32, #tpu.memory_space<hbm>>) dst(%arg7 : memref<40x128xi32, #tpu.memory_space<vmem>>)
      tpu.yield
    }) : () -> ()
    %mul3A_5 = arith.constant 80 : i32
    %mul3A_6 = arith.muli %add3A, %mul3A_5 : i32
    %add3A_7 = arith.constant 0 : i32
    %add3A_8 = arith.addi %mul3A_6, %add3A_7 : i32
    "tpu.region"() ({
      %run_scoped3A = tpu.sem_alloc : memref<!tpu.dma_semaphore, #tpu.memory_space<semaphore_mem>>
      %dma_start3A_74 = arith.constant 0 : i32
      %dma_start3A_75 = tpu.memref_slice %arg4[%add3A_8, %dma_start3A_74] : memref<2560x128xi32, #tpu.memory_space<hbm>> -> memref<40x128xi32, #tpu.memory_space<hbm>>
      %dma_start3A_76 = arith.constant 0 : i32
      %dma_start3A_77 = tpu.memref_slice %arg4[%add3A_8, %dma_start3A_76] : memref<2560x128xi32, #tpu.memory_space<hbm>> -> memref<40x128xi32, #tpu.memory_space<hbm>>
      tpu.enqueue_dma source(%dma_start3A_77 : memref<40x128xi32, #tpu.memory_space<hbm>>) target(%arg8 : memref<40x128xi32, #tpu.memory_space<vmem>>) target_semaphore(%run_scoped3A : memref<!tpu.dma_semaphore, #tpu.memory_space<semaphore_mem>>)
      %dma_wait3A = arith.constant 0 : i32
      %dma_wait3A_78 = tpu.memref_slice %arg4[%add3A_8, %dma_wait3A] : memref<2560x128xi32, #tpu.memory_space<hbm>> -> memref<40x128xi32, #tpu.memory_space<hbm>>
      %dma_wait3A_79 = arith.constant 0 : i32
      %dma_wait3A_80 = tpu.memref_slice %arg4[%add3A_8, %dma_wait3A_79] : memref<2560x128xi32, #tpu.memory_space<hbm>> -> memref<40x128xi32, #tpu.memory_space<hbm>>
      tpu.wait_dma2 semaphore(%run_scoped3A : memref<!tpu.dma_semaphore, #tpu.memory_space<semaphore_mem>>) src(%dma_wait3A_80 : memref<40x128xi32, #tpu.memory_space<hbm>>) dst(%arg8 : memref<40x128xi32, #tpu.memory_space<vmem>>)
      tpu.yield
    }) : () -> ()
    "tpu.region"() ({
      %run_scoped3A = tpu.sem_alloc : memref<!tpu.dma_semaphore, #tpu.memory_space<semaphore_mem>>
      tpu.enqueue_dma source(%arg5 : memref<128x128xf32, #tpu.memory_space<hbm>>) target(%arg9 : memref<128x128xf32, #tpu.memory_space<vmem>>) target_semaphore(%run_scoped3A : memref<!tpu.dma_semaphore, #tpu.memory_space<semaphore_mem>>)
      tpu.wait_dma2 semaphore(%run_scoped3A : memref<!tpu.dma_semaphore, #tpu.memory_space<semaphore_mem>>) src(%arg5 : memref<128x128xf32, #tpu.memory_space<hbm>>) dst(%arg9 : memref<128x128xf32, #tpu.memory_space<vmem>>)
      tpu.yield
    }) : () -> ()
    %mul3A_9 = arith.constant 640 : i32
    %mul3A_10 = arith.muli %arg1, %mul3A_9 : i32
    %add3A_11 = arith.constant 0 : i32
    %add3A_12 = arith.addi %mul3A_10, %add3A_11 : i32
    "tpu.region"() ({
      %run_scoped3A = tpu.sem_alloc : memref<!tpu.dma_semaphore, #tpu.memory_space<semaphore_mem>>
      %dma_start3A_74 = arith.constant 0 : i32
      %dma_start3A_75 = tpu.memref_slice %arg11[%add3A_12, %dma_start3A_74] : memref<10240x128xf32, #tpu.memory_space<vmem_shared>> -> memref<128x128xf32, #tpu.memory_space<vmem_shared>>
      %dma_start3A_76 = arith.constant 0 : i32
      %dma_start3A_77 = tpu.memref_slice %arg11[%add3A_12, %dma_start3A_76] : memref<10240x128xf32, #tpu.memory_space<vmem_shared>> -> memref<128x128xf32, #tpu.memory_space<vmem_shared>>
      tpu.enqueue_dma source(%arg9 : memref<128x128xf32, #tpu.memory_space<vmem>>) target(%dma_start3A_77 : memref<128x128xf32, #tpu.memory_space<vmem_shared>>) target_semaphore(%run_scoped3A : memref<!tpu.dma_semaphore, #tpu.memory_space<semaphore_mem>>)
      %dma_wait3A = arith.constant 0 : i32
      %dma_wait3A_78 = tpu.memref_slice %arg11[%add3A_12, %dma_wait3A] : memref<10240x128xf32, #tpu.memory_space<vmem_shared>> -> memref<128x128xf32, #tpu.memory_space<vmem_shared>>
      %dma_wait3A_79 = arith.constant 0 : i32
      %dma_wait3A_80 = tpu.memref_slice %arg11[%add3A_12, %dma_wait3A_79] : memref<10240x128xf32, #tpu.memory_space<vmem_shared>> -> memref<128x128xf32, #tpu.memory_space<vmem_shared>>
      tpu.wait_dma2 semaphore(%run_scoped3A : memref<!tpu.dma_semaphore, #tpu.memory_space<semaphore_mem>>) src(%arg9 : memref<128x128xf32, #tpu.memory_space<vmem>>) dst(%dma_wait3A_80 : memref<128x128xf32, #tpu.memory_space<vmem_shared>>)
      tpu.yield
    }) : () -> ()
    %add3A_13 = arith.constant 128 : i32
    %add3A_14 = arith.addi %mul3A_10, %add3A_13 : i32
    "tpu.region"() ({
      %run_scoped3A = tpu.sem_alloc : memref<!tpu.dma_semaphore, #tpu.memory_space<semaphore_mem>>
      %dma_start3A_74 = arith.constant 0 : i32
      %dma_start3A_75 = tpu.memref_slice %arg11[%add3A_14, %dma_start3A_74] : memref<10240x128xf32, #tpu.memory_space<vmem_shared>> -> memref<128x128xf32, #tpu.memory_space<vmem_shared>>
      %dma_start3A_76 = arith.constant 0 : i32
      %dma_start3A_77 = tpu.memref_slice %arg11[%add3A_14, %dma_start3A_76] : memref<10240x128xf32, #tpu.memory_space<vmem_shared>> -> memref<128x128xf32, #tpu.memory_space<vmem_shared>>
      tpu.enqueue_dma source(%arg9 : memref<128x128xf32, #tpu.memory_space<vmem>>) target(%dma_start3A_77 : memref<128x128xf32, #tpu.memory_space<vmem_shared>>) target_semaphore(%run_scoped3A : memref<!tpu.dma_semaphore, #tpu.memory_space<semaphore_mem>>)
      %dma_wait3A = arith.constant 0 : i32
      %dma_wait3A_78 = tpu.memref_slice %arg11[%add3A_14, %dma_wait3A] : memref<10240x128xf32, #tpu.memory_space<vmem_shared>> -> memref<128x128xf32, #tpu.memory_space<vmem_shared>>
      %dma_wait3A_79 = arith.constant 0 : i32
      %dma_wait3A_80 = tpu.memref_slice %arg11[%add3A_14, %dma_wait3A_79] : memref<10240x128xf32, #tpu.memory_space<vmem_shared>> -> memref<128x128xf32, #tpu.memory_space<vmem_shared>>
      tpu.wait_dma2 semaphore(%run_scoped3A : memref<!tpu.dma_semaphore, #tpu.memory_space<semaphore_mem>>) src(%arg9 : memref<128x128xf32, #tpu.memory_space<vmem>>) dst(%dma_wait3A_80 : memref<128x128xf32, #tpu.memory_space<vmem_shared>>)
      tpu.yield
    }) : () -> ()
    %add3A_15 = arith.constant 256 : i32
    %add3A_16 = arith.addi %mul3A_10, %add3A_15 : i32
    "tpu.region"() ({
      %run_scoped3A = tpu.sem_alloc : memref<!tpu.dma_semaphore, #tpu.memory_space<semaphore_mem>>
      %dma_start3A_74 = arith.constant 0 : i32
      %dma_start3A_75 = tpu.memref_slice %arg11[%add3A_16, %dma_start3A_74] : memref<10240x128xf32, #tpu.memory_space<vmem_shared>> -> memref<128x128xf32, #tpu.memory_space<vmem_shared>>
      %dma_start3A_76 = arith.constant 0 : i32
      %dma_start3A_77 = tpu.memref_slice %arg11[%add3A_16, %dma_start3A_76] : memref<10240x128xf32, #tpu.memory_space<vmem_shared>> -> memref<128x128xf32, #tpu.memory_space<vmem_shared>>
      tpu.enqueue_dma source(%arg9 : memref<128x128xf32, #tpu.memory_space<vmem>>) target(%dma_start3A_77 : memref<128x128xf32, #tpu.memory_space<vmem_shared>>) target_semaphore(%run_scoped3A : memref<!tpu.dma_semaphore, #tpu.memory_space<semaphore_mem>>)
      %dma_wait3A = arith.constant 0 : i32
      %dma_wait3A_78 = tpu.memref_slice %arg11[%add3A_16, %dma_wait3A] : memref<10240x128xf32, #tpu.memory_space<vmem_shared>> -> memref<128x128xf32, #tpu.memory_space<vmem_shared>>
      %dma_wait3A_79 = arith.constant 0 : i32
      %dma_wait3A_80 = tpu.memref_slice %arg11[%add3A_16, %dma_wait3A_79] : memref<10240x128xf32, #tpu.memory_space<vmem_shared>> -> memref<128x128xf32, #tpu.memory_space<vmem_shared>>
      tpu.wait_dma2 semaphore(%run_scoped3A : memref<!tpu.dma_semaphore, #tpu.memory_space<semaphore_mem>>) src(%arg9 : memref<128x128xf32, #tpu.memory_space<vmem>>) dst(%dma_wait3A_80 : memref<128x128xf32, #tpu.memory_space<vmem_shared>>)
      tpu.yield
    }) : () -> ()
    %add3A_17 = arith.constant 384 : i32
    %add3A_18 = arith.addi %mul3A_10, %add3A_17 : i32
    "tpu.region"() ({
      %run_scoped3A = tpu.sem_alloc : memref<!tpu.dma_semaphore, #tpu.memory_space<semaphore_mem>>
      %dma_start3A_74 = arith.constant 0 : i32
      %dma_start3A_75 = tpu.memref_slice %arg11[%add3A_18, %dma_start3A_74] : memref<10240x128xf32, #tpu.memory_space<vmem_shared>> -> memref<128x128xf32, #tpu.memory_space<vmem_shared>>
      %dma_start3A_76 = arith.constant 0 : i32
      %dma_start3A_77 = tpu.memref_slice %arg11[%add3A_18, %dma_start3A_76] : memref<10240x128xf32, #tpu.memory_space<vmem_shared>> -> memref<128x128xf32, #tpu.memory_space<vmem_shared>>
      tpu.enqueue_dma source(%arg9 : memref<128x128xf32, #tpu.memory_space<vmem>>) target(%dma_start3A_77 : memref<128x128xf32, #tpu.memory_space<vmem_shared>>) target_semaphore(%run_scoped3A : memref<!tpu.dma_semaphore, #tpu.memory_space<semaphore_mem>>)
      %dma_wait3A = arith.constant 0 : i32
      %dma_wait3A_78 = tpu.memref_slice %arg11[%add3A_18, %dma_wait3A] : memref<10240x128xf32, #tpu.memory_space<vmem_shared>> -> memref<128x128xf32, #tpu.memory_space<vmem_shared>>
      %dma_wait3A_79 = arith.constant 0 : i32
      %dma_wait3A_80 = tpu.memref_slice %arg11[%add3A_18, %dma_wait3A_79] : memref<10240x128xf32, #tpu.memory_space<vmem_shared>> -> memref<128x128xf32, #tpu.memory_space<vmem_shared>>
      tpu.wait_dma2 semaphore(%run_scoped3A : memref<!tpu.dma_semaphore, #tpu.memory_space<semaphore_mem>>) src(%arg9 : memref<128x128xf32, #tpu.memory_space<vmem>>) dst(%dma_wait3A_80 : memref<128x128xf32, #tpu.memory_space<vmem_shared>>)
      tpu.yield
    }) : () -> ()
    %add3A_19 = arith.constant 512 : i32
    %add3A_20 = arith.addi %mul3A_10, %add3A_19 : i32
    "tpu.region"() ({
      %run_scoped3A = tpu.sem_alloc : memref<!tpu.dma_semaphore, #tpu.memory_space<semaphore_mem>>
      %dma_start3A_74 = arith.constant 0 : i32
      %dma_start3A_75 = tpu.memref_slice %arg11[%add3A_20, %dma_start3A_74] : memref<10240x128xf32, #tpu.memory_space<vmem_shared>> -> memref<128x128xf32, #tpu.memory_space<vmem_shared>>
      %dma_start3A_76 = arith.constant 0 : i32
      %dma_start3A_77 = tpu.memref_slice %arg11[%add3A_20, %dma_start3A_76] : memref<10240x128xf32, #tpu.memory_space<vmem_shared>> -> memref<128x128xf32, #tpu.memory_space<vmem_shared>>
      tpu.enqueue_dma source(%arg9 : memref<128x128xf32, #tpu.memory_space<vmem>>) target(%dma_start3A_77 : memref<128x128xf32, #tpu.memory_space<vmem_shared>>) target_semaphore(%run_scoped3A : memref<!tpu.dma_semaphore, #tpu.memory_space<semaphore_mem>>)
      %dma_wait3A = arith.constant 0 : i32
      %dma_wait3A_78 = tpu.memref_slice %arg11[%add3A_20, %dma_wait3A] : memref<10240x128xf32, #tpu.memory_space<vmem_shared>> -> memref<128x128xf32, #tpu.memory_space<vmem_shared>>
      %dma_wait3A_79 = arith.constant 0 : i32
      %dma_wait3A_80 = tpu.memref_slice %arg11[%add3A_20, %dma_wait3A_79] : memref<10240x128xf32, #tpu.memory_space<vmem_shared>> -> memref<128x128xf32, #tpu.memory_space<vmem_shared>>
      tpu.wait_dma2 semaphore(%run_scoped3A : memref<!tpu.dma_semaphore, #tpu.memory_space<semaphore_mem>>) src(%arg9 : memref<128x128xf32, #tpu.memory_space<vmem>>) dst(%dma_wait3A_80 : memref<128x128xf32, #tpu.memory_space<vmem_shared>>)
      tpu.yield
    }) : () -> ()
    %barrier3A = arith.constant 0 : index
    tpu.barrier barrier_id(%barrier3A)
    %dma_start3A = arith.constant 0 : i32
    %dma_start3A_21 = arith.constant 0 : i32
    %dma_start3A_22 = tpu.memref_slice %arg7[%dma_start3A, %dma_start3A_21] : memref<40x128xi32, #tpu.memory_space<vmem>> -> memref<1x128xi32, #tpu.memory_space<vmem>>
    %dma_start3A_23 = tpu.memref_squeeze %dma_start3A_22 : memref<1x128xi32, #tpu.memory_space<vmem>> -> memref<128xi32, #tpu.memory_space<vmem>>
    %dma_start3A_24 = arith.constant 0 : i32
    %dma_start3A_25 = arith.constant 0 : i32
    %dma_start3A_26 = tpu.memref_slice %arg2[%dma_start3A_24, %dma_start3A_25] : memref<10000x128xf32, #tpu.memory_space<hbm>> -> memref<10000x128xf32, #tpu.memory_space<hbm>>
    tpu.enqueue_indirect_dma source(%dma_start3A_26 : memref<10000x128xf32, #tpu.memory_space<hbm>>) target(%arg9 : memref<128x128xf32, #tpu.memory_space<vmem>>) offsets(%dma_start3A_23 : memref<128xi32, #tpu.memory_space<vmem>>) semaphore(%arg12 : memref<!tpu.dma_semaphore, #tpu.memory_space<semaphore_mem>>)
    %scan3A = arith.constant 0 : i32
    %scan3A_27 = arith.constant 0 : i32
    %scan3A_28 = arith.constant 20 : i32
    %scan3A_29 = arith.addi %scan3A_27, %scan3A_28 : i32
    %scan3A_30 = arith.constant 1 : i32
    scf.for %scan3A_74 = %scan3A_27 to %scan3A_29 step %scan3A_30  : i32 {
      %mul3A_75 = arith.constant 2 : i32
      %mul3A_76 = arith.muli %mul3A_75, %scan3A_74 : i32
      %add3A_77 = arith.constant 1 : i32
      %add3A_78 = arith.addi %mul3A_76, %add3A_77 : i32
      %dma_start3A_79 = arith.constant 0 : i32
      %dma_start3A_80 = tpu.memref_slice %arg7[%add3A_78, %dma_start3A_79] : memref<40x128xi32, #tpu.memory_space<vmem>> -> memref<1x128xi32, #tpu.memory_space<vmem>>
      %dma_start3A_81 = tpu.memref_squeeze %dma_start3A_80 : memref<1x128xi32, #tpu.memory_space<vmem>> -> memref<128xi32, #tpu.memory_space<vmem>>
      %dma_start3A_82 = arith.constant 0 : i32
      %dma_start3A_83 = arith.constant 0 : i32
      %dma_start3A_84 = tpu.memref_slice %arg2[%dma_start3A_82, %dma_start3A_83] : memref<10000x128xf32, #tpu.memory_space<hbm>> -> memref<10000x128xf32, #tpu.memory_space<hbm>>
      tpu.enqueue_indirect_dma source(%dma_start3A_84 : memref<10000x128xf32, #tpu.memory_space<hbm>>) target(%arg10 : memref<128x128xf32, #tpu.memory_space<vmem>>) offsets(%dma_start3A_81 : memref<128xi32, #tpu.memory_space<vmem>>) semaphore(%arg13 : memref<!tpu.dma_semaphore, #tpu.memory_space<semaphore_mem>>)
      %dma_wait3A = arith.constant 0 : i32
      %dma_wait3A_85 = tpu.memref_slice %arg7[%mul3A_76, %dma_wait3A] : memref<40x128xi32, #tpu.memory_space<vmem>> -> memref<1x128xi32, #tpu.memory_space<vmem>>
      %dma_wait3A_86 = tpu.memref_squeeze %dma_wait3A_85 : memref<1x128xi32, #tpu.memory_space<vmem>> -> memref<128xi32, #tpu.memory_space<vmem>>
      %dma_wait3A_87 = arith.constant 0 : i32
      %dma_wait3A_88 = arith.constant 0 : i32
      %dma_wait3A_89 = tpu.memref_slice %arg2[%dma_wait3A_87, %dma_wait3A_88] : memref<10000x128xf32, #tpu.memory_space<hbm>> -> memref<10000x128xf32, #tpu.memory_space<hbm>>
      tpu.wait_indirect_dma semaphore(%arg12 : memref<!tpu.dma_semaphore, #tpu.memory_space<semaphore_mem>>) src(%dma_wait3A_89 : memref<10000x128xf32, #tpu.memory_space<hbm>>) dst(%arg9 : memref<128x128xf32, #tpu.memory_space<vmem>>)
      "tpu.region"() ({
        %run_scoped3A = tpu.sem_alloc : memref<!tpu.dma_semaphore, #tpu.memory_space<semaphore_mem>>
        %dma_start3A_104 = arith.constant 0 : i32
        %dma_start3A_105 = tpu.memref_slice %arg8[%mul3A_76, %dma_start3A_104] : memref<40x128xi32, #tpu.memory_space<vmem>> -> memref<1x128xi32, #tpu.memory_space<vmem>>
        %dma_start3A_106 = tpu.memref_squeeze %dma_start3A_105 : memref<1x128xi32, #tpu.memory_space<vmem>> -> memref<128xi32, #tpu.memory_space<vmem>>
        %dma_start3A_107 = arith.constant 0 : i32
        %dma_start3A_108 = arith.constant 0 : i32
        %dma_start3A_109 = tpu.memref_slice %arg11[%dma_start3A_107, %dma_start3A_108] : memref<10240x128xf32, #tpu.memory_space<vmem_shared>> -> memref<10240x128xf32, #tpu.memory_space<vmem_shared>>
        tpu.enqueue_indirect_dma source(%arg9 : memref<128x128xf32, #tpu.memory_space<vmem>>) target(%dma_start3A_109 : memref<10240x128xf32, #tpu.memory_space<vmem_shared>>) offsets(%dma_start3A_106 : memref<128xi32, #tpu.memory_space<vmem>>) semaphore(%run_scoped3A : memref<!tpu.dma_semaphore, #tpu.memory_space<semaphore_mem>>) {add = true}
        %dma_wait3A_110 = arith.constant 0 : i32
        %dma_wait3A_111 = tpu.memref_slice %arg8[%mul3A_76, %dma_wait3A_110] : memref<40x128xi32, #tpu.memory_space<vmem>> -> memref<1x128xi32, #tpu.memory_space<vmem>>
        %dma_wait3A_112 = tpu.memref_squeeze %dma_wait3A_111 : memref<1x128xi32, #tpu.memory_space<vmem>> -> memref<128xi32, #tpu.memory_space<vmem>>
        %dma_wait3A_113 = arith.constant 0 : i32
        %dma_wait3A_114 = arith.constant 0 : i32
        %dma_wait3A_115 = tpu.memref_slice %arg11[%dma_wait3A_113, %dma_wait3A_114] : memref<10240x128xf32, #tpu.memory_space<vmem_shared>> -> memref<10240x128xf32, #tpu.memory_space<vmem_shared>>
        tpu.wait_indirect_dma semaphore(%run_scoped3A : memref<!tpu.dma_semaphore, #tpu.memory_space<semaphore_mem>>) src(%arg9 : memref<128x128xf32, #tpu.memory_space<vmem>>) dst(%dma_wait3A_115 : memref<10240x128xf32, #tpu.memory_space<vmem_shared>>)
        tpu.yield
      }) : () -> ()
      %add3A_90 = arith.constant 2 : i32
      %add3A_91 = arith.addi %mul3A_76, %add3A_90 : i32
      %lt3A = arith.constant 40 : i32
      %lt3A_92 = arith.cmpi slt, %add3A_91, %lt3A : i32
      %convert_element_type3A = arith.extui %lt3A_92 : i1 to i32
      %cond3A = arith.constant 0 : i32
      %cond3A_93 = arith.cmpi ne, %convert_element_type3A, %cond3A : i32
      scf.if %cond3A_93 {
        %add3A_104 = arith.constant 2 : i32
        %add3A_105 = arith.addi %mul3A_76, %add3A_104 : i32
        %dma_start3A_106 = arith.constant 0 : i32
        %dma_start3A_107 = tpu.memref_slice %arg7[%add3A_105, %dma_start3A_106] : memref<40x128xi32, #tpu.memory_space<vmem>> -> memref<1x128xi32, #tpu.memory_space<vmem>>
        %dma_start3A_108 = tpu.memref_squeeze %dma_start3A_107 : memref<1x128xi32, #tpu.memory_space<vmem>> -> memref<128xi32, #tpu.memory_space<vmem>>
        %dma_start3A_109 = arith.constant 0 : i32
        %dma_start3A_110 = arith.constant 0 : i32
        %dma_start3A_111 = tpu.memref_slice %arg2[%dma_start3A_109, %dma_start3A_110] : memref<10000x128xf32, #tpu.memory_space<hbm>> -> memref<10000x128xf32, #tpu.memory_space<hbm>>
        tpu.enqueue_indirect_dma source(%dma_start3A_111 : memref<10000x128xf32, #tpu.memory_space<hbm>>) target(%arg9 : memref<128x128xf32, #tpu.memory_space<vmem>>) offsets(%dma_start3A_108 : memref<128xi32, #tpu.memory_space<vmem>>) semaphore(%arg12 : memref<!tpu.dma_semaphore, #tpu.memory_space<semaphore_mem>>)
      } else {
      }
      %add3A_94 = arith.constant 1 : i32
      %add3A_95 = arith.addi %mul3A_76, %add3A_94 : i32
      %dma_wait3A_96 = arith.constant 0 : i32
      %dma_wait3A_97 = tpu.memref_slice %arg7[%add3A_95, %dma_wait3A_96] : memref<40x128xi32, #tpu.memory_space<vmem>> -> memref<1x128xi32, #tpu.memory_space<vmem>>
      %dma_wait3A_98 = tpu.memref_squeeze %dma_wait3A_97 : memref<1x128xi32, #tpu.memory_space<vmem>> -> memref<128xi32, #tpu.memory_space<vmem>>
      %dma_wait3A_99 = arith.constant 0 : i32
      %dma_wait3A_100 = arith.constant 0 : i32
      %dma_wait3A_101 = tpu.memref_slice %arg2[%dma_wait3A_99, %dma_wait3A_100] : memref<10000x128xf32, #tpu.memory_space<hbm>> -> memref<10000x128xf32, #tpu.memory_space<hbm>>
      tpu.wait_indirect_dma semaphore(%arg13 : memref<!tpu.dma_semaphore, #tpu.memory_space<semaphore_mem>>) src(%dma_wait3A_101 : memref<10000x128xf32, #tpu.memory_space<hbm>>) dst(%arg10 : memref<128x128xf32, #tpu.memory_space<vmem>>)
      %add3A_102 = arith.constant 1 : i32
      %add3A_103 = arith.addi %mul3A_76, %add3A_102 : i32
      "tpu.region"() ({
        %run_scoped3A = tpu.sem_alloc : memref<!tpu.dma_semaphore, #tpu.memory_space<semaphore_mem>>
        %dma_start3A_104 = arith.constant 0 : i32
        %dma_start3A_105 = tpu.memref_slice %arg8[%add3A_103, %dma_start3A_104] : memref<40x128xi32, #tpu.memory_space<vmem>> -> memref<1x128xi32, #tpu.memory_space<vmem>>
        %dma_start3A_106 = tpu.memref_squeeze %dma_start3A_105 : memref<1x128xi32, #tpu.memory_space<vmem>> -> memref<128xi32, #tpu.memory_space<vmem>>
        %dma_start3A_107 = arith.constant 0 : i32
        %dma_start3A_108 = arith.constant 0 : i32
        %dma_start3A_109 = tpu.memref_slice %arg11[%dma_start3A_107, %dma_start3A_108] : memref<10240x128xf32, #tpu.memory_space<vmem_shared>> -> memref<10240x128xf32, #tpu.memory_space<vmem_shared>>
        tpu.enqueue_indirect_dma source(%arg10 : memref<128x128xf32, #tpu.memory_space<vmem>>) target(%dma_start3A_109 : memref<10240x128xf32, #tpu.memory_space<vmem_shared>>) offsets(%dma_start3A_106 : memref<128xi32, #tpu.memory_space<vmem>>) semaphore(%run_scoped3A : memref<!tpu.dma_semaphore, #tpu.memory_space<semaphore_mem>>) {add = true}
        %dma_wait3A_110 = arith.constant 0 : i32
        %dma_wait3A_111 = tpu.memref_slice %arg8[%add3A_103, %dma_wait3A_110] : memref<40x128xi32, #tpu.memory_space<vmem>> -> memref<1x128xi32, #tpu.memory_space<vmem>>
        %dma_wait3A_112 = tpu.memref_squeeze %dma_wait3A_111 : memref<1x128xi32, #tpu.memory_space<vmem>> -> memref<128xi32, #tpu.memory_space<vmem>>
        %dma_wait3A_113 = arith.constant 0 : i32
        %dma_wait3A_114 = arith.constant 0 : i32
        %dma_wait3A_115 = tpu.memref_slice %arg11[%dma_wait3A_113, %dma_wait3A_114] : memref<10240x128xf32, #tpu.memory_space<vmem_shared>> -> memref<10240x128xf32, #tpu.memory_space<vmem_shared>>
        tpu.wait_indirect_dma semaphore(%run_scoped3A : memref<!tpu.dma_semaphore, #tpu.memory_space<semaphore_mem>>) src(%arg10 : memref<128x128xf32, #tpu.memory_space<vmem>>) dst(%dma_wait3A_115 : memref<10240x128xf32, #tpu.memory_space<vmem_shared>>)
        tpu.yield
      }) : () -> ()
    }
    %scan3A_31 = arith.constant 20 : i32
    %mul3A_32 = arith.constant 80 : i32
    %mul3A_33 = arith.muli %add3A, %mul3A_32 : i32
    %add3A_34 = arith.constant 40 : i32
    %add3A_35 = arith.addi %mul3A_33, %add3A_34 : i32
    "tpu.region"() ({
      %run_scoped3A = tpu.sem_alloc : memref<!tpu.dma_semaphore, #tpu.memory_space<semaphore_mem>>
      %dma_start3A_74 = arith.constant 0 : i32
      %dma_start3A_75 = tpu.memref_slice %arg3[%add3A_35, %dma_start3A_74] : memref<2560x128xi32, #tpu.memory_space<hbm>> -> memref<40x128xi32, #tpu.memory_space<hbm>>
      %dma_start3A_76 = arith.constant 0 : i32
      %dma_start3A_77 = tpu.memref_slice %arg3[%add3A_35, %dma_start3A_76] : memref<2560x128xi32, #tpu.memory_space<hbm>> -> memref<40x128xi32, #tpu.memory_space<hbm>>
      tpu.enqueue_dma source(%dma_start3A_77 : memref<40x128xi32, #tpu.memory_space<hbm>>) target(%arg7 : memref<40x128xi32, #tpu.memory_space<vmem>>) target_semaphore(%run_scoped3A : memref<!tpu.dma_semaphore, #tpu.memory_space<semaphore_mem>>)
      %dma_wait3A = arith.constant 0 : i32
      %dma_wait3A_78 = tpu.memref_slice %arg3[%add3A_35, %dma_wait3A] : memref<2560x128xi32, #tpu.memory_space<hbm>> -> memref<40x128xi32, #tpu.memory_space<hbm>>
      %dma_wait3A_79 = arith.constant 0 : i32
      %dma_wait3A_80 = tpu.memref_slice %arg3[%add3A_35, %dma_wait3A_79] : memref<2560x128xi32, #tpu.memory_space<hbm>> -> memref<40x128xi32, #tpu.memory_space<hbm>>
      tpu.wait_dma2 semaphore(%run_scoped3A : memref<!tpu.dma_semaphore, #tpu.memory_space<semaphore_mem>>) src(%dma_wait3A_80 : memref<40x128xi32, #tpu.memory_space<hbm>>) dst(%arg7 : memref<40x128xi32, #tpu.memory_space<vmem>>)
      tpu.yield
    }) : () -> ()
    %mul3A_36 = arith.constant 80 : i32
    %mul3A_37 = arith.muli %add3A, %mul3A_36 : i32
    %add3A_38 = arith.constant 40 : i32
    %add3A_39 = arith.addi %mul3A_37, %add3A_38 : i32
    "tpu.region"() ({
      %run_scoped3A = tpu.sem_alloc : memref<!tpu.dma_semaphore, #tpu.memory_space<semaphore_mem>>
      %dma_start3A_74 = arith.constant 0 : i32
      %dma_start3A_75 = tpu.memref_slice %arg4[%add3A_39, %dma_start3A_74] : memref<2560x128xi32, #tpu.memory_space<hbm>> -> memref<40x128xi32, #tpu.memory_space<hbm>>
      %dma_start3A_76 = arith.constant 0 : i32
      %dma_start3A_77 = tpu.memref_slice %arg4[%add3A_39, %dma_start3A_76] : memref<2560x128xi32, #tpu.memory_space<hbm>> -> memref<40x128xi32, #tpu.memory_space<hbm>>
      tpu.enqueue_dma source(%dma_start3A_77 : memref<40x128xi32, #tpu.memory_space<hbm>>) target(%arg8 : memref<40x128xi32, #tpu.memory_space<vmem>>) target_semaphore(%run_scoped3A : memref<!tpu.dma_semaphore, #tpu.memory_space<semaphore_mem>>)
      %dma_wait3A = arith.constant 0 : i32
      %dma_wait3A_78 = tpu.memref_slice %arg4[%add3A_39, %dma_wait3A] : memref<2560x128xi32, #tpu.memory_space<hbm>> -> memref<40x128xi32, #tpu.memory_space<hbm>>
      %dma_wait3A_79 = arith.constant 0 : i32
      %dma_wait3A_80 = tpu.memref_slice %arg4[%add3A_39, %dma_wait3A_79] : memref<2560x128xi32, #tpu.memory_space<hbm>> -> memref<40x128xi32, #tpu.memory_space<hbm>>
      tpu.wait_dma2 semaphore(%run_scoped3A : memref<!tpu.dma_semaphore, #tpu.memory_space<semaphore_mem>>) src(%dma_wait3A_80 : memref<40x128xi32, #tpu.memory_space<hbm>>) dst(%arg8 : memref<40x128xi32, #tpu.memory_space<vmem>>)
      tpu.yield
    }) : () -> ()
    %dma_start3A_40 = arith.constant 0 : i32
    %dma_start3A_41 = arith.constant 0 : i32
    %dma_start3A_42 = tpu.memref_slice %arg7[%dma_start3A_40, %dma_start3A_41] : memref<40x128xi32, #tpu.memory_space<vmem>> -> memref<1x128xi32, #tpu.memory_space<vmem>>
    %dma_start3A_43 = tpu.memref_squeeze %dma_start3A_42 : memref<1x128xi32, #tpu.memory_space<vmem>> -> memref<128xi32, #tpu.memory_space<vmem>>
    %dma_start3A_44 = arith.constant 0 : i32
    %dma_start3A_45 = arith.constant 0 : i32
    %dma_start3A_46 = tpu.memref_slice %arg2[%dma_start3A_44, %dma_start3A_45] : memref<10000x128xf32, #tpu.memory_space<hbm>> -> memref<10000x128xf32, #tpu.memory_space<hbm>>
    tpu.enqueue_indirect_dma source(%dma_start3A_46 : memref<10000x128xf32, #tpu.memory_space<hbm>>) target(%arg9 : memref<128x128xf32, #tpu.memory_space<vmem>>) offsets(%dma_start3A_43 : memref<128xi32, #tpu.memory_space<vmem>>) semaphore(%arg12 : memref<!tpu.dma_semaphore, #tpu.memory_space<semaphore_mem>>)
    %scan3A_47 = arith.constant 0 : i32
    %scan3A_48 = arith.constant 0 : i32
    %scan3A_49 = arith.constant 20 : i32
    %scan3A_50 = arith.addi %scan3A_48, %scan3A_49 : i32
    %scan3A_51 = arith.constant 1 : i32
    scf.for %scan3A_74 = %scan3A_48 to %scan3A_50 step %scan3A_51  : i32 {
      %mul3A_75 = arith.constant 2 : i32
      %mul3A_76 = arith.muli %mul3A_75, %scan3A_74 : i32
      %add3A_77 = arith.constant 1 : i32
      %add3A_78 = arith.addi %mul3A_76, %add3A_77 : i32
      %dma_start3A_79 = arith.constant 0 : i32
      %dma_start3A_80 = tpu.memref_slice %arg7[%add3A_78, %dma_start3A_79] : memref<40x128xi32, #tpu.memory_space<vmem>> -> memref<1x128xi32, #tpu.memory_space<vmem>>
      %dma_start3A_81 = tpu.memref_squeeze %dma_start3A_80 : memref<1x128xi32, #tpu.memory_space<vmem>> -> memref<128xi32, #tpu.memory_space<vmem>>
      %dma_start3A_82 = arith.constant 0 : i32
      %dma_start3A_83 = arith.constant 0 : i32
      %dma_start3A_84 = tpu.memref_slice %arg2[%dma_start3A_82, %dma_start3A_83] : memref<10000x128xf32, #tpu.memory_space<hbm>> -> memref<10000x128xf32, #tpu.memory_space<hbm>>
      tpu.enqueue_indirect_dma source(%dma_start3A_84 : memref<10000x128xf32, #tpu.memory_space<hbm>>) target(%arg10 : memref<128x128xf32, #tpu.memory_space<vmem>>) offsets(%dma_start3A_81 : memref<128xi32, #tpu.memory_space<vmem>>) semaphore(%arg13 : memref<!tpu.dma_semaphore, #tpu.memory_space<semaphore_mem>>)
      %dma_wait3A = arith.constant 0 : i32
      %dma_wait3A_85 = tpu.memref_slice %arg7[%mul3A_76, %dma_wait3A] : memref<40x128xi32, #tpu.memory_space<vmem>> -> memref<1x128xi32, #tpu.memory_space<vmem>>
      %dma_wait3A_86 = tpu.memref_squeeze %dma_wait3A_85 : memref<1x128xi32, #tpu.memory_space<vmem>> -> memref<128xi32, #tpu.memory_space<vmem>>
      %dma_wait3A_87 = arith.constant 0 : i32
      %dma_wait3A_88 = arith.constant 0 : i32
      %dma_wait3A_89 = tpu.memref_slice %arg2[%dma_wait3A_87, %dma_wait3A_88] : memref<10000x128xf32, #tpu.memory_space<hbm>> -> memref<10000x128xf32, #tpu.memory_space<hbm>>
      tpu.wait_indirect_dma semaphore(%arg12 : memref<!tpu.dma_semaphore, #tpu.memory_space<semaphore_mem>>) src(%dma_wait3A_89 : memref<10000x128xf32, #tpu.memory_space<hbm>>) dst(%arg9 : memref<128x128xf32, #tpu.memory_space<vmem>>)
      "tpu.region"() ({
        %run_scoped3A = tpu.sem_alloc : memref<!tpu.dma_semaphore, #tpu.memory_space<semaphore_mem>>
        %dma_start3A_104 = arith.constant 0 : i32
        %dma_start3A_105 = tpu.memref_slice %arg8[%mul3A_76, %dma_start3A_104] : memref<40x128xi32, #tpu.memory_space<vmem>> -> memref<1x128xi32, #tpu.memory_space<vmem>>
        %dma_start3A_106 = tpu.memref_squeeze %dma_start3A_105 : memref<1x128xi32, #tpu.memory_space<vmem>> -> memref<128xi32, #tpu.memory_space<vmem>>
        %dma_start3A_107 = arith.constant 0 : i32
        %dma_start3A_108 = arith.constant 0 : i32
        %dma_start3A_109 = tpu.memref_slice %arg11[%dma_start3A_107, %dma_start3A_108] : memref<10240x128xf32, #tpu.memory_space<vmem_shared>> -> memref<10240x128xf32, #tpu.memory_space<vmem_shared>>
        tpu.enqueue_indirect_dma source(%arg9 : memref<128x128xf32, #tpu.memory_space<vmem>>) target(%dma_start3A_109 : memref<10240x128xf32, #tpu.memory_space<vmem_shared>>) offsets(%dma_start3A_106 : memref<128xi32, #tpu.memory_space<vmem>>) semaphore(%run_scoped3A : memref<!tpu.dma_semaphore, #tpu.memory_space<semaphore_mem>>) {add = true}
        %dma_wait3A_110 = arith.constant 0 : i32
        %dma_wait3A_111 = tpu.memref_slice %arg8[%mul3A_76, %dma_wait3A_110] : memref<40x128xi32, #tpu.memory_space<vmem>> -> memref<1x128xi32, #tpu.memory_space<vmem>>
        %dma_wait3A_112 = tpu.memref_squeeze %dma_wait3A_111 : memref<1x128xi32, #tpu.memory_space<vmem>> -> memref<128xi32, #tpu.memory_space<vmem>>
        %dma_wait3A_113 = arith.constant 0 : i32
        %dma_wait3A_114 = arith.constant 0 : i32
        %dma_wait3A_115 = tpu.memref_slice %arg11[%dma_wait3A_113, %dma_wait3A_114] : memref<10240x128xf32, #tpu.memory_space<vmem_shared>> -> memref<10240x128xf32, #tpu.memory_space<vmem_shared>>
        tpu.wait_indirect_dma semaphore(%run_scoped3A : memref<!tpu.dma_semaphore, #tpu.memory_space<semaphore_mem>>) src(%arg9 : memref<128x128xf32, #tpu.memory_space<vmem>>) dst(%dma_wait3A_115 : memref<10240x128xf32, #tpu.memory_space<vmem_shared>>)
        tpu.yield
      }) : () -> ()
      %add3A_90 = arith.constant 2 : i32
      %add3A_91 = arith.addi %mul3A_76, %add3A_90 : i32
      %lt3A = arith.constant 40 : i32
      %lt3A_92 = arith.cmpi slt, %add3A_91, %lt3A : i32
      %convert_element_type3A = arith.extui %lt3A_92 : i1 to i32
      %cond3A = arith.constant 0 : i32
      %cond3A_93 = arith.cmpi ne, %convert_element_type3A, %cond3A : i32
      scf.if %cond3A_93 {
        %add3A_104 = arith.constant 2 : i32
        %add3A_105 = arith.addi %mul3A_76, %add3A_104 : i32
        %dma_start3A_106 = arith.constant 0 : i32
        %dma_start3A_107 = tpu.memref_slice %arg7[%add3A_105, %dma_start3A_106] : memref<40x128xi32, #tpu.memory_space<vmem>> -> memref<1x128xi32, #tpu.memory_space<vmem>>
        %dma_start3A_108 = tpu.memref_squeeze %dma_start3A_107 : memref<1x128xi32, #tpu.memory_space<vmem>> -> memref<128xi32, #tpu.memory_space<vmem>>
        %dma_start3A_109 = arith.constant 0 : i32
        %dma_start3A_110 = arith.constant 0 : i32
        %dma_start3A_111 = tpu.memref_slice %arg2[%dma_start3A_109, %dma_start3A_110] : memref<10000x128xf32, #tpu.memory_space<hbm>> -> memref<10000x128xf32, #tpu.memory_space<hbm>>
        tpu.enqueue_indirect_dma source(%dma_start3A_111 : memref<10000x128xf32, #tpu.memory_space<hbm>>) target(%arg9 : memref<128x128xf32, #tpu.memory_space<vmem>>) offsets(%dma_start3A_108 : memref<128xi32, #tpu.memory_space<vmem>>) semaphore(%arg12 : memref<!tpu.dma_semaphore, #tpu.memory_space<semaphore_mem>>)
      } else {
      }
      %add3A_94 = arith.constant 1 : i32
      %add3A_95 = arith.addi %mul3A_76, %add3A_94 : i32
      %dma_wait3A_96 = arith.constant 0 : i32
      %dma_wait3A_97 = tpu.memref_slice %arg7[%add3A_95, %dma_wait3A_96] : memref<40x128xi32, #tpu.memory_space<vmem>> -> memref<1x128xi32, #tpu.memory_space<vmem>>
      %dma_wait3A_98 = tpu.memref_squeeze %dma_wait3A_97 : memref<1x128xi32, #tpu.memory_space<vmem>> -> memref<128xi32, #tpu.memory_space<vmem>>
      %dma_wait3A_99 = arith.constant 0 : i32
      %dma_wait3A_100 = arith.constant 0 : i32
      %dma_wait3A_101 = tpu.memref_slice %arg2[%dma_wait3A_99, %dma_wait3A_100] : memref<10000x128xf32, #tpu.memory_space<hbm>> -> memref<10000x128xf32, #tpu.memory_space<hbm>>
      tpu.wait_indirect_dma semaphore(%arg13 : memref<!tpu.dma_semaphore, #tpu.memory_space<semaphore_mem>>) src(%dma_wait3A_101 : memref<10000x128xf32, #tpu.memory_space<hbm>>) dst(%arg10 : memref<128x128xf32, #tpu.memory_space<vmem>>)
      %add3A_102 = arith.constant 1 : i32
      %add3A_103 = arith.addi %mul3A_76, %add3A_102 : i32
      "tpu.region"() ({
        %run_scoped3A = tpu.sem_alloc : memref<!tpu.dma_semaphore, #tpu.memory_space<semaphore_mem>>
        %dma_start3A_104 = arith.constant 0 : i32
        %dma_start3A_105 = tpu.memref_slice %arg8[%add3A_103, %dma_start3A_104] : memref<40x128xi32, #tpu.memory_space<vmem>> -> memref<1x128xi32, #tpu.memory_space<vmem>>
        %dma_start3A_106 = tpu.memref_squeeze %dma_start3A_105 : memref<1x128xi32, #tpu.memory_space<vmem>> -> memref<128xi32, #tpu.memory_space<vmem>>
        %dma_start3A_107 = arith.constant 0 : i32
        %dma_start3A_108 = arith.constant 0 : i32
        %dma_start3A_109 = tpu.memref_slice %arg11[%dma_start3A_107, %dma_start3A_108] : memref<10240x128xf32, #tpu.memory_space<vmem_shared>> -> memref<10240x128xf32, #tpu.memory_space<vmem_shared>>
        tpu.enqueue_indirect_dma source(%arg10 : memref<128x128xf32, #tpu.memory_space<vmem>>) target(%dma_start3A_109 : memref<10240x128xf32, #tpu.memory_space<vmem_shared>>) offsets(%dma_start3A_106 : memref<128xi32, #tpu.memory_space<vmem>>) semaphore(%run_scoped3A : memref<!tpu.dma_semaphore, #tpu.memory_space<semaphore_mem>>) {add = true}
        %dma_wait3A_110 = arith.constant 0 : i32
        %dma_wait3A_111 = tpu.memref_slice %arg8[%add3A_103, %dma_wait3A_110] : memref<40x128xi32, #tpu.memory_space<vmem>> -> memref<1x128xi32, #tpu.memory_space<vmem>>
        %dma_wait3A_112 = tpu.memref_squeeze %dma_wait3A_111 : memref<1x128xi32, #tpu.memory_space<vmem>> -> memref<128xi32, #tpu.memory_space<vmem>>
        %dma_wait3A_113 = arith.constant 0 : i32
        %dma_wait3A_114 = arith.constant 0 : i32
        %dma_wait3A_115 = tpu.memref_slice %arg11[%dma_wait3A_113, %dma_wait3A_114] : memref<10240x128xf32, #tpu.memory_space<vmem_shared>> -> memref<10240x128xf32, #tpu.memory_space<vmem_shared>>
        tpu.wait_indirect_dma semaphore(%run_scoped3A : memref<!tpu.dma_semaphore, #tpu.memory_space<semaphore_mem>>) src(%arg10 : memref<128x128xf32, #tpu.memory_space<vmem>>) dst(%dma_wait3A_115 : memref<10240x128xf32, #tpu.memory_space<vmem_shared>>)
        tpu.yield
      }) : () -> ()
    }
    %scan3A_52 = arith.constant 20 : i32
    %barrier3A_53 = arith.constant 0 : index
    tpu.barrier barrier_id(%barrier3A_53)
    %add3A_54 = arith.constant 0 : i32
    %add3A_55 = arith.addi %mul3A_10, %add3A_54 : i32
    "tpu.region"() ({
      %run_scoped3A = tpu.sem_alloc : memref<!tpu.dma_semaphore, #tpu.memory_space<semaphore_mem>>
      %dma_start3A_74 = arith.constant 0 : i32
      %dma_start3A_75 = tpu.memref_slice %arg11[%add3A_55, %dma_start3A_74] : memref<10240x128xf32, #tpu.memory_space<vmem_shared>> -> memref<128x128xf32, #tpu.memory_space<vmem_shared>>
      %dma_start3A_76 = arith.constant 0 : i32
      %dma_start3A_77 = tpu.memref_slice %arg11[%add3A_55, %dma_start3A_76] : memref<10240x128xf32, #tpu.memory_space<vmem_shared>> -> memref<128x128xf32, #tpu.memory_space<vmem_shared>>
      tpu.enqueue_dma source(%dma_start3A_77 : memref<128x128xf32, #tpu.memory_space<vmem_shared>>) target(%arg9 : memref<128x128xf32, #tpu.memory_space<vmem>>) target_semaphore(%run_scoped3A : memref<!tpu.dma_semaphore, #tpu.memory_space<semaphore_mem>>)
      %dma_wait3A = arith.constant 0 : i32
      %dma_wait3A_78 = tpu.memref_slice %arg11[%add3A_55, %dma_wait3A] : memref<10240x128xf32, #tpu.memory_space<vmem_shared>> -> memref<128x128xf32, #tpu.memory_space<vmem_shared>>
      %dma_wait3A_79 = arith.constant 0 : i32
      %dma_wait3A_80 = tpu.memref_slice %arg11[%add3A_55, %dma_wait3A_79] : memref<10240x128xf32, #tpu.memory_space<vmem_shared>> -> memref<128x128xf32, #tpu.memory_space<vmem_shared>>
      tpu.wait_dma2 semaphore(%run_scoped3A : memref<!tpu.dma_semaphore, #tpu.memory_space<semaphore_mem>>) src(%dma_wait3A_80 : memref<128x128xf32, #tpu.memory_space<vmem_shared>>) dst(%arg9 : memref<128x128xf32, #tpu.memory_space<vmem>>)
      tpu.yield
    }) : () -> ()
    %add3A_56 = arith.constant 0 : i32
    %add3A_57 = arith.addi %mul3A_10, %add3A_56 : i32
    "tpu.region"() ({
      %run_scoped3A = tpu.sem_alloc : memref<!tpu.dma_semaphore, #tpu.memory_space<semaphore_mem>>
      %dma_start3A_74 = arith.constant 0 : i32
      %dma_start3A_75 = arith.constant 0 : i32
      %dma_start3A_76 = tpu.memref_slice %arg6[%arg0, %dma_start3A_74, %dma_start3A_75] : memref<2x10240x128xf32, #tpu.memory_space<hbm>> -> memref<1x10240x128xf32, #tpu.memory_space<hbm>>
      %dma_start3A_77 = tpu.memref_squeeze %dma_start3A_76 : memref<1x10240x128xf32, #tpu.memory_space<hbm>> -> memref<10240x128xf32, #tpu.memory_space<hbm>>
      %dma_start3A_78 = arith.constant 0 : i32
      %dma_start3A_79 = tpu.memref_slice %dma_start3A_77[%add3A_57, %dma_start3A_78] : memref<10240x128xf32, #tpu.memory_space<hbm>> -> memref<128x128xf32, #tpu.memory_space<hbm>>
      %dma_start3A_80 = arith.constant 0 : i32
      %dma_start3A_81 = arith.constant 0 : i32
      %dma_start3A_82 = tpu.memref_slice %arg6[%arg0, %dma_start3A_80, %dma_start3A_81] : memref<2x10240x128xf32, #tpu.memory_space<hbm>> -> memref<1x10240x128xf32, #tpu.memory_space<hbm>>
      %dma_start3A_83 = tpu.memref_squeeze %dma_start3A_82 : memref<1x10240x128xf32, #tpu.memory_space<hbm>> -> memref<10240x128xf32, #tpu.memory_space<hbm>>
      %dma_start3A_84 = arith.constant 0 : i32
      %dma_start3A_85 = tpu.memref_slice %dma_start3A_83[%add3A_57, %dma_start3A_84] : memref<10240x128xf32, #tpu.memory_space<hbm>> -> memref<128x128xf32, #tpu.memory_space<hbm>>
      tpu.enqueue_dma source(%arg9 : memref<128x128xf32, #tpu.memory_space<vmem>>) target(%dma_start3A_85 : memref<128x128xf32, #tpu.memory_space<hbm>>) target_semaphore(%run_scoped3A : memref<!tpu.dma_semaphore, #tpu.memory_space<semaphore_mem>>)
      %dma_wait3A = arith.constant 0 : i32
      %dma_wait3A_86 = arith.constant 0 : i32
      %dma_wait3A_87 = tpu.memref_slice %arg6[%arg0, %dma_wait3A, %dma_wait3A_86] : memref<2x10240x128xf32, #tpu.memory_space<hbm>> -> memref<1x10240x128xf32, #tpu.memory_space<hbm>>
      %dma_wait3A_88 = tpu.memref_squeeze %dma_wait3A_87 : memref<1x10240x128xf32, #tpu.memory_space<hbm>> -> memref<10240x128xf32, #tpu.memory_space<hbm>>
      %dma_wait3A_89 = arith.constant 0 : i32
      %dma_wait3A_90 = tpu.memref_slice %dma_wait3A_88[%add3A_57, %dma_wait3A_89] : memref<10240x128xf32, #tpu.memory_space<hbm>> -> memref<128x128xf32, #tpu.memory_space<hbm>>
      %dma_wait3A_91 = arith.constant 0 : i32
      %dma_wait3A_92 = arith.constant 0 : i32
      %dma_wait3A_93 = tpu.memref_slice %arg6[%arg0, %dma_wait3A_91, %dma_wait3A_92] : memref<2x10240x128xf32, #tpu.memory_space<hbm>> -> memref<1x10240x128xf32, #tpu.memory_space<hbm>>
      %dma_wait3A_94 = tpu.memref_squeeze %dma_wait3A_93 : memref<1x10240x128xf32, #tpu.memory_space<hbm>> -> memref<10240x128xf32, #tpu.memory_space<hbm>>
      %dma_wait3A_95 = arith.constant 0 : i32
      %dma_wait3A_96 = tpu.memref_slice %dma_wait3A_94[%add3A_57, %dma_wait3A_95] : memref<10240x128xf32, #tpu.memory_space<hbm>> -> memref<128x128xf32, #tpu.memory_space<hbm>>
      tpu.wait_dma2 semaphore(%run_scoped3A : memref<!tpu.dma_semaphore, #tpu.memory_space<semaphore_mem>>) src(%arg9 : memref<128x128xf32, #tpu.memory_space<vmem>>) dst(%dma_wait3A_96 : memref<128x128xf32, #tpu.memory_space<hbm>>)
      tpu.yield
    }) : () -> ()
    %add3A_58 = arith.constant 128 : i32
    %add3A_59 = arith.addi %mul3A_10, %add3A_58 : i32
    "tpu.region"() ({
      %run_scoped3A = tpu.sem_alloc : memref<!tpu.dma_semaphore, #tpu.memory_space<semaphore_mem>>
      %dma_start3A_74 = arith.constant 0 : i32
      %dma_start3A_75 = tpu.memref_slice %arg11[%add3A_59, %dma_start3A_74] : memref<10240x128xf32, #tpu.memory_space<vmem_shared>> -> memref<128x128xf32, #tpu.memory_space<vmem_shared>>
      %dma_start3A_76 = arith.constant 0 : i32
      %dma_start3A_77 = tpu.memref_slice %arg11[%add3A_59, %dma_start3A_76] : memref<10240x128xf32, #tpu.memory_space<vmem_shared>> -> memref<128x128xf32, #tpu.memory_space<vmem_shared>>
      tpu.enqueue_dma source(%dma_start3A_77 : memref<128x128xf32, #tpu.memory_space<vmem_shared>>) target(%arg9 : memref<128x128xf32, #tpu.memory_space<vmem>>) target_semaphore(%run_scoped3A : memref<!tpu.dma_semaphore, #tpu.memory_space<semaphore_mem>>)
      %dma_wait3A = arith.constant 0 : i32
      %dma_wait3A_78 = tpu.memref_slice %arg11[%add3A_59, %dma_wait3A] : memref<10240x128xf32, #tpu.memory_space<vmem_shared>> -> memref<128x128xf32, #tpu.memory_space<vmem_shared>>
      %dma_wait3A_79 = arith.constant 0 : i32
      %dma_wait3A_80 = tpu.memref_slice %arg11[%add3A_59, %dma_wait3A_79] : memref<10240x128xf32, #tpu.memory_space<vmem_shared>> -> memref<128x128xf32, #tpu.memory_space<vmem_shared>>
      tpu.wait_dma2 semaphore(%run_scoped3A : memref<!tpu.dma_semaphore, #tpu.memory_space<semaphore_mem>>) src(%dma_wait3A_80 : memref<128x128xf32, #tpu.memory_space<vmem_shared>>) dst(%arg9 : memref<128x128xf32, #tpu.memory_space<vmem>>)
      tpu.yield
    }) : () -> ()
    %add3A_60 = arith.constant 128 : i32
    %add3A_61 = arith.addi %mul3A_10, %add3A_60 : i32
    "tpu.region"() ({
      %run_scoped3A = tpu.sem_alloc : memref<!tpu.dma_semaphore, #tpu.memory_space<semaphore_mem>>
      %dma_start3A_74 = arith.constant 0 : i32
      %dma_start3A_75 = arith.constant 0 : i32
      %dma_start3A_76 = tpu.memref_slice %arg6[%arg0, %dma_start3A_74, %dma_start3A_75] : memref<2x10240x128xf32, #tpu.memory_space<hbm>> -> memref<1x10240x128xf32, #tpu.memory_space<hbm>>
      %dma_start3A_77 = tpu.memref_squeeze %dma_start3A_76 : memref<1x10240x128xf32, #tpu.memory_space<hbm>> -> memref<10240x128xf32, #tpu.memory_space<hbm>>
      %dma_start3A_78 = arith.constant 0 : i32
      %dma_start3A_79 = tpu.memref_slice %dma_start3A_77[%add3A_61, %dma_start3A_78] : memref<10240x128xf32, #tpu.memory_space<hbm>> -> memref<128x128xf32, #tpu.memory_space<hbm>>
      %dma_start3A_80 = arith.constant 0 : i32
      %dma_start3A_81 = arith.constant 0 : i32
      %dma_start3A_82 = tpu.memref_slice %arg6[%arg0, %dma_start3A_80, %dma_start3A_81] : memref<2x10240x128xf32, #tpu.memory_space<hbm>> -> memref<1x10240x128xf32, #tpu.memory_space<hbm>>
      %dma_start3A_83 = tpu.memref_squeeze %dma_start3A_82 : memref<1x10240x128xf32, #tpu.memory_space<hbm>> -> memref<10240x128xf32, #tpu.memory_space<hbm>>
      %dma_start3A_84 = arith.constant 0 : i32
      %dma_start3A_85 = tpu.memref_slice %dma_start3A_83[%add3A_61, %dma_start3A_84] : memref<10240x128xf32, #tpu.memory_space<hbm>> -> memref<128x128xf32, #tpu.memory_space<hbm>>
      tpu.enqueue_dma source(%arg9 : memref<128x128xf32, #tpu.memory_space<vmem>>) target(%dma_start3A_85 : memref<128x128xf32, #tpu.memory_space<hbm>>) target_semaphore(%run_scoped3A : memref<!tpu.dma_semaphore, #tpu.memory_space<semaphore_mem>>)
      %dma_wait3A = arith.constant 0 : i32
      %dma_wait3A_86 = arith.constant 0 : i32
      %dma_wait3A_87 = tpu.memref_slice %arg6[%arg0, %dma_wait3A, %dma_wait3A_86] : memref<2x10240x128xf32, #tpu.memory_space<hbm>> -> memref<1x10240x128xf32, #tpu.memory_space<hbm>>
      %dma_wait3A_88 = tpu.memref_squeeze %dma_wait3A_87 : memref<1x10240x128xf32, #tpu.memory_space<hbm>> -> memref<10240x128xf32, #tpu.memory_space<hbm>>
      %dma_wait3A_89 = arith.constant 0 : i32
      %dma_wait3A_90 = tpu.memref_slice %dma_wait3A_88[%add3A_61, %dma_wait3A_89] : memref<10240x128xf32, #tpu.memory_space<hbm>> -> memref<128x128xf32, #tpu.memory_space<hbm>>
      %dma_wait3A_91 = arith.constant 0 : i32
      %dma_wait3A_92 = arith.constant 0 : i32
      %dma_wait3A_93 = tpu.memref_slice %arg6[%arg0, %dma_wait3A_91, %dma_wait3A_92] : memref<2x10240x128xf32, #tpu.memory_space<hbm>> -> memref<1x10240x128xf32, #tpu.memory_space<hbm>>
      %dma_wait3A_94 = tpu.memref_squeeze %dma_wait3A_93 : memref<1x10240x128xf32, #tpu.memory_space<hbm>> -> memref<10240x128xf32, #tpu.memory_space<hbm>>
      %dma_wait3A_95 = arith.constant 0 : i32
      %dma_wait3A_96 = tpu.memref_slice %dma_wait3A_94[%add3A_61, %dma_wait3A_95] : memref<10240x128xf32, #tpu.memory_space<hbm>> -> memref<128x128xf32, #tpu.memory_space<hbm>>
      tpu.wait_dma2 semaphore(%run_scoped3A : memref<!tpu.dma_semaphore, #tpu.memory_space<semaphore_mem>>) src(%arg9 : memref<128x128xf32, #tpu.memory_space<vmem>>) dst(%dma_wait3A_96 : memref<128x128xf32, #tpu.memory_space<hbm>>)
      tpu.yield
    }) : () -> ()
    %add3A_62 = arith.constant 256 : i32
    %add3A_63 = arith.addi %mul3A_10, %add3A_62 : i32
    "tpu.region"() ({
      %run_scoped3A = tpu.sem_alloc : memref<!tpu.dma_semaphore, #tpu.memory_space<semaphore_mem>>
      %dma_start3A_74 = arith.constant 0 : i32
      %dma_start3A_75 = tpu.memref_slice %arg11[%add3A_63, %dma_start3A_74] : memref<10240x128xf32, #tpu.memory_space<vmem_shared>> -> memref<128x128xf32, #tpu.memory_space<vmem_shared>>
      %dma_start3A_76 = arith.constant 0 : i32
      %dma_start3A_77 = tpu.memref_slice %arg11[%add3A_63, %dma_start3A_76] : memref<10240x128xf32, #tpu.memory_space<vmem_shared>> -> memref<128x128xf32, #tpu.memory_space<vmem_shared>>
      tpu.enqueue_dma source(%dma_start3A_77 : memref<128x128xf32, #tpu.memory_space<vmem_shared>>) target(%arg9 : memref<128x128xf32, #tpu.memory_space<vmem>>) target_semaphore(%run_scoped3A : memref<!tpu.dma_semaphore, #tpu.memory_space<semaphore_mem>>)
      %dma_wait3A = arith.constant 0 : i32
      %dma_wait3A_78 = tpu.memref_slice %arg11[%add3A_63, %dma_wait3A] : memref<10240x128xf32, #tpu.memory_space<vmem_shared>> -> memref<128x128xf32, #tpu.memory_space<vmem_shared>>
      %dma_wait3A_79 = arith.constant 0 : i32
      %dma_wait3A_80 = tpu.memref_slice %arg11[%add3A_63, %dma_wait3A_79] : memref<10240x128xf32, #tpu.memory_space<vmem_shared>> -> memref<128x128xf32, #tpu.memory_space<vmem_shared>>
      tpu.wait_dma2 semaphore(%run_scoped3A : memref<!tpu.dma_semaphore, #tpu.memory_space<semaphore_mem>>) src(%dma_wait3A_80 : memref<128x128xf32, #tpu.memory_space<vmem_shared>>) dst(%arg9 : memref<128x128xf32, #tpu.memory_space<vmem>>)
      tpu.yield
    }) : () -> ()
    %add3A_64 = arith.constant 256 : i32
    %add3A_65 = arith.addi %mul3A_10, %add3A_64 : i32
    "tpu.region"() ({
      %run_scoped3A = tpu.sem_alloc : memref<!tpu.dma_semaphore, #tpu.memory_space<semaphore_mem>>
      %dma_start3A_74 = arith.constant 0 : i32
      %dma_start3A_75 = arith.constant 0 : i32
      %dma_start3A_76 = tpu.memref_slice %arg6[%arg0, %dma_start3A_74, %dma_start3A_75] : memref<2x10240x128xf32, #tpu.memory_space<hbm>> -> memref<1x10240x128xf32, #tpu.memory_space<hbm>>
      %dma_start3A_77 = tpu.memref_squeeze %dma_start3A_76 : memref<1x10240x128xf32, #tpu.memory_space<hbm>> -> memref<10240x128xf32, #tpu.memory_space<hbm>>
      %dma_start3A_78 = arith.constant 0 : i32
      %dma_start3A_79 = tpu.memref_slice %dma_start3A_77[%add3A_65, %dma_start3A_78] : memref<10240x128xf32, #tpu.memory_space<hbm>> -> memref<128x128xf32, #tpu.memory_space<hbm>>
      %dma_start3A_80 = arith.constant 0 : i32
      %dma_start3A_81 = arith.constant 0 : i32
      %dma_start3A_82 = tpu.memref_slice %arg6[%arg0, %dma_start3A_80, %dma_start3A_81] : memref<2x10240x128xf32, #tpu.memory_space<hbm>> -> memref<1x10240x128xf32, #tpu.memory_space<hbm>>
      %dma_start3A_83 = tpu.memref_squeeze %dma_start3A_82 : memref<1x10240x128xf32, #tpu.memory_space<hbm>> -> memref<10240x128xf32, #tpu.memory_space<hbm>>
      %dma_start3A_84 = arith.constant 0 : i32
      %dma_start3A_85 = tpu.memref_slice %dma_start3A_83[%add3A_65, %dma_start3A_84] : memref<10240x128xf32, #tpu.memory_space<hbm>> -> memref<128x128xf32, #tpu.memory_space<hbm>>
      tpu.enqueue_dma source(%arg9 : memref<128x128xf32, #tpu.memory_space<vmem>>) target(%dma_start3A_85 : memref<128x128xf32, #tpu.memory_space<hbm>>) target_semaphore(%run_scoped3A : memref<!tpu.dma_semaphore, #tpu.memory_space<semaphore_mem>>)
      %dma_wait3A = arith.constant 0 : i32
      %dma_wait3A_86 = arith.constant 0 : i32
      %dma_wait3A_87 = tpu.memref_slice %arg6[%arg0, %dma_wait3A, %dma_wait3A_86] : memref<2x10240x128xf32, #tpu.memory_space<hbm>> -> memref<1x10240x128xf32, #tpu.memory_space<hbm>>
      %dma_wait3A_88 = tpu.memref_squeeze %dma_wait3A_87 : memref<1x10240x128xf32, #tpu.memory_space<hbm>> -> memref<10240x128xf32, #tpu.memory_space<hbm>>
      %dma_wait3A_89 = arith.constant 0 : i32
      %dma_wait3A_90 = tpu.memref_slice %dma_wait3A_88[%add3A_65, %dma_wait3A_89] : memref<10240x128xf32, #tpu.memory_space<hbm>> -> memref<128x128xf32, #tpu.memory_space<hbm>>
      %dma_wait3A_91 = arith.constant 0 : i32
      %dma_wait3A_92 = arith.constant 0 : i32
      %dma_wait3A_93 = tpu.memref_slice %arg6[%arg0, %dma_wait3A_91, %dma_wait3A_92] : memref<2x10240x128xf32, #tpu.memory_space<hbm>> -> memref<1x10240x128xf32, #tpu.memory_space<hbm>>
      %dma_wait3A_94 = tpu.memref_squeeze %dma_wait3A_93 : memref<1x10240x128xf32, #tpu.memory_space<hbm>> -> memref<10240x128xf32, #tpu.memory_space<hbm>>
      %dma_wait3A_95 = arith.constant 0 : i32
      %dma_wait3A_96 = tpu.memref_slice %dma_wait3A_94[%add3A_65, %dma_wait3A_95] : memref<10240x128xf32, #tpu.memory_space<hbm>> -> memref<128x128xf32, #tpu.memory_space<hbm>>
      tpu.wait_dma2 semaphore(%run_scoped3A : memref<!tpu.dma_semaphore, #tpu.memory_space<semaphore_mem>>) src(%arg9 : memref<128x128xf32, #tpu.memory_space<vmem>>) dst(%dma_wait3A_96 : memref<128x128xf32, #tpu.memory_space<hbm>>)
      tpu.yield
    }) : () -> ()
    %add3A_66 = arith.constant 384 : i32
    %add3A_67 = arith.addi %mul3A_10, %add3A_66 : i32
    "tpu.region"() ({
      %run_scoped3A = tpu.sem_alloc : memref<!tpu.dma_semaphore, #tpu.memory_space<semaphore_mem>>
      %dma_start3A_74 = arith.constant 0 : i32
      %dma_start3A_75 = tpu.memref_slice %arg11[%add3A_67, %dma_start3A_74] : memref<10240x128xf32, #tpu.memory_space<vmem_shared>> -> memref<128x128xf32, #tpu.memory_space<vmem_shared>>
      %dma_start3A_76 = arith.constant 0 : i32
      %dma_start3A_77 = tpu.memref_slice %arg11[%add3A_67, %dma_start3A_76] : memref<10240x128xf32, #tpu.memory_space<vmem_shared>> -> memref<128x128xf32, #tpu.memory_space<vmem_shared>>
      tpu.enqueue_dma source(%dma_start3A_77 : memref<128x128xf32, #tpu.memory_space<vmem_shared>>) target(%arg9 : memref<128x128xf32, #tpu.memory_space<vmem>>) target_semaphore(%run_scoped3A : memref<!tpu.dma_semaphore, #tpu.memory_space<semaphore_mem>>)
      %dma_wait3A = arith.constant 0 : i32
      %dma_wait3A_78 = tpu.memref_slice %arg11[%add3A_67, %dma_wait3A] : memref<10240x128xf32, #tpu.memory_space<vmem_shared>> -> memref<128x128xf32, #tpu.memory_space<vmem_shared>>
      %dma_wait3A_79 = arith.constant 0 : i32
      %dma_wait3A_80 = tpu.memref_slice %arg11[%add3A_67, %dma_wait3A_79] : memref<10240x128xf32, #tpu.memory_space<vmem_shared>> -> memref<128x128xf32, #tpu.memory_space<vmem_shared>>
      tpu.wait_dma2 semaphore(%run_scoped3A : memref<!tpu.dma_semaphore, #tpu.memory_space<semaphore_mem>>) src(%dma_wait3A_80 : memref<128x128xf32, #tpu.memory_space<vmem_shared>>) dst(%arg9 : memref<128x128xf32, #tpu.memory_space<vmem>>)
      tpu.yield
    }) : () -> ()
    %add3A_68 = arith.constant 384 : i32
    %add3A_69 = arith.addi %mul3A_10, %add3A_68 : i32
    "tpu.region"() ({
      %run_scoped3A = tpu.sem_alloc : memref<!tpu.dma_semaphore, #tpu.memory_space<semaphore_mem>>
      %dma_start3A_74 = arith.constant 0 : i32
      %dma_start3A_75 = arith.constant 0 : i32
      %dma_start3A_76 = tpu.memref_slice %arg6[%arg0, %dma_start3A_74, %dma_start3A_75] : memref<2x10240x128xf32, #tpu.memory_space<hbm>> -> memref<1x10240x128xf32, #tpu.memory_space<hbm>>
      %dma_start3A_77 = tpu.memref_squeeze %dma_start3A_76 : memref<1x10240x128xf32, #tpu.memory_space<hbm>> -> memref<10240x128xf32, #tpu.memory_space<hbm>>
      %dma_start3A_78 = arith.constant 0 : i32
      %dma_start3A_79 = tpu.memref_slice %dma_start3A_77[%add3A_69, %dma_start3A_78] : memref<10240x128xf32, #tpu.memory_space<hbm>> -> memref<128x128xf32, #tpu.memory_space<hbm>>
      %dma_start3A_80 = arith.constant 0 : i32
      %dma_start3A_81 = arith.constant 0 : i32
      %dma_start3A_82 = tpu.memref_slice %arg6[%arg0, %dma_start3A_80, %dma_start3A_81] : memref<2x10240x128xf32, #tpu.memory_space<hbm>> -> memref<1x10240x128xf32, #tpu.memory_space<hbm>>
      %dma_start3A_83 = tpu.memref_squeeze %dma_start3A_82 : memref<1x10240x128xf32, #tpu.memory_space<hbm>> -> memref<10240x128xf32, #tpu.memory_space<hbm>>
      %dma_start3A_84 = arith.constant 0 : i32
      %dma_start3A_85 = tpu.memref_slice %dma_start3A_83[%add3A_69, %dma_start3A_84] : memref<10240x128xf32, #tpu.memory_space<hbm>> -> memref<128x128xf32, #tpu.memory_space<hbm>>
      tpu.enqueue_dma source(%arg9 : memref<128x128xf32, #tpu.memory_space<vmem>>) target(%dma_start3A_85 : memref<128x128xf32, #tpu.memory_space<hbm>>) target_semaphore(%run_scoped3A : memref<!tpu.dma_semaphore, #tpu.memory_space<semaphore_mem>>)
      %dma_wait3A = arith.constant 0 : i32
      %dma_wait3A_86 = arith.constant 0 : i32
      %dma_wait3A_87 = tpu.memref_slice %arg6[%arg0, %dma_wait3A, %dma_wait3A_86] : memref<2x10240x128xf32, #tpu.memory_space<hbm>> -> memref<1x10240x128xf32, #tpu.memory_space<hbm>>
      %dma_wait3A_88 = tpu.memref_squeeze %dma_wait3A_87 : memref<1x10240x128xf32, #tpu.memory_space<hbm>> -> memref<10240x128xf32, #tpu.memory_space<hbm>>
      %dma_wait3A_89 = arith.constant 0 : i32
      %dma_wait3A_90 = tpu.memref_slice %dma_wait3A_88[%add3A_69, %dma_wait3A_89] : memref<10240x128xf32, #tpu.memory_space<hbm>> -> memref<128x128xf32, #tpu.memory_space<hbm>>
      %dma_wait3A_91 = arith.constant 0 : i32
      %dma_wait3A_92 = arith.constant 0 : i32
      %dma_wait3A_93 = tpu.memref_slice %arg6[%arg0, %dma_wait3A_91, %dma_wait3A_92] : memref<2x10240x128xf32, #tpu.memory_space<hbm>> -> memref<1x10240x128xf32, #tpu.memory_space<hbm>>
      %dma_wait3A_94 = tpu.memref_squeeze %dma_wait3A_93 : memref<1x10240x128xf32, #tpu.memory_space<hbm>> -> memref<10240x128xf32, #tpu.memory_space<hbm>>
      %dma_wait3A_95 = arith.constant 0 : i32
      %dma_wait3A_96 = tpu.memref_slice %dma_wait3A_94[%add3A_69, %dma_wait3A_95] : memref<10240x128xf32, #tpu.memory_space<hbm>> -> memref<128x128xf32, #tpu.memory_space<hbm>>
      tpu.wait_dma2 semaphore(%run_scoped3A : memref<!tpu.dma_semaphore, #tpu.memory_space<semaphore_mem>>) src(%arg9 : memref<128x128xf32, #tpu.memory_space<vmem>>) dst(%dma_wait3A_96 : memref<128x128xf32, #tpu.memory_space<hbm>>)
      tpu.yield
    }) : () -> ()
    %add3A_70 = arith.constant 512 : i32
    %add3A_71 = arith.addi %mul3A_10, %add3A_70 : i32
    "tpu.region"() ({
      %run_scoped3A = tpu.sem_alloc : memref<!tpu.dma_semaphore, #tpu.memory_space<semaphore_mem>>
      %dma_start3A_74 = arith.constant 0 : i32
      %dma_start3A_75 = tpu.memref_slice %arg11[%add3A_71, %dma_start3A_74] : memref<10240x128xf32, #tpu.memory_space<vmem_shared>> -> memref<128x128xf32, #tpu.memory_space<vmem_shared>>
      %dma_start3A_76 = arith.constant 0 : i32
      %dma_start3A_77 = tpu.memref_slice %arg11[%add3A_71, %dma_start3A_76] : memref<10240x128xf32, #tpu.memory_space<vmem_shared>> -> memref<128x128xf32, #tpu.memory_space<vmem_shared>>
      tpu.enqueue_dma source(%dma_start3A_77 : memref<128x128xf32, #tpu.memory_space<vmem_shared>>) target(%arg9 : memref<128x128xf32, #tpu.memory_space<vmem>>) target_semaphore(%run_scoped3A : memref<!tpu.dma_semaphore, #tpu.memory_space<semaphore_mem>>)
      %dma_wait3A = arith.constant 0 : i32
      %dma_wait3A_78 = tpu.memref_slice %arg11[%add3A_71, %dma_wait3A] : memref<10240x128xf32, #tpu.memory_space<vmem_shared>> -> memref<128x128xf32, #tpu.memory_space<vmem_shared>>
      %dma_wait3A_79 = arith.constant 0 : i32
      %dma_wait3A_80 = tpu.memref_slice %arg11[%add3A_71, %dma_wait3A_79] : memref<10240x128xf32, #tpu.memory_space<vmem_shared>> -> memref<128x128xf32, #tpu.memory_space<vmem_shared>>
      tpu.wait_dma2 semaphore(%run_scoped3A : memref<!tpu.dma_semaphore, #tpu.memory_space<semaphore_mem>>) src(%dma_wait3A_80 : memref<128x128xf32, #tpu.memory_space<vmem_shared>>) dst(%arg9 : memref<128x128xf32, #tpu.memory_space<vmem>>)
      tpu.yield
    }) : () -> ()
    %add3A_72 = arith.constant 512 : i32
    %add3A_73 = arith.addi %mul3A_10, %add3A_72 : i32
    "tpu.region"() ({
      %run_scoped3A = tpu.sem_alloc : memref<!tpu.dma_semaphore, #tpu.memory_space<semaphore_mem>>
      %dma_start3A_74 = arith.constant 0 : i32
      %dma_start3A_75 = arith.constant 0 : i32
      %dma_start3A_76 = tpu.memref_slice %arg6[%arg0, %dma_start3A_74, %dma_start3A_75] : memref<2x10240x128xf32, #tpu.memory_space<hbm>> -> memref<1x10240x128xf32, #tpu.memory_space<hbm>>
      %dma_start3A_77 = tpu.memref_squeeze %dma_start3A_76 : memref<1x10240x128xf32, #tpu.memory_space<hbm>> -> memref<10240x128xf32, #tpu.memory_space<hbm>>
      %dma_start3A_78 = arith.constant 0 : i32
      %dma_start3A_79 = tpu.memref_slice %dma_start3A_77[%add3A_73, %dma_start3A_78] : memref<10240x128xf32, #tpu.memory_space<hbm>> -> memref<128x128xf32, #tpu.memory_space<hbm>>
      %dma_start3A_80 = arith.constant 0 : i32
      %dma_start3A_81 = arith.constant 0 : i32
      %dma_start3A_82 = tpu.memref_slice %arg6[%arg0, %dma_start3A_80, %dma_start3A_81] : memref<2x10240x128xf32, #tpu.memory_space<hbm>> -> memref<1x10240x128xf32, #tpu.memory_space<hbm>>
      %dma_start3A_83 = tpu.memref_squeeze %dma_start3A_82 : memref<1x10240x128xf32, #tpu.memory_space<hbm>> -> memref<10240x128xf32, #tpu.memory_space<hbm>>
      %dma_start3A_84 = arith.constant 0 : i32
      %dma_start3A_85 = tpu.memref_slice %dma_start3A_83[%add3A_73, %dma_start3A_84] : memref<10240x128xf32, #tpu.memory_space<hbm>> -> memref<128x128xf32, #tpu.memory_space<hbm>>
      tpu.enqueue_dma source(%arg9 : memref<128x128xf32, #tpu.memory_space<vmem>>) target(%dma_start3A_85 : memref<128x128xf32, #tpu.memory_space<hbm>>) target_semaphore(%run_scoped3A : memref<!tpu.dma_semaphore, #tpu.memory_space<semaphore_mem>>)
      %dma_wait3A = arith.constant 0 : i32
      %dma_wait3A_86 = arith.constant 0 : i32
      %dma_wait3A_87 = tpu.memref_slice %arg6[%arg0, %dma_wait3A, %dma_wait3A_86] : memref<2x10240x128xf32, #tpu.memory_space<hbm>> -> memref<1x10240x128xf32, #tpu.memory_space<hbm>>
      %dma_wait3A_88 = tpu.memref_squeeze %dma_wait3A_87 : memref<1x10240x128xf32, #tpu.memory_space<hbm>> -> memref<10240x128xf32, #tpu.memory_space<hbm>>
      %dma_wait3A_89 = arith.constant 0 : i32
      %dma_wait3A_90 = tpu.memref_slice %dma_wait3A_88[%add3A_73, %dma_wait3A_89] : memref<10240x128xf32, #tpu.memory_space<hbm>> -> memref<128x128xf32, #tpu.memory_space<hbm>>
      %dma_wait3A_91 = arith.constant 0 : i32
      %dma_wait3A_92 = arith.constant 0 : i32
      %dma_wait3A_93 = tpu.memref_slice %arg6[%arg0, %dma_wait3A_91, %dma_wait3A_92] : memref<2x10240x128xf32, #tpu.memory_space<hbm>> -> memref<1x10240x128xf32, #tpu.memory_space<hbm>>
      %dma_wait3A_94 = tpu.memref_squeeze %dma_wait3A_93 : memref<1x10240x128xf32, #tpu.memory_space<hbm>> -> memref<10240x128xf32, #tpu.memory_space<hbm>>
      %dma_wait3A_95 = arith.constant 0 : i32
      %dma_wait3A_96 = tpu.memref_slice %dma_wait3A_94[%add3A_73, %dma_wait3A_95] : memref<10240x128xf32, #tpu.memory_space<hbm>> -> memref<128x128xf32, #tpu.memory_space<hbm>>
      tpu.wait_dma2 semaphore(%run_scoped3A : memref<!tpu.dma_semaphore, #tpu.memory_space<semaphore_mem>>) src(%arg9 : memref<128x128xf32, #tpu.memory_space<vmem>>) dst(%dma_wait3A_96 : memref<128x128xf32, #tpu.memory_space<hbm>>)
      tpu.yield
    }) : () -> ()
    return
  }
}

module attributes {stable_mosaic.version = 14 : i64} {
  func.func @body(%arg0: i32, %arg1: memref<1000x128xf32, #tpu.memory_space<vmem>>, %arg2: memref<2x1000x128xf32, #tpu.memory_space<vmem>>, %arg3: memref<128x128xf32, #tpu.memory_space<vmem>>, %arg4: memref<1x128xf32, #tpu.memory_space<vmem>>, %arg5: memref<1000x128xf32, #tpu.memory_space<vmem>>) attributes {dimension_semantics = [#tpu.dimension_semantics<arbitrary>], iteration_bounds = array<i64: 10>, scalar_prefetch = 0 : i64, scratch_operands = 0 : i64, tpu.core_type = #tpu.core_type<tc>, window_params = [{transform_indices = @transform_0, window_bounds = array<i64: 1000, 128>}, {transform_indices = @transform_1, window_bounds = array<i64: 2, 1000, 128>}, {pipeline_mode = #tpu.pipeline_mode<synchronous>, transform_indices = @transform_2, window_bounds = array<i64: 128, 128>}, {pipeline_mode = #tpu.pipeline_mode<synchronous>, transform_indices = @transform_3, window_bounds = array<i64: 1, 128>}, {transform_indices = @transform_4, window_bounds = array<i64: 1000, 128>}]} {
    %get3A = arith.constant 0 : index
    %get3A_0 = arith.constant 0 : index
    %get3A_1 = vector.load %arg1[%get3A, %get3A_0] : memref<1000x128xf32, #tpu.memory_space<vmem>>, vector<1000x128xf32>
    %get3A_2 = arith.constant 0 : index
    %get3A_3 = arith.constant 0 : index
    %get3A_4 = arith.constant 0 : index
    %get3A_5 = vector.load %arg2[%get3A_2, %get3A_3, %get3A_4] : memref<2x1000x128xf32, #tpu.memory_space<vmem>>, vector<1x1000x128xf32>
    %get3A_6 = vector.shape_cast %get3A_5 : vector<1x1000x128xf32> to vector<1000x128xf32>
    %add3A = arith.addf %get3A_1, %get3A_6 : vector<1000x128xf32>
    %get3A_7 = arith.constant 1 : index
    %get3A_8 = arith.constant 0 : index
    %get3A_9 = arith.constant 0 : index
    %get3A_10 = vector.load %arg2[%get3A_7, %get3A_8, %get3A_9] : memref<2x1000x128xf32, #tpu.memory_space<vmem>>, vector<1x1000x128xf32>
    %get3A_11 = vector.shape_cast %get3A_10 : vector<1x1000x128xf32> to vector<1000x128xf32>
    %add3A_12 = arith.addf %add3A, %get3A_11 : vector<1000x128xf32>
    %get3A_13 = arith.constant 0 : index
    %get3A_14 = arith.constant 0 : index
    %get3A_15 = vector.load %arg3[%get3A_13, %get3A_14] : memref<128x128xf32, #tpu.memory_space<vmem>>, vector<128x128xf32>
    %dot_general3A = arith.constant dense<0.000000e+00> : vector<1000x128xf32>
    %dot_general3A_16 = tpu.matmul %add3A_12, %get3A_15, %dot_general3A {dimension_numbers = #tpu.dot_dimension_numbers<[1], [0], [0], [1], [0, 0, 1, 1], [], []>, transpose_lhs_hint = false} : vector<1000x128xf32>, vector<128x128xf32>, vector<1000x128xf32> -> vector<1000x128xf32>
    %get3A_17 = arith.constant 0 : index
    %get3A_18 = arith.constant 0 : index
    %get3A_19 = vector.load %arg4[%get3A_17, %get3A_18] : memref<1x128xf32, #tpu.memory_space<vmem>>, vector<1x128xf32>
    %add3A_20 = vector.broadcast %get3A_19 : vector<1x128xf32> to vector<1000x128xf32>
    %add3A_21 = arith.addf %dot_general3A_16, %add3A_20 : vector<1000x128xf32>
    %max3A = arith.constant 0.000000e+00 : f32
    %max3A_22 = vector.broadcast %max3A : f32 to vector<1000x128xf32>
    %max3A_23 = arith.maximumf %add3A_21, %max3A_22 : vector<1000x128xf32>
    %swap3A = arith.constant 0 : index
    %swap3A_24 = arith.constant 0 : index
    %swap3A_25 = vector.load %arg5[%swap3A, %swap3A_24] : memref<1000x128xf32, #tpu.memory_space<vmem>>, vector<1000x128xf32>
    tpu.vector_store %arg5[%swap3A, %swap3A_24], %max3A_23 {strides = array<i32>} : memref<1000x128xf32, #tpu.memory_space<vmem>>, vector<1000x128xf32>,
    return
  }
  func.func @transform_0(%arg0: i32) -> (i32, i32) {
    %c0_i32 = arith.constant 0 : i32
    %c0_i32_0 = arith.constant 0 : i32
    return %arg0, %c0_i32 : i32, i32
  }
  func.func @transform_1(%arg0: i32) -> (i32, i32, i32) {
    %c0_i32 = arith.constant 0 : i32
    %c0_i32_0 = arith.constant 0 : i32
    %c0_i32_1 = arith.constant 0 : i32
    return %c0_i32, %arg0, %c0_i32_0 : i32, i32, i32
  }
  func.func @transform_2(%arg0: i32) -> (i32, i32) {
    %c0_i32 = arith.constant 0 : i32
    %c0_i32_0 = arith.constant 0 : i32
    %c0_i32_1 = arith.constant 0 : i32
    return %c0_i32, %c0_i32_0 : i32, i32
  }
  func.func @transform_3(%arg0: i32) -> (i32, i32) {
    %c0_i32 = arith.constant 0 : i32
    %c0_i32_0 = arith.constant 0 : i32
    %c0_i32_1 = arith.constant 0 : i32
    return %c0_i32, %c0_i32_0 : i32, i32
  }
  func.func @transform_4(%arg0: i32) -> (i32, i32) {
    %c0_i32 = arith.constant 0 : i32
    %c0_i32_0 = arith.constant 0 : i32
    return %arg0, %c0_i32 : i32, i32
  }
}

module attributes {stable_mosaic.version = 14 : i64} {
  func.func @body(%arg0: i32, %arg1: memref<1000x128xf32, #tpu.memory_space<vmem>>, %arg2: memref<2x1000x128xf32, #tpu.memory_space<vmem>>, %arg3: memref<128x128xf32, #tpu.memory_space<vmem>>, %arg4: memref<1x128xf32, #tpu.memory_space<vmem>>, %arg5: memref<1000x128xf32, #tpu.memory_space<vmem>>) attributes {dimension_semantics = [#tpu.dimension_semantics<arbitrary>], iteration_bounds = array<i64: 10>, scalar_prefetch = 0 : i64, scratch_operands = 0 : i64, tpu.core_type = #tpu.core_type<tc>, window_params = [{transform_indices = @transform_0, window_bounds = array<i64: 1000, 128>}, {transform_indices = @transform_1, window_bounds = array<i64: 2, 1000, 128>}, {pipeline_mode = #tpu.pipeline_mode<synchronous>, transform_indices = @transform_2, window_bounds = array<i64: 128, 128>}, {pipeline_mode = #tpu.pipeline_mode<synchronous>, transform_indices = @transform_3, window_bounds = array<i64: 1, 128>}, {transform_indices = @transform_4, window_bounds = array<i64: 1000, 128>}]} {
    %get3A = arith.constant 0 : index
    %get3A_0 = arith.constant 0 : index
    %get3A_1 = vector.load %arg1[%get3A, %get3A_0] : memref<1000x128xf32, #tpu.memory_space<vmem>>, vector<1000x128xf32>
    %get3A_2 = arith.constant 0 : index
    %get3A_3 = arith.constant 0 : index
    %get3A_4 = arith.constant 0 : index
    %get3A_5 = vector.load %arg2[%get3A_2, %get3A_3, %get3A_4] : memref<2x1000x128xf32, #tpu.memory_space<vmem>>, vector<1x1000x128xf32>
    %get3A_6 = vector.shape_cast %get3A_5 : vector<1x1000x128xf32> to vector<1000x128xf32>
    %add3A = arith.addf %get3A_1, %get3A_6 : vector<1000x128xf32>
    %get3A_7 = arith.constant 1 : index
    %get3A_8 = arith.constant 0 : index
    %get3A_9 = arith.constant 0 : index
    %get3A_10 = vector.load %arg2[%get3A_7, %get3A_8, %get3A_9] : memref<2x1000x128xf32, #tpu.memory_space<vmem>>, vector<1x1000x128xf32>
    %get3A_11 = vector.shape_cast %get3A_10 : vector<1x1000x128xf32> to vector<1000x128xf32>
    %add3A_12 = arith.addf %add3A, %get3A_11 : vector<1000x128xf32>
    %get3A_13 = arith.constant 0 : index
    %get3A_14 = arith.constant 0 : index
    %get3A_15 = vector.load %arg3[%get3A_13, %get3A_14] : memref<128x128xf32, #tpu.memory_space<vmem>>, vector<128x128xf32>
    %dot_general3A = arith.constant dense<0.000000e+00> : vector<1000x128xf32>
    %dot_general3A_16 = tpu.matmul %add3A_12, %get3A_15, %dot_general3A {dimension_numbers = #tpu.dot_dimension_numbers<[1], [0], [0], [1], [0, 0, 1, 1], [], []>, transpose_lhs_hint = false} : vector<1000x128xf32>, vector<128x128xf32>, vector<1000x128xf32> -> vector<1000x128xf32>
    %get3A_17 = arith.constant 0 : index
    %get3A_18 = arith.constant 0 : index
    %get3A_19 = vector.load %arg4[%get3A_17, %get3A_18] : memref<1x128xf32, #tpu.memory_space<vmem>>, vector<1x128xf32>
    %add3A_20 = vector.broadcast %get3A_19 : vector<1x128xf32> to vector<1000x128xf32>
    %add3A_21 = arith.addf %dot_general3A_16, %add3A_20 : vector<1000x128xf32>
    %swap3A = arith.constant 0 : index
    %swap3A_22 = arith.constant 0 : index
    %swap3A_23 = vector.load %arg5[%swap3A, %swap3A_22] : memref<1000x128xf32, #tpu.memory_space<vmem>>, vector<1000x128xf32>
    tpu.vector_store %arg5[%swap3A, %swap3A_22], %add3A_21 {strides = array<i32>} : memref<1000x128xf32, #tpu.memory_space<vmem>>, vector<1000x128xf32>,
    return
  }
  func.func @transform_0(%arg0: i32) -> (i32, i32) {
    %c0_i32 = arith.constant 0 : i32
    %c0_i32_0 = arith.constant 0 : i32
    return %arg0, %c0_i32 : i32, i32
  }
  func.func @transform_1(%arg0: i32) -> (i32, i32, i32) {
    %c0_i32 = arith.constant 0 : i32
    %c0_i32_0 = arith.constant 0 : i32
    %c0_i32_1 = arith.constant 0 : i32
    return %c0_i32, %arg0, %c0_i32_0 : i32, i32, i32
  }
  func.func @transform_2(%arg0: i32) -> (i32, i32) {
    %c0_i32 = arith.constant 0 : i32
    %c0_i32_0 = arith.constant 0 : i32
    %c0_i32_1 = arith.constant 0 : i32
    return %c0_i32, %c0_i32_0 : i32, i32
  }
  func.func @transform_3(%arg0: i32) -> (i32, i32) {
    %c0_i32 = arith.constant 0 : i32
    %c0_i32_0 = arith.constant 0 : i32
    %c0_i32_1 = arith.constant 0 : i32
    return %c0_i32, %c0_i32_0 : i32, i32
  }
  func.func @transform_4(%arg0: i32) -> (i32, i32) {
    %c0_i32 = arith.constant 0 : i32
    %c0_i32_0 = arith.constant 0 : i32
    return %arg0, %c0_i32 : i32, i32
  }
}

</mosaic_0001>

<sc_bundles>
// kernel: kernel.11.cloned.1.call-start
scs
__scs_entry_jumppad:
0x0: {  	(pc) =	sbr.rel $0x88, $3  }
0x1: {  	(tag) =	ssettag $0x0;
	lr =	simm.s32 $0x1  }
0x2: {  	[smem:$0x3F99] =	sst lr;
	_ =	strace $0xD0000000  }
0x3: {  	_ = 	snop  }
0x4: {  	_ = 	snop  }
0x5: {  	_ = 	snop  }
0x6: {  	_ = 	snop  }
0x7: {  	_ = 	snop  }
__scs_overlays_trampoline_lowered:
0x8: {  	[smem:$0x3FA8] =	sst s0  }
0x9: {  	[smem:$0x3FA9] =	sst s1  }
0xa: {  	[smem:$0x3FAA] =	sst s2  }
0xb: {  	[smem:$0x3FAB] =	sst s3  }
0xc: {  	[smem:$0x3FAC] =	sst s4  }
0xd: {  	[smem:$0x3FAD] =	sst s5  }
0xe: {  	[smem:$0x3FAE] =	sst s6  }
0xf: {  	[smem:$0x3FAF] =	sst s7  }
0x10: {  	[smem:$0x3FB0] =	sst s8  }
0x11: {  	[smem:$0x3FB1] =	sst s9;
	s0 =	simm.s32 @!p0 $0x0  }
0x12: {  	s1 =	sld [smem:$0x3F97];
	s0 =	simm.s32 @p0 $0x1  }
0x13: {  	[smem:$0x3FB2] =	sst s0;
	s0 =	simm.s32 @!p1 $0x0  }
0x14: {  	s2 =	sld [smem:$0x3F96];
	s0 =	simm.s32 @p1 $0x1  }
0x15: {  	[smem:$0x3FB3] =	sst s0;
	s0 =	simm.s32 @!p2 $0x0  }
0x16: {  	s3 =	sld [smem:$0x3FDB];
	s0 =	simm.s32 @p2 $0x1  }
0x17: {  	s4 =	simm.s32 $0x1BF5;
	[smem:$0x3FB5] =	sst s0  }
0x18: {  	s0 =	sld [smem:$0x3F98];
	_ =	swait.ge [sflag:s4], $0x0  }
0x19: {  	s7 =	sld [smem:$0x3F99]  }
0x1a: {  	s8 =	sadd.s32 $0xFFFFE003, lr  }
0x1b: {  	s9 =	sadd.s32 $0xFFFFFEF7, lr;
	s5 =	simm.s32 $0xFFFFFFFF;
	p2 =	slt.u32 s8, $0xFFFFF086  }
0x1c: {  	p1 =	slt.u32 s9, $0xF7A;
	s5 =	simm.s32 @!p2 $0x0  }
0x1d: {  	s5 =	simm.s32 @p1 $0x1;
	p0 =	seq.s32 s7, s2  }
0x1e: {  	s7 =	smul.u32 @!p0 $0xF7A, s2;
	p2 =	seq.s32 @!p0 s5, $0x0  }
0x1f: {  	s9 =	smul.u32 $0xF7A, s1;
	s8 =	simm.s32 @!p0 $0x1BF5;
	p2 =	por !p2, p0  }
0x20: {  	[sflag:s8] =	ssyncset.s32 @!p0 $0xFFFFF086;
	s6 =	sadd.s32 @!p0 s3, s7;
	s7 =	simm.s32 @!p0 $0x108  }
0x21: {  	s3 =	sadd.s32 s3, s9;
	s6 =	sadd.s32 @!p0 $0x88, s6;
	s7 =	simm.s32 @p2 $0x1082  }
0x22: {  	[simem:s7], [sflag:s8] =	dma.local @!p0 [hbm:s6], $0xF7A  }
0x23: {  	s9 =	sor.u32 $0xD0000000, s2;
	s6 =	simm.s32 $0x108;
	_ =	swait.ge @!p0 [sflag:s8], $0x0  }
0x24: {  	s3 =	sadd.s32 $0x88, s3;
	s6 =	simm.s32 @!p1 $0x1082;
	[sflag:s4] =	ssyncset.s32 $0xFFFFF086  }
0x25: {  	[simem:s6], [sflag:s4] =	dma.local [hbm:s3], $0xF7A  }
0x26: {  	[smem:$0x3F99] =	sst s1;
	(tag) =	ssettag s2;
	_ =	strace s9  }
0x27: {  	s1 =	sld [smem:$0x3FA9]  }
0x28: {  	s2 =	sld [smem:$0x3FAA]  }
0x29: {  	s4 =	sld [smem:$0x3FAC]  }
0x2a: {  	p0 =	seq.s32 s5, $0x0;
	s5 =	sld [smem:$0x3FAD]  }
0x2b: {  	s6 =	sld [smem:$0x3FAE]  }
0x2c: {  	s7 =	sld [smem:$0x3FAF]  }
0x2d: {  	s3 =	simm.s32 $0x108;
	s8 =	sld [smem:$0x3FB0]  }
0x2e: {  	s3 =	simm.s32 @!p0 $0x1082;
	s9 =	sld [smem:$0x3FB1]  }
0x2f: {  	lr =	sadd.s32 s0, s3;
	s0 =	sld [smem:$0x3FA8]  }
0x30: {  	s3 =	sld [smem:$0x3FAB]  }
0x31: {  	[smem:$0x3FB4] =	sst s10  }
0x32: {  	s10 =	sld [smem:$0x3FB2];
	_ =	sdelay $0x3  }
0x33: {  	p0 =	seq.s32 s10, $0x1;
	s10 =	sld [smem:$0x3FB4];
	_ =	sdelay $0x3  }
0x34: {  	[smem:$0x3FB4] =	sst s10  }
0x35: {  	s10 =	sld [smem:$0x3FB3];
	_ =	sdelay $0x3  }
0x36: {  	p1 =	seq.s32 s10, $0x1;
	s10 =	sld [smem:$0x3FB4];
	_ =	sdelay $0x3  }
0x37: {  	[smem:$0x3FB4] =	sst s10  }
0x38: {  	s10 =	sld [smem:$0x3FB5]  }
0x39: {  	_ = 	snop;
	(pc) =	sbr.ind lr, $3  }
0x3a: {  	_ = 	snop  }
0x3b: {  	_ = 	snop  }
0x3c: {  	p2 =	seq.s32 s10, $0x1;
	s10 =	sld [smem:$0x3FB4]  }
0x3d: {  	_ =	shalt  }
0x3e: {  	_ =	shalt  }
0x3f: {  	_ =	shalt  }
0x40: {  	_ =	shalt  }
0x41: {  	_ =	shalt  }
0x42: {  	_ =	shalt  }
0x43: {  	_ =	shalt  }
0x44: {  	_ =	shalt  }
0x45: {  	_ =	shalt  }
0x46: {  	_ =	shalt  }
0x47: {  	_ =	shalt  }
0x48: {  	_ =	shalt  }
0x49: {  	_ =	shalt  }
0x4a: {  	_ =	shalt  }
0x4b: {  	_ =	shalt  }
0x4c: {  	_ =	shalt  }
0x4d: {  	_ =	shalt  }
0x4e: {  	_ =	shalt  }
0x4f: {  	_ =	shalt  }
0x50: {  	_ =	shalt  }
0x51: {  	_ =	shalt  }
0x52: {  	_ =	shalt  }
0x53: {  	_ =	shalt  }
0x54: {  	_ =	shalt  }
0x55: {  	_ =	shalt  }
0x56: {  	_ =	shalt  }
0x57: {  	_ =	shalt  }
0x58: {  	_ =	shalt  }
0x59: {  	_ =	shalt  }
0x5a: {  	_ =	shalt  }
0x5b: {  	_ =	shalt  }
0x5c: {  	_ =	shalt  }
0x5d: {  	_ =	shalt  }
0x5e: {  	_ =	shalt  }
0x5f: {  	_ =	shalt  }
0x60: {  	_ =	shalt  }
0x61: {  	_ =	shalt  }
0x62: {  	_ =	shalt  }
0x63: {  	_ =	shalt  }
0x64: {  	_ =	shalt  }
0x65: {  	_ =	shalt  }
0x66: {  	_ =	shalt  }
0x67: {  	_ =	shalt  }
0x68: {  	_ =	shalt  }
0x69: {  	_ =	shalt  }
0x6a: {  	_ =	shalt  }
0x6b: {  	_ =	shalt  }
0x6c: {  	_ =	shalt  }
0x6d: {  	_ =	shalt  }
0x6e: {  	_ =	shalt  }
0x6f: {  	_ =	shalt  }
0x70: {  	_ =	shalt  }
0x71: {  	_ =	shalt  }
0x72: {  	_ =	shalt  }
0x73: {  	_ =	shalt  }
0x74: {  	_ =	shalt  }
0x75: {  	_ =	shalt  }
0x76: {  	_ =	shalt  }
0x77: {  	_ =	shalt  }
0x78: {  	_ =	shalt  }
0x79: {  	_ =	shalt  }
0x7a: {  	_ =	shalt  }
0x7b: {  	_ =	shalt  }
0x7c: {  	_ =	shalt  }
0x7d: {  	_ =	shalt  }
0x7e: {  	_ =	shalt  }
0x7f: {  	_ =	shalt  }
0x80: {  	_ =	shalt  }
0x81: {  	_ =	shalt  }
0x82: {  	_ =	shalt  }
0x83: {  	_ =	shalt  }
0x84: {  	_ =	shalt  }
0x85: {  	_ =	shalt  }
0x86: {  	_ =	shalt  }
0x87: {  	_ =	shalt  }
.Lfunc_end0:
.L_simem_size_0:
called_computation.1_lowered:
.L_overlay_start_0:
0x88: {  	s2 =	sld [smem:$0x3FD9]  }
0x89: {  	s3 =	sld [smem:$0x3FFE];
	_ =	sdelay $0x1  }
0x8a: {  	s1 =	srdreg.scid  }
0x8b: {  	s0 =	sand.u32 $0x1, s1  }
0x8c: {  	s17 =	sshll.u32 s0, $0xA;
	s2 =	sadd.s32 s3, s2  }
0x8d: {  	s2 =	sadd.s32 s2, s17  }
0x8e: {  	[smem:$0x3FC0] =	sst s2  }
0x8f: {  	_ = 	snop  }
0x90: {  	s2 =	sld [smem:$0x3FD0];
	(tm) =	ssettm $0x1  }
0x91: {  	s18 =	sld [smem:$0x3FFB];
	_ =	sdelay $0x3  }
0x92: {  	_ =	strace s18  }
0x93: {  	s3 =	sld [smem:$0x3FFC];
	_ =	sdelay $0x3  }
0x94: {  	_ =	strace s3  }
0x95: {  	s3 =	sld [smem:$0x3FFD];
	_ =	sdelay $0x3  }
0x96: {  	_ =	strace s3  }
0x97: {  	_ =	strace $0x8FFFFFFF  }
0x98: {  	s19 =	sld [smem:$0x3FDB];
	_ =	sdelay $0x1  }
0x99: {  	s4 =	simm.s32 $_scs_section_size  }
0x9a: {  	s5 =	simm.s32 $_size__tile_overlayer_lowered;
	s6 =	simm.s32 $_tile_overlayer_lowered  }
0x9b: {  	s22 =	simm.s32 $0x1BFF;
	s21 =	sshll.u32 s6, $0x1;
	s3 =	sadd.s32 s4, s19  }
0x9c: {  	s7 =	simm.s32 $0x0;
	s20 =	sshll.u32 s5, $0x1;
	s5 =	sadd.s32 s21, s3  }
0x9d: {  	[timem:s7], [sflag:s22] =	dma.local [hbm:s5], s20  }
0x9e: {  	_ =	swait.ge [sflag:s22], s20  }
0x9f: {  	s4 =	ssub.s32 $0x0, s20;
	[sflag:s22] =	ssyncset.done $0x0  }
0xa0: {  	[sflag:s22] =	ssyncadd.s32 s4;
	_ =	sdelay $0x1  }
0xa1: {  	s23 =	simm.s32 $0x1B8B  }
0xa2: {  	_ =	swait.ge [sflag:s23], $0x1  }
0xa3: {  	[sflag:s23] =	ssyncset.done $0x0  }
0xa4: {  	s25 =	simm.s32 $0x1B8E;
	s24 =	sld [smem:$0x3FFE];
	[sflag:s23] =	ssyncadd.s32 $0xFFFFFFFF  }
0xa5: {  	s26 =	simm.s32 $execute0_lowered;
	[smem:$0x3FD2] =	sst s25  }
0xa6: {  	s5 =	sshll.u32 s26, $0x1;
	_ =	strace $0x80000049;
	[dreg:$0x1] =	wrdreg $0xFFFFFFFF  }
0xa7: {  	s28 =	simm.s32 $_size_execute0_lowered;
	s3 =	sadd.s32 s3, s5;
	[dreg:$0x0] =	wrdreg $0x0  }
0xa8: {  	s5 =	sshll.u32 s28, $0x1;
	[dreg:$0x2] =	wrdreg s3  }
0xa9: {  	[dreg:$0x3] =	wrdreg s5  }
0xaa: {  	[dreg:$0x4] =	wrdreg $0xC0  }
0xab: {  	_ =	task [dreg:s7], $0x5FFFF  }
0xac: {  	[dreg:$0x1] =	wrdreg $0xFFFFFFFF  }
0xad: {  	[dreg:$0x0] =	wrdreg $0x60  }
0xae: {  	[dreg:$0x2] =	wrdreg s24  }
0xaf: {  	[dreg:$0x3] =	wrdreg s2  }
0xb0: {  	[dreg:$0x4] =	wrdreg $0xA8000  }
0xb1: {  	[dreg:$0x5] =	wrdreg $0x9  }
0xb2: {  	_ =	task.clear_ibuf [dreg:s7], $0x6FFFF;
	_ =	strace $0x90000049  }
0xb3: {  	s29 =	simm.s32 $0x9;
	_ =	strace $0x8000004B  }
0xb4: {  	_ =	swait.ge [sflag:s29], $0x1  }
0xb5: {  	[sflag:s29] =	ssyncadd.s32 $0xFFFFFFFF  }
0xb6: {  	_ =	strace $0x9000004B  }
0xb7: {  	_ =	sfence  }
0xb8: {  	s30 =	sld [smem:$0x0];
	_ =	sdelay $0x2  }
0xb9: {  	s31 =	sshll.u32 s1, $0xD;
	s1 =	sshrl.u32 s1, $0x2  }
0xba: {  	s3 =	sand.u32 $0x4000, s31;
	s1 =	sadd.s32 s1, s30  }
0xbb: {  	s0 =	sor.u32 s3, s0;
	s1 =	sshll.u32 s1, $0x11  }
0xbc: {  	s0 =	sor.u32 s1, s0  }
0xbd: {  	s0 =	sadd.s32 $0x8F2B, s0  }
0xbe: {  	[sflag:s0] =	ssyncadd.remote.s32 $0x1  }
0xbf: {  	_ =	sfence.sel $0xFFFF  }
0xc0: {  	[dreg:$0x0] =	wrdreg $0xFFFFFFFF;
	(pc) =	sbr.abs _section_cstart, $3  }
0xc1: {  	[dreg:$0x1] =	wrdreg $0xFFFFFFFF  }
0xc2: {  	_ =	task.clear_ibuf [dreg:s7], $0x2FFFF;
	_ =	strace $0x9FFFFFFF  }
0xc3: {  	(tm) =	ssettm $0x7FFFFFFF  }
tec
execute0_lowered:
.L_overlay_start_1:
0x0: {  	(tag) =	ssettag $0x1  }
0x1: {  	s0 =	rddreg [dreg:$0x0]  }
0x2: {  	s3 =	rddreg [dreg:$0x2]  }
0x3: {  	s4 =	simm.s32 $0x0;
	s1 =	srdreg.scid;
	s19 =	stileid.u32  }
0x4: {  	s28 =	simm.s32 $0x2;
	s29 =	simm.s32 $0x1380;
	s30 =	simm.s32 $0x2700  }
0x5: {  	s31 =	simm.s32 $0x2780;
	[smem:$0x7FF] =	sst s4;
	s1 =	sand.u32 $0x1, s1  }
0x6: {  	s2 =	sshll.u32 s19, $0x1;
	s5 =	sadd.s32 $0x16200, s0;
	s11 =	smul.u32 $0x280, s19  }
0x7: {  	s13 =	sadd.s32 $0x2200, s0;
	s14 =	sadd.s32 $0xC200, s0;
	s8 =	smul.u32 $0x50000, s19  }
0x8: {  	s26 =	smul.u32 $0x2800, s19;
	s19 =	simm.s32 $0x80;
	_ =	strace $0x8000004A  }
0x9: {  	s6 =	smul.u32 $0x28000, s1;
	s2 =	sor.u32 s1, s2;
	s1 =	ssub.s32 $0x2, s1  }
0xa: {  	s7 =	smul.u32 $0x500, s2;
	s21 =	sshrl.u32 s1, $0x1;
	s8 =	sshrl.u32 s8, $0x2  }
0xb: {  	s15 =	sadd.s32 $0x80, s11;
	s16 =	sadd.s32 $0x100, s11;
	s2 =	smul.u32 $0x2800, s2  }
0xc: {  	s17 =	sadd.s32 $0x180, s11;
	s18 =	sadd.s32 $0x200, s11;
	s0 =	sadd.s32 s6, s0  }
0xd: {  	s1 =	ssub.s32 s1, s21;
	s9 =	sshll.u32 s15, $0x7;
	s10 =	sshll.u32 s16, $0x7  }
0xe: {  	s8 =	sadd.s32 s8, s3;
	s24 =	sshll.u32 s17, $0x7;
	s12 =	sshll.u32 s18, $0x7  }
0xf: {  	s21 =	sshll.u32 s15, $0x4;
	s22 =	sadd.s32 s13, s7;
	s23 =	sadd.s32 s14, s7  }
0x10: {  	s9 =	sadd.s32 s9, s3;
	s10 =	sadd.s32 s10, s3;
	s2 =	sshrl.u32 s2, $0x3  }
0x11: {  	s11 =	sadd.s32 s24, s3;
	s12 =	sadd.s32 s12, s3;
	s0 =	sadd.s32 $0x3D400, s0  }
0x12: {  	s24 =	sshll.u32 s18, $0x4;
	s15 =	smax.u32 s1, $0x1;
	[dreg:$0x4] =	wrdreg s22  }
0x13: {  	s18 =	simm.s32 $0x2800;
	[dreg:$0x5] =	wrdreg s23;
	s2 =	sadd.s32 $0x280, s2  }
0x14: {  	s22 =	sshll.u32 s16, $0x4;
	s23 =	sshll.u32 s17, $0x4;
	s16 =	simm.s32 $0x3  }
0x15: {  	s17 =	simm.s32 $0x1400;
	s20 =	sadd.s32 s26, s0;
	s21 =	sadd.s32 s21, s0  }
0x16: {  	s24 =	sadd.s32 s24, s0;
	s26 =	simm.s32 $0x1;
	s25 =	sadd.s32 s13, s2  }
0x17: {  	s14 =	sadd.s32 s14, s2;
	s22 =	sadd.s32 s22, s0;
	s23 =	sadd.s32 s23, s0  }
0x18: {  	s0 =	simm.s32 $0x0;
	[dreg:$0x6] =	wrdreg s25;
	s25 =	simm.s32 $0x6800  }
.LBB2_1:
0x19: {  	s1 =	rddreg [dreg:$0x4]  }
0x1a: {  	[tilespmem:s4], [sflag:$0x3] =	stream.linear.gather [hbm4b:s1+s4], $0x1400, $0x38;
	[tilespmem:$0x1E800] =	vst v63  }
0x1b: {  	_ =	swait.ge [sflag:s16], $0x1400  }
0x1c: {  	[sflag:s16] =	ssyncset.done $0x0  }
0x1d: {  	s7 =	rddreg [dreg:$0x5];
	[sflag:s16] =	ssyncadd.s32 $0xFFFFEC00  }
0x1e: {  	[tilespmem:s17], [sflag:$0x3] =	stream.linear.gather [hbm4b:s7+s4], $0x1400, $0x38;
	[tilespmem:$0x1E800] =	vst v63  }
0x1f: {  	_ =	swait.ge [sflag:s16], $0x1400  }
0x20: {  	[sflag:s16] =	ssyncset.done $0x0  }
0x21: {  	[sflag:s16] =	ssyncadd.s32 $0xFFFFEC00  }
0x22: {  	s13 =	rddreg [dreg:$0x1]  }
0x23: {  	[tilespmem:s18], [sflag:$0x3] =	stream.linear.gather [hbm4b:s13+s4], $0x4000, $0x38;
	[tilespmem:$0x1E800] =	vst v63  }
0x24: {  	_ =	swait.ge [sflag:s16], $0x4000  }
0x25: {  	[sflag:s16] =	ssyncset.done $0x0  }
0x26: {  	[sflag:s16] =	ssyncadd.s32 $0xFFFFC000  }
0x27: {  	[spmem:s8] =	stream.linear.scatter [tilespmem:s18], [sflag:$0x3], $0x4000, $0x38;
	[tilespmem:$0x1E800] =	vst v63  }
0x28: {  	_ =	swait.ge [sflag:s16], $0x4000  }
0x29: {  	[sflag:s16] =	ssyncset.done $0x0  }
0x2a: {  	[sflag:s16] =	ssyncadd.s32 $0xFFFFC000  }
0x2b: {  	[spmem:s9] =	stream.linear.scatter [tilespmem:s18], [sflag:$0x3], $0x4000, $0x38;
	[tilespmem:$0x1E800] =	vst v63  }
0x2c: {  	_ =	swait.ge [sflag:s16], $0x4000  }
0x2d: {  	[sflag:s16] =	ssyncset.done $0x0  }
0x2e: {  	[sflag:s16] =	ssyncadd.s32 $0xFFFFC000  }
0x2f: {  	[spmem:s10] =	stream.linear.scatter [tilespmem:s18], [sflag:$0x3], $0x4000, $0x38;
	[tilespmem:$0x1E800] =	vst v63  }
0x30: {  	_ =	swait.ge [sflag:s16], $0x4000  }
0x31: {  	[sflag:s16] =	ssyncset.done $0x0  }
0x32: {  	[sflag:s16] =	ssyncadd.s32 $0xFFFFC000  }
0x33: {  	[spmem:s11] =	stream.linear.scatter [tilespmem:s18], [sflag:$0x3], $0x4000, $0x38;
	[tilespmem:$0x1E800] =	vst v63  }
0x34: {  	_ =	swait.ge [sflag:s16], $0x4000  }
0x35: {  	[sflag:s16] =	ssyncset.done $0x0  }
0x36: {  	[sflag:s16] =	ssyncadd.s32 $0xFFFFC000  }
0x37: {  	[spmem:s12] =	stream.linear.scatter [tilespmem:s18], [sflag:$0x3], $0x4000, $0x38;
	[tilespmem:$0x1E800] =	vst v63  }
0x38: {  	_ =	swait.ge [sflag:s16], $0x4000  }
0x39: {  	[sflag:s16] =	ssyncset.done $0x0  }
0x3a: {  	[sflag:s16] =	ssyncadd.s32 $0xFFFFC000  }
0x3b: {  	[bflag:$0x0] =	sbarrier.arrive $0xFFFF  }
0x3c: {  	[tilespmem:s18], [sflag:$0x1] =	stream.indirect.gather [hbm4b:s5+s19], $0x80, s4, s19, $0xb8;
	[tilespmem:$0x1E800] =	vst v63  }
0x3d: {  	s2 =	simm.s32 $0x80  }
0x3e: {  	[tilespmem:s25], [sflag:$0x2] =	stream.indirect.gather [hbm4b:s5+s19], $0x80, s2, s19, $0xb8;
	[tilespmem:$0x1E800] =	vst v63  }
0x3f: {  	_ =	swait.ge [sflag:s26], $0x4000  }
0x40: {  	[sflag:s26] =	ssyncset.done $0x0  }
0x41: {  	s6 =	simm.s32 $0x1400;
	[sflag:s26] =	ssyncadd.s32 $0xFFFFC000  }
0x42: {  	[spmem:s3] =	stream.indirect.scatter.add.f32 [tilespmem:s18], [sflag:$0x3], $0x80, s6, s19, $0xb8;
	[tilespmem:$0x1E800] =	vst v63  }
0x43: {  	_ =	swait.ge [sflag:s16], $0x4000  }
0x44: {  	[sflag:s16] =	ssyncset.done $0x0  }
0x45: {  	s7 =	simm.s32 $0x100;
	[sflag:s16] =	ssyncadd.s32 $0xFFFFC000  }
0x46: {  	[tilespmem:s18], [sflag:$0x1] =	stream.indirect.gather [hbm4b:s5+s19], $0x80, s7, s19, $0xb8;
	[tilespmem:$0x1E800] =	vst v63  }
0x47: {  	_ =	swait.ge [sflag:s28], $0x4000  }
0x48: {  	[sflag:s28] =	ssyncset.done $0x0  }
0x49: {  	s13 =	simm.s32 $0x1480;
	[sflag:s28] =	ssyncadd.s32 $0xFFFFC000  }
0x4a: {  	[spmem:s3] =	stream.indirect.scatter.add.f32 [tilespmem:s25], [sflag:$0x3], $0x80, s13, s19, $0xb8;
	[tilespmem:$0x1E800] =	vst v63  }
0x4b: {  	_ =	swait.ge [sflag:s16], $0x4000  }
0x4c: {  	s1 =	simm.s32 $0x800;
	s2 =	simm.s32 $0x100;
	[sflag:s16] =	ssyncset.done $0x0  }
.LBB2_2:
0x4d: {  	s6 =	sadd.s32 $0x80, s2  }
0x4e: {  	[sflag:s16] =	ssyncadd.s32 $0xFFFFC000;
	s7 =	smov.u32 s1;
	s13 =	sadd.s32 $0x400, s1  }
0x4f: {  	[tilespmem:s25], [sflag:$0x2] =	stream.indirect.gather [hbm4b:s5+s19], $0x80, s6, s19, $0xb8;
	[tilespmem:$0x1E800] =	vst v63  }
0x50: {  	p0 =	sne.s32 s1, $0x4800;
	_ =	swait.ge [sflag:s26], $0x4000  }
0x51: {  	[sflag:s26] =	ssyncset.done $0x0  }
0x52: {  	s1 =	sadd.s32 $0x1400, s2;
	[sflag:s26] =	ssyncadd.s32 $0xFFFFC000  }
0x53: {  	[spmem:s3] =	stream.indirect.scatter.add.f32 [tilespmem:s18], [sflag:$0x3], $0x80, s1, s19, $0xb8;
	[tilespmem:$0x1E800] =	vst v63  }
0x54: {  	_ =	swait.ge [sflag:s16], $0x4000  }
0x55: {  	[sflag:s16] =	ssyncset.done $0x0  }
0x56: {  	s1 =	sadd.s32 $0x100, s2;
	[sflag:s16] =	ssyncadd.s32 $0xFFFFC000  }
0x57: {  	[tilespmem:s18], [sflag:$0x1] =	stream.indirect.gather [hbm4b:s5+s19], $0x80, s1, s19, $0xb8;
	[tilespmem:$0x1E800] =	vst v63  }
0x58: {  	_ =	swait.ge [sflag:s28], $0x4000  }
.Ltmp0:
0x59: {  	[sflag:s28] =	ssyncset.done $0x0;
	(pc) =	sbr.rel @p0 .LBB2_2-.Ltmp0, $4  }
0x5a: {  	s1 =	sadd.s32 $0x1480, s2;
	[sflag:s28] =	ssyncadd.s32 $0xFFFFC000  }
0x5b: {  	[spmem:s3] =	stream.indirect.scatter.add.f32 [tilespmem:s25], [sflag:$0x3], $0x80, s1, s19, $0xb8;
	[tilespmem:$0x1E800] =	vst v63  }
0x5c: {  	_ =	swait.ge [sflag:s16], $0x4000  }
0x5d: {  	s2 =	sshra.s32 s7, $0x2;
	s1 =	smov.u32 s13;
	[sflag:s16] =	ssyncset.done $0x0  }
0x5e: {  	s1 =	sadd.s32 $0x80, s2;
	[sflag:s16] =	ssyncadd.s32 $0xFFFFC000  }
0x5f: {  	[tilespmem:s25], [sflag:$0x2] =	stream.indirect.gather [hbm4b:s5+s19], $0x80, s1, s19, $0xb8;
	[tilespmem:$0x1E800] =	vst v63  }
0x60: {  	_ =	swait.ge [sflag:s26], $0x4000  }
0x61: {  	[sflag:s26] =	ssyncset.done $0x0  }
0x62: {  	s7 =	sadd.s32 $0x1400, s2;
	[sflag:s26] =	ssyncadd.s32 $0xFFFFC000  }
0x63: {  	[spmem:s3] =	stream.indirect.scatter.add.f32 [tilespmem:s18], [sflag:$0x3], $0x80, s7, s19, $0xb8;
	[tilespmem:$0x1E800] =	vst v63  }
0x64: {  	_ =	swait.ge [sflag:s16], $0x4000  }
0x65: {  	[sflag:s16] =	ssyncset.done $0x0  }
0x66: {  	s13 =	sadd.s32 $0x100, s2;
	[sflag:s16] =	ssyncadd.s32 $0xFFFFC000  }
0x67: {  	[tilespmem:s18], [sflag:$0x1] =	stream.indirect.gather [hbm4b:s5+s19], $0x80, s13, s19, $0xb8;
	[tilespmem:$0x1E800] =	vst v63  }
0x68: {  	_ =	swait.ge [sflag:s28], $0x4000  }
0x69: {  	[sflag:s28] =	ssyncset.done $0x0  }
0x6a: {  	s6 =	sadd.s32 $0x1480, s2;
	[sflag:s28] =	ssyncadd.s32 $0xFFFFC000  }
0x6b: {  	[spmem:s3] =	stream.indirect.scatter.add.f32 [tilespmem:s25], [sflag:$0x3], $0x80, s6, s19, $0xb8;
	[tilespmem:$0x1E800] =	vst v63  }
0x6c: {  	_ =	swait.ge [sflag:s16], $0x4000  }
0x6d: {  	[sflag:s16] =	ssyncset.done $0x0  }
0x6e: {  	[sflag:s16] =	ssyncadd.s32 $0xFFFFC000  }
0x6f: {  	[tilespmem:s25], [sflag:$0x2] =	stream.indirect.gather [hbm4b:s5+s19], $0x80, s29, s19, $0xb8;
	[tilespmem:$0x1E800] =	vst v63  }
0x70: {  	_ =	swait.ge [sflag:s26], $0x4000  }
0x71: {  	[sflag:s26] =	ssyncset.done $0x0  }
0x72: {  	[sflag:s26] =	ssyncadd.s32 $0xFFFFC000  }
0x73: {  	[spmem:s3] =	stream.indirect.scatter.add.f32 [tilespmem:s18], [sflag:$0x3], $0x80, s30, s19, $0xb8;
	[tilespmem:$0x1E800] =	vst v63  }
0x74: {  	_ =	swait.ge [sflag:s16], $0x4000  }
0x75: {  	[sflag:s16] =	ssyncset.done $0x0  }
0x76: {  	[sflag:s16] =	ssyncadd.s32 $0xFFFFC000  }
0x77: {  	_ =	swait.ge [sflag:s28], $0x4000  }
0x78: {  	[sflag:s28] =	ssyncset.done $0x0  }
0x79: {  	[sflag:s28] =	ssyncadd.s32 $0xFFFFC000  }
0x7a: {  	[spmem:s3] =	stream.indirect.scatter.add.f32 [tilespmem:s25], [sflag:$0x3], $0x80, s31, s19, $0xb8;
	[tilespmem:$0x1E800] =	vst v63  }
0x7b: {  	_ =	swait.ge [sflag:s16], $0x4000  }
0x7c: {  	[sflag:s16] =	ssyncset.done $0x0  }
0x7d: {  	s7 =	simm.s32 $0x0;
	s13 =	rddreg [dreg:$0x6];
	[sflag:s16] =	ssyncadd.s32 $0xFFFFC000  }
0x7e: {  	[tilespmem:s7], [sflag:$0x3] =	stream.linear.gather [hbm4b:s13+s7], $0x1400, $0x38;
	[tilespmem:$0x1E800] =	vst v63  }
0x7f: {  	_ =	swait.ge [sflag:s16], $0x1400  }
0x80: {  	[sflag:s16] =	ssyncset.done $0x0  }
0x81: {  	[sflag:s16] =	ssyncadd.s32 $0xFFFFEC00  }
0x82: {  	[tilespmem:s17], [sflag:$0x3] =	stream.linear.gather [hbm4b:s14+s7], $0x1400, $0x38;
	[tilespmem:$0x1E800] =	vst v63  }
0x83: {  	_ =	swait.ge [sflag:s16], $0x1400  }
0x84: {  	[sflag:s16] =	ssyncset.done $0x0  }
0x85: {  	[sflag:s16] =	ssyncadd.s32 $0xFFFFEC00  }
0x86: {  	[tilespmem:s18], [sflag:$0x1] =	stream.indirect.gather [hbm4b:s5+s19], $0x80, s7, s19, $0xb8;
	[tilespmem:$0x1E800] =	vst v63  }
0x87: {  	s2 =	simm.s32 $0x80  }
0x88: {  	[tilespmem:s25], [sflag:$0x2] =	stream.indirect.gather [hbm4b:s5+s19], $0x80, s2, s19, $0xb8;
	[tilespmem:$0x1E800] =	vst v63  }
0x89: {  	_ =	swait.ge [sflag:s26], $0x4000  }
0x8a: {  	[sflag:s26] =	ssyncset.done $0x0  }
0x8b: {  	s6 =	simm.s32 $0x1400;
	[sflag:s26] =	ssyncadd.s32 $0xFFFFC000  }
0x8c: {  	[spmem:s3] =	stream.indirect.scatter.add.f32 [tilespmem:s18], [sflag:$0x3], $0x80, s6, s19, $0xb8;
	[tilespmem:$0x1E800] =	vst v63  }
0x8d: {  	_ =	swait.ge [sflag:s16], $0x4000  }
0x8e: {  	[sflag:s16] =	ssyncset.done $0x0  }
0x8f: {  	s7 =	simm.s32 $0x100;
	[sflag:s16] =	ssyncadd.s32 $0xFFFFC000  }
0x90: {  	[tilespmem:s18], [sflag:$0x1] =	stream.indirect.gather [hbm4b:s5+s19], $0x80, s7, s19, $0xb8;
	[tilespmem:$0x1E800] =	vst v63  }
0x91: {  	_ =	swait.ge [sflag:s28], $0x4000  }
0x92: {  	[sflag:s28] =	ssyncset.done $0x0  }
0x93: {  	s13 =	simm.s32 $0x1480;
	[sflag:s28] =	ssyncadd.s32 $0xFFFFC000  }
0x94: {  	[spmem:s3] =	stream.indirect.scatter.add.f32 [tilespmem:s25], [sflag:$0x3], $0x80, s13, s19, $0xb8;
	[tilespmem:$0x1E800] =	vst v63  }
0x95: {  	_ =	swait.ge [sflag:s16], $0x4000  }
0x96: {  	s1 =	simm.s32 $0x800;
	s2 =	simm.s32 $0x100;
	[sflag:s16] =	ssyncset.done $0x0  }
.LBB2_4:
0x97: {  	s6 =	sadd.s32 $0x80, s2  }
0x98: {  	[sflag:s16] =	ssyncadd.s32 $0xFFFFC000;
	s7 =	smov.u32 s1;
	s13 =	sadd.s32 $0x400, s1  }
0x99: {  	[tilespmem:s25], [sflag:$0x2] =	stream.indirect.gather [hbm4b:s5+s19], $0x80, s6, s19, $0xb8;
	[tilespmem:$0x1E800] =	vst v63  }
0x9a: {  	p0 =	sne.s32 s1, $0x4800;
	_ =	swait.ge [sflag:s26], $0x4000  }
0x9b: {  	[sflag:s26] =	ssyncset.done $0x0  }
0x9c: {  	s1 =	sadd.s32 $0x1400, s2;
	[sflag:s26] =	ssyncadd.s32 $0xFFFFC000  }
0x9d: {  	[spmem:s3] =	stream.indirect.scatter.add.f32 [tilespmem:s18], [sflag:$0x3], $0x80, s1, s19, $0xb8;
	[tilespmem:$0x1E800] =	vst v63  }
0x9e: {  	_ =	swait.ge [sflag:s16], $0x4000  }
0x9f: {  	[sflag:s16] =	ssyncset.done $0x0  }
0xa0: {  	s1 =	sadd.s32 $0x100, s2;
	[sflag:s16] =	ssyncadd.s32 $0xFFFFC000  }
0xa1: {  	[tilespmem:s18], [sflag:$0x1] =	stream.indirect.gather [hbm4b:s5+s19], $0x80, s1, s19, $0xb8;
	[tilespmem:$0x1E800] =	vst v63  }
0xa2: {  	_ =	swait.ge [sflag:s28], $0x4000  }
.Ltmp1:
0xa3: {  	[sflag:s28] =	ssyncset.done $0x0;
	(pc) =	sbr.rel @p0 .LBB2_4-.Ltmp1, $4  }
0xa4: {  	s1 =	sadd.s32 $0x1480, s2;
	[sflag:s28] =	ssyncadd.s32 $0xFFFFC000  }
0xa5: {  	[spmem:s3] =	stream.indirect.scatter.add.f32 [tilespmem:s25], [sflag:$0x3], $0x80, s1, s19, $0xb8;
	[tilespmem:$0x1E800] =	vst v63  }
0xa6: {  	_ =	swait.ge [sflag:s16], $0x4000  }
0xa7: {  	s2 =	sshra.s32 s7, $0x2;
	s1 =	smov.u32 s13;
	[sflag:s16] =	ssyncset.done $0x0  }
0xa8: {  	s1 =	sadd.s32 $0x80, s2;
	[sflag:s16] =	ssyncadd.s32 $0xFFFFC000  }
0xa9: {  	[tilespmem:s25], [sflag:$0x2] =	stream.indirect.gather [hbm4b:s5+s19], $0x80, s1, s19, $0xb8;
	[tilespmem:$0x1E800] =	vst v63  }
0xaa: {  	_ =	swait.ge [sflag:s26], $0x4000  }
0xab: {  	[sflag:s26] =	ssyncset.done $0x0  }
0xac: {  	s6 =	sadd.s32 $0x1400, s2;
	[sflag:s26] =	ssyncadd.s32 $0xFFFFC000  }
0xad: {  	[spmem:s3] =	stream.indirect.scatter.add.f32 [tilespmem:s18], [sflag:$0x3], $0x80, s6, s19, $0xb8;
	[tilespmem:$0x1E800] =	vst v63  }
0xae: {  	_ =	swait.ge [sflag:s16], $0x4000  }
0xaf: {  	[sflag:s16] =	ssyncset.done $0x0  }
0xb0: {  	s7 =	sadd.s32 $0x100, s2;
	[sflag:s16] =	ssyncadd.s32 $0xFFFFC000  }
0xb1: {  	[tilespmem:s18], [sflag:$0x1] =	stream.indirect.gather [hbm4b:s5+s19], $0x80, s7, s19, $0xb8;
	[tilespmem:$0x1E800] =	vst v63  }
0xb2: {  	_ =	swait.ge [sflag:s28], $0x4000  }
0xb3: {  	[sflag:s28] =	ssyncset.done $0x0  }
0xb4: {  	s13 =	sadd.s32 $0x1480, s2;
	[sflag:s28] =	ssyncadd.s32 $0xFFFFC000  }
0xb5: {  	[spmem:s3] =	stream.indirect.scatter.add.f32 [tilespmem:s25], [sflag:$0x3], $0x80, s13, s19, $0xb8;
	[tilespmem:$0x1E800] =	vst v63  }
0xb6: {  	_ =	swait.ge [sflag:s16], $0x4000  }
0xb7: {  	[sflag:s16] =	ssyncset.done $0x0  }
0xb8: {  	[sflag:s16] =	ssyncadd.s32 $0xFFFFC000  }
0xb9: {  	[tilespmem:s25], [sflag:$0x2] =	stream.indirect.gather [hbm4b:s5+s19], $0x80, s29, s19, $0xb8;
	[tilespmem:$0x1E800] =	vst v63  }
0xba: {  	_ =	swait.ge [sflag:s26], $0x4000  }
0xbb: {  	[sflag:s26] =	ssyncset.done $0x0  }
0xbc: {  	[sflag:s26] =	ssyncadd.s32 $0xFFFFC000  }
0xbd: {  	[spmem:s3] =	stream.indirect.scatter.add.f32 [tilespmem:s18], [sflag:$0x3], $0x80, s30, s19, $0xb8;
	[tilespmem:$0x1E800] =	vst v63  }
0xbe: {  	_ =	swait.ge [sflag:s16], $0x4000  }
0xbf: {  	[sflag:s16] =	ssyncset.done $0x0  }
0xc0: {  	[sflag:s16] =	ssyncadd.s32 $0xFFFFC000  }
0xc1: {  	_ =	swait.ge [sflag:s28], $0x4000  }
0xc2: {  	[sflag:s28] =	ssyncset.done $0x0  }
0xc3: {  	[sflag:s28] =	ssyncadd.s32 $0xFFFFC000  }
0xc4: {  	[spmem:s3] =	stream.indirect.scatter.add.f32 [tilespmem:s25], [sflag:$0x3], $0x80, s31, s19, $0xb8;
	[tilespmem:$0x1E800] =	vst v63  }
0xc5: {  	_ =	swait.ge [sflag:s16], $0x4000  }
0xc6: {  	[sflag:s16] =	ssyncset.done $0x0  }
0xc7: {  	[sflag:s16] =	ssyncadd.s32 $0xFFFFC000  }
0xc8: {  	[bflag:$0x0] =	sbarrier.arrive $0xFFFF  }
0xc9: {  	[tilespmem:s18], [sflag:$0x3] =	stream.linear.gather [spmem:s8], $0x4000, $0x38;
	[tilespmem:$0x1E800] =	vst v63  }
0xca: {  	_ =	swait.ge [sflag:s16], $0x4000  }
0xcb: {  	[sflag:s16] =	ssyncset.done $0x0  }
0xcc: {  	[sflag:s16] =	ssyncadd.s32 $0xFFFFC000  }
0xcd: {  	[hbm4b:s20+s4] =	stream.linear.scatter [tilespmem:s18], [sflag:$0x3], $0x4000, $0x38;
	[tilespmem:$0x1E800] =	vst v63  }
0xce: {  	_ =	swait.ge [sflag:s16], $0x4000  }
0xcf: {  	[sflag:s16] =	ssyncset.done $0x0  }
0xd0: {  	[sflag:s16] =	ssyncadd.s32 $0xFFFFC000  }
0xd1: {  	[tilespmem:s18], [sflag:$0x3] =	stream.linear.gather [spmem:s9], $0x4000, $0x38;
	[tilespmem:$0x1E800] =	vst v63  }
0xd2: {  	_ =	swait.ge [sflag:s16], $0x4000  }
0xd3: {  	[sflag:s16] =	ssyncset.done $0x0  }
0xd4: {  	[sflag:s16] =	ssyncadd.s32 $0xFFFFC000  }
0xd5: {  	[hbm4b:s21+s4] =	stream.linear.scatter [tilespmem:s18], [sflag:$0x3], $0x4000, $0x38;
	[tilespmem:$0x1E800] =	vst v63  }
0xd6: {  	_ =	swait.ge [sflag:s16], $0x4000  }
0xd7: {  	[sflag:s16] =	ssyncset.done $0x0  }
0xd8: {  	[sflag:s16] =	ssyncadd.s32 $0xFFFFC000  }
0xd9: {  	[tilespmem:s18], [sflag:$0x3] =	stream.linear.gather [spmem:s10], $0x4000, $0x38;
	[tilespmem:$0x1E800] =	vst v63  }
0xda: {  	_ =	swait.ge [sflag:s16], $0x4000  }
0xdb: {  	[sflag:s16] =	ssyncset.done $0x0  }
0xdc: {  	[sflag:s16] =	ssyncadd.s32 $0xFFFFC000  }
0xdd: {  	[hbm4b:s22+s4] =	stream.linear.scatter [tilespmem:s18], [sflag:$0x3], $0x4000, $0x38;
	[tilespmem:$0x1E800] =	vst v63  }
0xde: {  	_ =	swait.ge [sflag:s16], $0x4000  }
0xdf: {  	[sflag:s16] =	ssyncset.done $0x0  }
0xe0: {  	[sflag:s16] =	ssyncadd.s32 $0xFFFFC000  }
0xe1: {  	[tilespmem:s18], [sflag:$0x3] =	stream.linear.gather [spmem:s11], $0x4000, $0x38;
	[tilespmem:$0x1E800] =	vst v63  }
0xe2: {  	_ =	swait.ge [sflag:s16], $0x4000  }
0xe3: {  	[sflag:s16] =	ssyncset.done $0x0  }
0xe4: {  	[sflag:s16] =	ssyncadd.s32 $0xFFFFC000  }
0xe5: {  	[hbm4b:s23+s4] =	stream.linear.scatter [tilespmem:s18], [sflag:$0x3], $0x4000, $0x38;
	[tilespmem:$0x1E800] =	vst v63  }
0xe6: {  	_ =	swait.ge [sflag:s16], $0x4000  }
0xe7: {  	[sflag:s16] =	ssyncset.done $0x0  }
0xe8: {  	[sflag:s16] =	ssyncadd.s32 $0xFFFFC000  }
0xe9: {  	[tilespmem:s18], [sflag:$0x3] =	stream.linear.gather [spmem:s12], $0x4000, $0x38;
	[tilespmem:$0x1E800] =	vst v63  }
0xea: {  	s0 =	sadd.s32 $0x1, s0;
	_ =	swait.ge [sflag:s16], $0x4000  }
0xeb: {  	p0 =	sne.s32 s0, s15;
	[sflag:s16] =	ssyncset.done $0x0  }
.Ltmp2:
0xec: {  	[sflag:s16] =	ssyncadd.s32 $0xFFFFC000;
	(pc) =	sbr.rel @p0 .LBB2_1-.Ltmp2, $4  }
0xed: {  	[hbm4b:s24+s4] =	stream.linear.scatter [tilespmem:s18], [sflag:$0x3], $0x4000, $0x38;
	[tilespmem:$0x1E800] =	vst v63  }
0xee: {  	_ =	swait.ge [sflag:s16], $0x4000  }
0xef: {  	[sflag:s16] =	ssyncset.done $0x0  }
0xf0: {  	[sflag:s16] =	ssyncadd.s32 $0xFFFFC000  }
0xf1: {  	_ =	sfence.sel $0x180000  }
0xf2: {  	[bflag:$0x0] =	sbarrier.arrive $0xFFFF  }
0xf3: {  	_ =	strace $0x9000004A  }
0xf4: {  	s0 =	stileid.u32;
	[bflag:$0x2] =	sbarrier.arrive $0xFFFF  }
0xf5: {  	p0 =	sne.s32 s0, $0x0;
	s0 =	rddreg [dreg:$0x3]  }
0xf6: {  	s0 =	sadd.s32 @!p0 $0x100000, s0  }
0xf7: {  	[sflag:s0] =	ssyncadd.tile.s32 @!p0 $0x1;
	_ =	shalt  }
.Lfunc_end2:
_tile_overlayer_lowered:
.L_overlay_start_2:
0xf8: {  	(tag) =	ssettag $0x2  }
0xf9: {  	s0 =	rddreg [dreg:$0x0];
	s2 =	stileid.u32  }
0xfa: {  	s1 =	rddreg [dreg:$0x1];
	p0 =	sne.s32 s2, $0x0  }
0xfb: {  	s3 =	rddreg [dreg:$0x2];
	[bflag:$0x3] =	sbarrier.arrive $0xFFFF;
	s2 =	simm.s32 @!p0 $0x1C03  }
0xfc: {  	[timem:s3], [sflag:s2] =	dma.local @!p0 [hbm:s0], s1  }
0xfd: {  	s0 =	simm.s32 @!p0 $0x3  }
0xfe: {  	_ =	swait.ge @!p0 [sflag:s0], s1  }
0xff: {  	s1 =	ssub.s32 @!p0 $0x0, s1;
	[sflag:s0] =	ssyncset.done @!p0 $0x0  }
0x100: {  	[sflag:s0] =	ssyncadd.s32 @!p0 s1  }
0x101: {  	[bflag:$0x3] =	sbarrier.arrive $0xFFFF  }
0x102: {  	_ =	shalt  }

// kernel: kernel.14.cloned.1.call-start
scs
__scs_entry_jumppad:
0x0: {  	(pc) =	sbr.rel $0x88, $3  }
0x1: {  	(tag) =	ssettag $0x0;
	lr =	simm.s32 $0x1  }
0x2: {  	[smem:$0x3F99] =	sst lr;
	_ =	strace $0xD0000000  }
0x3: {  	_ = 	snop  }
0x4: {  	_ = 	snop  }
0x5: {  	_ = 	snop  }
0x6: {  	_ = 	snop  }
0x7: {  	_ = 	snop  }
__scs_overlays_trampoline_lowered:
0x8: {  	[smem:$0x3FA8] =	sst s0  }
0x9: {  	[smem:$0x3FA9] =	sst s1  }
0xa: {  	[smem:$0x3FAA] =	sst s2  }
0xb: {  	[smem:$0x3FAB] =	sst s3  }
0xc: {  	[smem:$0x3FAC] =	sst s4  }
0xd: {  	[smem:$0x3FAD] =	sst s5  }
0xe: {  	[smem:$0x3FAE] =	sst s6  }
0xf: {  	[smem:$0x3FAF] =	sst s7  }
0x10: {  	[smem:$0x3FB0] =	sst s8  }
0x11: {  	[smem:$0x3FB1] =	sst s9;
	s0 =	simm.s32 @!p0 $0x0  }
0x12: {  	s1 =	sld [smem:$0x3F97];
	s0 =	simm.s32 @p0 $0x1  }
0x13: {  	[smem:$0x3FB2] =	sst s0;
	s0 =	simm.s32 @!p1 $0x0  }
0x14: {  	s2 =	sld [smem:$0x3F96];
	s0 =	simm.s32 @p1 $0x1  }
0x15: {  	[smem:$0x3FB3] =	sst s0;
	s0 =	simm.s32 @!p2 $0x0  }
0x16: {  	s3 =	sld [smem:$0x3FDB];
	s0 =	simm.s32 @p2 $0x1  }
0x17: {  	s4 =	simm.s32 $0x1BF5;
	[smem:$0x3FB5] =	sst s0  }
0x18: {  	s0 =	sld [smem:$0x3F98];
	_ =	swait.ge [sflag:s4], $0x0  }
0x19: {  	s7 =	sld [smem:$0x3F99]  }
0x1a: {  	s8 =	sadd.s32 $0xFFFFE003, lr  }
0x1b: {  	s9 =	sadd.s32 $0xFFFFFEF7, lr;
	s5 =	simm.s32 $0xFFFFFFFF;
	p2 =	slt.u32 s8, $0xFFFFF086  }
0x1c: {  	p1 =	slt.u32 s9, $0xF7A;
	s5 =	simm.s32 @!p2 $0x0  }
0x1d: {  	s5 =	simm.s32 @p1 $0x1;
	p0 =	seq.s32 s7, s2  }
0x1e: {  	s7 =	smul.u32 @!p0 $0xF7A, s2;
	p2 =	seq.s32 @!p0 s5, $0x0  }
0x1f: {  	s9 =	smul.u32 $0xF7A, s1;
	s8 =	simm.s32 @!p0 $0x1BF5;
	p2 =	por !p2, p0  }
0x20: {  	[sflag:s8] =	ssyncset.s32 @!p0 $0xFFFFF086;
	s6 =	sadd.s32 @!p0 s3, s7;
	s7 =	simm.s32 @!p0 $0x108  }
0x21: {  	s3 =	sadd.s32 s3, s9;
	s6 =	sadd.s32 @!p0 $0x88, s6;
	s7 =	simm.s32 @p2 $0x1082  }
0x22: {  	[simem:s7], [sflag:s8] =	dma.local @!p0 [hbm:s6], $0xF7A  }
0x23: {  	s9 =	sor.u32 $0xD0000000, s2;
	s6 =	simm.s32 $0x108;
	_ =	swait.ge @!p0 [sflag:s8], $0x0  }
0x24: {  	s3 =	sadd.s32 $0x88, s3;
	s6 =	simm.s32 @!p1 $0x1082;
	[sflag:s4] =	ssyncset.s32 $0xFFFFF086  }
0x25: {  	[simem:s6], [sflag:s4] =	dma.local [hbm:s3], $0xF7A  }
0x26: {  	[smem:$0x3F99] =	sst s1;
	(tag) =	ssettag s2;
	_ =	strace s9  }
0x27: {  	s1 =	sld [smem:$0x3FA9]  }
0x28: {  	s2 =	sld [smem:$0x3FAA]  }
0x29: {  	s4 =	sld [smem:$0x3FAC]  }
0x2a: {  	p0 =	seq.s32 s5, $0x0;
	s5 =	sld [smem:$0x3FAD]  }
0x2b: {  	s6 =	sld [smem:$0x3FAE]  }
0x2c: {  	s7 =	sld [smem:$0x3FAF]  }
0x2d: {  	s3 =	simm.s32 $0x108;
	s8 =	sld [smem:$0x3FB0]  }
0x2e: {  	s3 =	simm.s32 @!p0 $0x1082;
	s9 =	sld [smem:$0x3FB1]  }
0x2f: {  	lr =	sadd.s32 s0, s3;
	s0 =	sld [smem:$0x3FA8]  }
0x30: {  	s3 =	sld [smem:$0x3FAB]  }
0x31: {  	[smem:$0x3FB4] =	sst s10  }
0x32: {  	s10 =	sld [smem:$0x3FB2];
	_ =	sdelay $0x3  }
0x33: {  	p0 =	seq.s32 s10, $0x1;
	s10 =	sld [smem:$0x3FB4];
	_ =	sdelay $0x3  }
0x34: {  	[smem:$0x3FB4] =	sst s10  }
0x35: {  	s10 =	sld [smem:$0x3FB3];
	_ =	sdelay $0x3  }
0x36: {  	p1 =	seq.s32 s10, $0x1;
	s10 =	sld [smem:$0x3FB4];
	_ =	sdelay $0x3  }
0x37: {  	[smem:$0x3FB4] =	sst s10  }
0x38: {  	s10 =	sld [smem:$0x3FB5]  }
0x39: {  	_ = 	snop;
	(pc) =	sbr.ind lr, $3  }
0x3a: {  	_ = 	snop  }
0x3b: {  	_ = 	snop  }
0x3c: {  	p2 =	seq.s32 s10, $0x1;
	s10 =	sld [smem:$0x3FB4]  }
0x3d: {  	_ =	shalt  }
0x3e: {  	_ =	shalt  }
0x3f: {  	_ =	shalt  }
0x40: {  	_ =	shalt  }
0x41: {  	_ =	shalt  }
0x42: {  	_ =	shalt  }
0x43: {  	_ =	shalt  }
0x44: {  	_ =	shalt  }
0x45: {  	_ =	shalt  }
0x46: {  	_ =	shalt  }
0x47: {  	_ =	shalt  }
0x48: {  	_ =	shalt  }
0x49: {  	_ =	shalt  }
0x4a: {  	_ =	shalt  }
0x4b: {  	_ =	shalt  }
0x4c: {  	_ =	shalt  }
0x4d: {  	_ =	shalt  }
0x4e: {  	_ =	shalt  }
0x4f: {  	_ =	shalt  }
0x50: {  	_ =	shalt  }
0x51: {  	_ =	shalt  }
0x52: {  	_ =	shalt  }
0x53: {  	_ =	shalt  }
0x54: {  	_ =	shalt  }
0x55: {  	_ =	shalt  }
0x56: {  	_ =	shalt  }
0x57: {  	_ =	shalt  }
0x58: {  	_ =	shalt  }
0x59: {  	_ =	shalt  }
0x5a: {  	_ =	shalt  }
0x5b: {  	_ =	shalt  }
0x5c: {  	_ =	shalt  }
0x5d: {  	_ =	shalt  }
0x5e: {  	_ =	shalt  }
0x5f: {  	_ =	shalt  }
0x60: {  	_ =	shalt  }
0x61: {  	_ =	shalt  }
0x62: {  	_ =	shalt  }
0x63: {  	_ =	shalt  }
0x64: {  	_ =	shalt  }
0x65: {  	_ =	shalt  }
0x66: {  	_ =	shalt  }
0x67: {  	_ =	shalt  }
0x68: {  	_ =	shalt  }
0x69: {  	_ =	shalt  }
0x6a: {  	_ =	shalt  }
0x6b: {  	_ =	shalt  }
0x6c: {  	_ =	shalt  }
0x6d: {  	_ =	shalt  }
0x6e: {  	_ =	shalt  }
0x6f: {  	_ =	shalt  }
0x70: {  	_ =	shalt  }
0x71: {  	_ =	shalt  }
0x72: {  	_ =	shalt  }
0x73: {  	_ =	shalt  }
0x74: {  	_ =	shalt  }
0x75: {  	_ =	shalt  }
0x76: {  	_ =	shalt  }
0x77: {  	_ =	shalt  }
0x78: {  	_ =	shalt  }
0x79: {  	_ =	shalt  }
0x7a: {  	_ =	shalt  }
0x7b: {  	_ =	shalt  }
0x7c: {  	_ =	shalt  }
0x7d: {  	_ =	shalt  }
0x7e: {  	_ =	shalt  }
0x7f: {  	_ =	shalt  }
0x80: {  	_ =	shalt  }
0x81: {  	_ =	shalt  }
0x82: {  	_ =	shalt  }
0x83: {  	_ =	shalt  }
0x84: {  	_ =	shalt  }
0x85: {  	_ =	shalt  }
0x86: {  	_ =	shalt  }
0x87: {  	_ =	shalt  }
.Lfunc_end0:
.L_simem_size_0:
called_computation.2_lowered:
.L_overlay_start_0:
0x88: {  	s2 =	sld [smem:$0x3FD9]  }
0x89: {  	s3 =	sld [smem:$0x3FFE];
	_ =	sdelay $0x1  }
0x8a: {  	s1 =	srdreg.scid  }
0x8b: {  	s0 =	sand.u32 $0x1, s1  }
0x8c: {  	s17 =	sshll.u32 s0, $0xA;
	s2 =	sadd.s32 s3, s2  }
0x8d: {  	s2 =	sadd.s32 s2, s17  }
0x8e: {  	[smem:$0x3FC0] =	sst s2  }
0x8f: {  	_ = 	snop  }
0x90: {  	s2 =	sld [smem:$0x3FD0];
	(tm) =	ssettm $0x1  }
0x91: {  	s18 =	sld [smem:$0x3FFB];
	_ =	sdelay $0x3  }
0x92: {  	_ =	strace s18  }
0x93: {  	s3 =	sld [smem:$0x3FFC];
	_ =	sdelay $0x3  }
0x94: {  	_ =	strace s3  }
0x95: {  	s3 =	sld [smem:$0x3FFD];
	_ =	sdelay $0x3  }
0x96: {  	_ =	strace s3  }
0x97: {  	_ =	strace $0x8FFFFFFF  }
0x98: {  	s19 =	sld [smem:$0x3FDB];
	_ =	sdelay $0x1  }
0x99: {  	s4 =	simm.s32 $_scs_section_size  }
0x9a: {  	s5 =	simm.s32 $_size__tile_overlayer_lowered;
	s6 =	simm.s32 $_tile_overlayer_lowered  }
0x9b: {  	s22 =	simm.s32 $0x1BFF;
	s21 =	sshll.u32 s6, $0x1;
	s3 =	sadd.s32 s4, s19  }
0x9c: {  	s7 =	simm.s32 $0x0;
	s20 =	sshll.u32 s5, $0x1;
	s5 =	sadd.s32 s21, s3  }
0x9d: {  	[timem:s7], [sflag:s22] =	dma.local [hbm:s5], s20  }
0x9e: {  	_ =	swait.ge [sflag:s22], s20  }
0x9f: {  	s4 =	ssub.s32 $0x0, s20;
	[sflag:s22] =	ssyncset.done $0x0  }
0xa0: {  	[sflag:s22] =	ssyncadd.s32 s4;
	_ =	sdelay $0x1  }
0xa1: {  	s23 =	simm.s32 $0x1B8B  }
0xa2: {  	_ =	swait.ge [sflag:s23], $0x1  }
0xa3: {  	[sflag:s23] =	ssyncset.done $0x0  }
0xa4: {  	s25 =	simm.s32 $0x1B8E;
	s24 =	sld [smem:$0x3FFE];
	[sflag:s23] =	ssyncadd.s32 $0xFFFFFFFF  }
0xa5: {  	s26 =	simm.s32 $execute0_lowered;
	[smem:$0x3FD2] =	sst s25  }
0xa6: {  	s5 =	sshll.u32 s26, $0x1;
	_ =	strace $0x8000004C;
	[dreg:$0x1] =	wrdreg $0xFFFFFFFF  }
0xa7: {  	s28 =	simm.s32 $_size_execute0_lowered;
	s3 =	sadd.s32 s3, s5;
	[dreg:$0x0] =	wrdreg $0x0  }
0xa8: {  	s5 =	sshll.u32 s28, $0x1;
	[dreg:$0x2] =	wrdreg s3  }
0xa9: {  	[dreg:$0x3] =	wrdreg s5  }
0xaa: {  	[dreg:$0x4] =	wrdreg $0xC0  }
0xab: {  	_ =	task [dreg:s7], $0x5FFFF  }
0xac: {  	[dreg:$0x1] =	wrdreg $0xFFFFFFFF  }
0xad: {  	[dreg:$0x0] =	wrdreg $0x60  }
0xae: {  	[dreg:$0x2] =	wrdreg s24  }
0xaf: {  	[dreg:$0x3] =	wrdreg s2  }
0xb0: {  	[dreg:$0x4] =	wrdreg $0xA8000  }
0xb1: {  	[dreg:$0x5] =	wrdreg $0x9  }
0xb2: {  	_ =	task.clear_ibuf [dreg:s7], $0x6FFFF;
	_ =	strace $0x9000004C  }
0xb3: {  	s29 =	simm.s32 $0x9;
	_ =	strace $0x8000004E  }
0xb4: {  	_ =	swait.ge [sflag:s29], $0x1  }
0xb5: {  	[sflag:s29] =	ssyncadd.s32 $0xFFFFFFFF  }
0xb6: {  	_ =	strace $0x9000004E  }
0xb7: {  	_ =	sfence  }
0xb8: {  	s30 =	sld [smem:$0x0];
	_ =	sdelay $0x2  }
0xb9: {  	s31 =	sshll.u32 s1, $0xD;
	s1 =	sshrl.u32 s1, $0x2  }
0xba: {  	s3 =	sand.u32 $0x4000, s31;
	s1 =	sadd.s32 s1, s30  }
0xbb: {  	s0 =	sor.u32 s3, s0;
	s1 =	sshll.u32 s1, $0x11  }
0xbc: {  	s0 =	sor.u32 s1, s0  }
0xbd: {  	s0 =	sadd.s32 $0x8F2B, s0  }
0xbe: {  	[sflag:s0] =	ssyncadd.remote.s32 $0x1  }
0xbf: {  	_ =	sfence.sel $0xFFFF  }
0xc0: {  	[dreg:$0x0] =	wrdreg $0xFFFFFFFF;
	(pc) =	sbr.abs _section_cstart, $3  }
0xc1: {  	[dreg:$0x1] =	wrdreg $0xFFFFFFFF  }
0xc2: {  	_ =	task.clear_ibuf [dreg:s7], $0x2FFFF;
	_ =	strace $0x9FFFFFFF  }
0xc3: {  	(tm) =	ssettm $0x7FFFFFFF  }
tec
execute0_lowered:
.L_overlay_start_1:
0x0: {  	(tag) =	ssettag $0x1  }
0x1: {  	s0 =	rddreg [dreg:$0x0]  }
0x2: {  	s3 =	rddreg [dreg:$0x2]  }
0x3: {  	s4 =	simm.s32 $0x0;
	s1 =	srdreg.scid;
	s19 =	stileid.u32  }
0x4: {  	s28 =	simm.s32 $0x2;
	s29 =	simm.s32 $0x1380;
	s30 =	simm.s32 $0x2700  }
0x5: {  	s31 =	simm.s32 $0x2780;
	[smem:$0x7FF] =	sst s4;
	s1 =	sand.u32 $0x1, s1  }
0x6: {  	s2 =	sshll.u32 s19, $0x1;
	s5 =	sadd.s32 $0x16200, s0;
	s11 =	smul.u32 $0x280, s19  }
0x7: {  	s13 =	sadd.s32 $0x2200, s0;
	s14 =	sadd.s32 $0xC200, s0;
	s8 =	smul.u32 $0x50000, s19  }
0x8: {  	s26 =	smul.u32 $0x2800, s19;
	s19 =	simm.s32 $0x80;
	_ =	strace $0x8000004D  }
0x9: {  	s6 =	smul.u32 $0x28000, s1;
	s2 =	sor.u32 s1, s2;
	s1 =	ssub.s32 $0x2, s1  }
0xa: {  	s7 =	smul.u32 $0x500, s2;
	s21 =	sshrl.u32 s1, $0x1;
	s8 =	sshrl.u32 s8, $0x2  }
0xb: {  	s15 =	sadd.s32 $0x80, s11;
	s16 =	sadd.s32 $0x100, s11;
	s2 =	smul.u32 $0x2800, s2  }
0xc: {  	s17 =	sadd.s32 $0x180, s11;
	s18 =	sadd.s32 $0x200, s11;
	s0 =	sadd.s32 s6, s0  }
0xd: {  	s1 =	ssub.s32 s1, s21;
	s9 =	sshll.u32 s15, $0x7;
	s10 =	sshll.u32 s16, $0x7  }
0xe: {  	s8 =	sadd.s32 s8, s3;
	s24 =	sshll.u32 s17, $0x7;
	s12 =	sshll.u32 s18, $0x7  }
0xf: {  	s21 =	sshll.u32 s15, $0x4;
	s22 =	sadd.s32 s13, s7;
	s23 =	sadd.s32 s14, s7  }
0x10: {  	s9 =	sadd.s32 s9, s3;
	s10 =	sadd.s32 s10, s3;
	s2 =	sshrl.u32 s2, $0x3  }
0x11: {  	s11 =	sadd.s32 s24, s3;
	s12 =	sadd.s32 s12, s3;
	s0 =	sadd.s32 $0x3D400, s0  }
0x12: {  	s24 =	sshll.u32 s18, $0x4;
	s15 =	smax.u32 s1, $0x1;
	[dreg:$0x4] =	wrdreg s22  }
0x13: {  	s18 =	simm.s32 $0x2800;
	[dreg:$0x5] =	wrdreg s23;
	s2 =	sadd.s32 $0x280, s2  }
0x14: {  	s22 =	sshll.u32 s16, $0x4;
	s23 =	sshll.u32 s17, $0x4;
	s16 =	simm.s32 $0x3  }
0x15: {  	s17 =	simm.s32 $0x1400;
	s20 =	sadd.s32 s26, s0;
	s21 =	sadd.s32 s21, s0  }
0x16: {  	s24 =	sadd.s32 s24, s0;
	s26 =	simm.s32 $0x1;
	s25 =	sadd.s32 s13, s2  }
0x17: {  	s14 =	sadd.s32 s14, s2;
	s22 =	sadd.s32 s22, s0;
	s23 =	sadd.s32 s23, s0  }
0x18: {  	s0 =	simm.s32 $0x0;
	[dreg:$0x6] =	wrdreg s25;
	s25 =	simm.s32 $0x6800  }
.LBB2_1:
0x19: {  	s1 =	rddreg [dreg:$0x4]  }
0x1a: {  	[tilespmem:s4], [sflag:$0x3] =	stream.linear.gather [hbm4b:s1+s4], $0x1400, $0x38;
	[tilespmem:$0x1E800] =	vst v63  }
0x1b: {  	_ =	swait.ge [sflag:s16], $0x1400  }
0x1c: {  	[sflag:s16] =	ssyncset.done $0x0  }
0x1d: {  	s7 =	rddreg [dreg:$0x5];
	[sflag:s16] =	ssyncadd.s32 $0xFFFFEC00  }
0x1e: {  	[tilespmem:s17], [sflag:$0x3] =	stream.linear.gather [hbm4b:s7+s4], $0x1400, $0x38;
	[tilespmem:$0x1E800] =	vst v63  }
0x1f: {  	_ =	swait.ge [sflag:s16], $0x1400  }
0x20: {  	[sflag:s16] =	ssyncset.done $0x0  }
0x21: {  	[sflag:s16] =	ssyncadd.s32 $0xFFFFEC00  }
0x22: {  	s13 =	rddreg [dreg:$0x1]  }
0x23: {  	[tilespmem:s18], [sflag:$0x3] =	stream.linear.gather [hbm4b:s13+s4], $0x4000, $0x38;
	[tilespmem:$0x1E800] =	vst v63  }
0x24: {  	_ =	swait.ge [sflag:s16], $0x4000  }
0x25: {  	[sflag:s16] =	ssyncset.done $0x0  }
0x26: {  	[sflag:s16] =	ssyncadd.s32 $0xFFFFC000  }
0x27: {  	[spmem:s8] =	stream.linear.scatter [tilespmem:s18], [sflag:$0x3], $0x4000, $0x38;
	[tilespmem:$0x1E800] =	vst v63  }
0x28: {  	_ =	swait.ge [sflag:s16], $0x4000  }
0x29: {  	[sflag:s16] =	ssyncset.done $0x0  }
0x2a: {  	[sflag:s16] =	ssyncadd.s32 $0xFFFFC000  }
0x2b: {  	[spmem:s9] =	stream.linear.scatter [tilespmem:s18], [sflag:$0x3], $0x4000, $0x38;
	[tilespmem:$0x1E800] =	vst v63  }
0x2c: {  	_ =	swait.ge [sflag:s16], $0x4000  }
0x2d: {  	[sflag:s16] =	ssyncset.done $0x0  }
0x2e: {  	[sflag:s16] =	ssyncadd.s32 $0xFFFFC000  }
0x2f: {  	[spmem:s10] =	stream.linear.scatter [tilespmem:s18], [sflag:$0x3], $0x4000, $0x38;
	[tilespmem:$0x1E800] =	vst v63  }
0x30: {  	_ =	swait.ge [sflag:s16], $0x4000  }
0x31: {  	[sflag:s16] =	ssyncset.done $0x0  }
0x32: {  	[sflag:s16] =	ssyncadd.s32 $0xFFFFC000  }
0x33: {  	[spmem:s11] =	stream.linear.scatter [tilespmem:s18], [sflag:$0x3], $0x4000, $0x38;
	[tilespmem:$0x1E800] =	vst v63  }
0x34: {  	_ =	swait.ge [sflag:s16], $0x4000  }
0x35: {  	[sflag:s16] =	ssyncset.done $0x0  }
0x36: {  	[sflag:s16] =	ssyncadd.s32 $0xFFFFC000  }
0x37: {  	[spmem:s12] =	stream.linear.scatter [tilespmem:s18], [sflag:$0x3], $0x4000, $0x38;
	[tilespmem:$0x1E800] =	vst v63  }
0x38: {  	_ =	swait.ge [sflag:s16], $0x4000  }
0x39: {  	[sflag:s16] =	ssyncset.done $0x0  }
0x3a: {  	[sflag:s16] =	ssyncadd.s32 $0xFFFFC000  }
0x3b: {  	[bflag:$0x0] =	sbarrier.arrive $0xFFFF  }
0x3c: {  	[tilespmem:s18], [sflag:$0x1] =	stream.indirect.gather [hbm4b:s5+s19], $0x80, s4, s19, $0xb8;
	[tilespmem:$0x1E800] =	vst v63  }
0x3d: {  	s2 =	simm.s32 $0x80  }
0x3e: {  	[tilespmem:s25], [sflag:$0x2] =	stream.indirect.gather [hbm4b:s5+s19], $0x80, s2, s19, $0xb8;
	[tilespmem:$0x1E800] =	vst v63  }
0x3f: {  	_ =	swait.ge [sflag:s26], $0x4000  }
0x40: {  	[sflag:s26] =	ssyncset.done $0x0  }
0x41: {  	s6 =	simm.s32 $0x1400;
	[sflag:s26] =	ssyncadd.s32 $0xFFFFC000  }
0x42: {  	[spmem:s3] =	stream.indirect.scatter.add.f32 [tilespmem:s18], [sflag:$0x3], $0x80, s6, s19, $0xb8;
	[tilespmem:$0x1E800] =	vst v63  }
0x43: {  	_ =	swait.ge [sflag:s16], $0x4000  }
0x44: {  	[sflag:s16] =	ssyncset.done $0x0  }
0x45: {  	s7 =	simm.s32 $0x100;
	[sflag:s16] =	ssyncadd.s32 $0xFFFFC000  }
0x46: {  	[tilespmem:s18], [sflag:$0x1] =	stream.indirect.gather [hbm4b:s5+s19], $0x80, s7, s19, $0xb8;
	[tilespmem:$0x1E800] =	vst v63  }
0x47: {  	_ =	swait.ge [sflag:s28], $0x4000  }
0x48: {  	[sflag:s28] =	ssyncset.done $0x0  }
0x49: {  	s13 =	simm.s32 $0x1480;
	[sflag:s28] =	ssyncadd.s32 $0xFFFFC000  }
0x4a: {  	[spmem:s3] =	stream.indirect.scatter.add.f32 [tilespmem:s25], [sflag:$0x3], $0x80, s13, s19, $0xb8;
	[tilespmem:$0x1E800] =	vst v63  }
0x4b: {  	_ =	swait.ge [sflag:s16], $0x4000  }
0x4c: {  	s1 =	simm.s32 $0x800;
	s2 =	simm.s32 $0x100;
	[sflag:s16] =	ssyncset.done $0x0  }
.LBB2_2:
0x4d: {  	s6 =	sadd.s32 $0x80, s2  }
0x4e: {  	[sflag:s16] =	ssyncadd.s32 $0xFFFFC000;
	s7 =	smov.u32 s1;
	s13 =	sadd.s32 $0x400, s1  }
0x4f: {  	[tilespmem:s25], [sflag:$0x2] =	stream.indirect.gather [hbm4b:s5+s19], $0x80, s6, s19, $0xb8;
	[tilespmem:$0x1E800] =	vst v63  }
0x50: {  	p0 =	sne.s32 s1, $0x4800;
	_ =	swait.ge [sflag:s26], $0x4000  }
0x51: {  	[sflag:s26] =	ssyncset.done $0x0  }
0x52: {  	s1 =	sadd.s32 $0x1400, s2;
	[sflag:s26] =	ssyncadd.s32 $0xFFFFC000  }
0x53: {  	[spmem:s3] =	stream.indirect.scatter.add.f32 [tilespmem:s18], [sflag:$0x3], $0x80, s1, s19, $0xb8;
	[tilespmem:$0x1E800] =	vst v63  }
0x54: {  	_ =	swait.ge [sflag:s16], $0x4000  }
0x55: {  	[sflag:s16] =	ssyncset.done $0x0  }
0x56: {  	s1 =	sadd.s32 $0x100, s2;
	[sflag:s16] =	ssyncadd.s32 $0xFFFFC000  }
0x57: {  	[tilespmem:s18], [sflag:$0x1] =	stream.indirect.gather [hbm4b:s5+s19], $0x80, s1, s19, $0xb8;
	[tilespmem:$0x1E800] =	vst v63  }
0x58: {  	_ =	swait.ge [sflag:s28], $0x4000  }
.Ltmp0:
0x59: {  	[sflag:s28] =	ssyncset.done $0x0;
	(pc) =	sbr.rel @p0 .LBB2_2-.Ltmp0, $4  }
0x5a: {  	s1 =	sadd.s32 $0x1480, s2;
	[sflag:s28] =	ssyncadd.s32 $0xFFFFC000  }
0x5b: {  	[spmem:s3] =	stream.indirect.scatter.add.f32 [tilespmem:s25], [sflag:$0x3], $0x80, s1, s19, $0xb8;
	[tilespmem:$0x1E800] =	vst v63  }
0x5c: {  	_ =	swait.ge [sflag:s16], $0x4000  }
0x5d: {  	s2 =	sshra.s32 s7, $0x2;
	s1 =	smov.u32 s13;
	[sflag:s16] =	ssyncset.done $0x0  }
0x5e: {  	s1 =	sadd.s32 $0x80, s2;
	[sflag:s16] =	ssyncadd.s32 $0xFFFFC000  }
0x5f: {  	[tilespmem:s25], [sflag:$0x2] =	stream.indirect.gather [hbm4b:s5+s19], $0x80, s1, s19, $0xb8;
	[tilespmem:$0x1E800] =	vst v63  }
0x60: {  	_ =	swait.ge [sflag:s26], $0x4000  }
0x61: {  	[sflag:s26] =	ssyncset.done $0x0  }
0x62: {  	s7 =	sadd.s32 $0x1400, s2;
	[sflag:s26] =	ssyncadd.s32 $0xFFFFC000  }
0x63: {  	[spmem:s3] =	stream.indirect.scatter.add.f32 [tilespmem:s18], [sflag:$0x3], $0x80, s7, s19, $0xb8;
	[tilespmem:$0x1E800] =	vst v63  }
0x64: {  	_ =	swait.ge [sflag:s16], $0x4000  }
0x65: {  	[sflag:s16] =	ssyncset.done $0x0  }
0x66: {  	s13 =	sadd.s32 $0x100, s2;
	[sflag:s16] =	ssyncadd.s32 $0xFFFFC000  }
0x67: {  	[tilespmem:s18], [sflag:$0x1] =	stream.indirect.gather [hbm4b:s5+s19], $0x80, s13, s19, $0xb8;
	[tilespmem:$0x1E800] =	vst v63  }
0x68: {  	_ =	swait.ge [sflag:s28], $0x4000  }
0x69: {  	[sflag:s28] =	ssyncset.done $0x0  }
0x6a: {  	s6 =	sadd.s32 $0x1480, s2;
	[sflag:s28] =	ssyncadd.s32 $0xFFFFC000  }
0x6b: {  	[spmem:s3] =	stream.indirect.scatter.add.f32 [tilespmem:s25], [sflag:$0x3], $0x80, s6, s19, $0xb8;
	[tilespmem:$0x1E800] =	vst v63  }
0x6c: {  	_ =	swait.ge [sflag:s16], $0x4000  }
0x6d: {  	[sflag:s16] =	ssyncset.done $0x0  }
0x6e: {  	[sflag:s16] =	ssyncadd.s32 $0xFFFFC000  }
0x6f: {  	[tilespmem:s25], [sflag:$0x2] =	stream.indirect.gather [hbm4b:s5+s19], $0x80, s29, s19, $0xb8;
	[tilespmem:$0x1E800] =	vst v63  }
0x70: {  	_ =	swait.ge [sflag:s26], $0x4000  }
0x71: {  	[sflag:s26] =	ssyncset.done $0x0  }
0x72: {  	[sflag:s26] =	ssyncadd.s32 $0xFFFFC000  }
0x73: {  	[spmem:s3] =	stream.indirect.scatter.add.f32 [tilespmem:s18], [sflag:$0x3], $0x80, s30, s19, $0xb8;
	[tilespmem:$0x1E800] =	vst v63  }
0x74: {  	_ =	swait.ge [sflag:s16], $0x4000  }
0x75: {  	[sflag:s16] =	ssyncset.done $0x0  }
0x76: {  	[sflag:s16] =	ssyncadd.s32 $0xFFFFC000  }
0x77: {  	_ =	swait.ge [sflag:s28], $0x4000  }
0x78: {  	[sflag:s28] =	ssyncset.done $0x0  }
0x79: {  	[sflag:s28] =	ssyncadd.s32 $0xFFFFC000  }
0x7a: {  	[spmem:s3] =	stream.indirect.scatter.add.f32 [tilespmem:s25], [sflag:$0x3], $0x80, s31, s19, $0xb8;
	[tilespmem:$0x1E800] =	vst v63  }
0x7b: {  	_ =	swait.ge [sflag:s16], $0x4000  }
0x7c: {  	[sflag:s16] =	ssyncset.done $0x0  }
0x7d: {  	s7 =	simm.s32 $0x0;
	s13 =	rddreg [dreg:$0x6];
	[sflag:s16] =	ssyncadd.s32 $0xFFFFC000  }
0x7e: {  	[tilespmem:s7], [sflag:$0x3] =	stream.linear.gather [hbm4b:s13+s7], $0x1400, $0x38;
	[tilespmem:$0x1E800] =	vst v63  }
0x7f: {  	_ =	swait.ge [sflag:s16], $0x1400  }
0x80: {  	[sflag:s16] =	ssyncset.done $0x0  }
0x81: {  	[sflag:s16] =	ssyncadd.s32 $0xFFFFEC00  }
0x82: {  	[tilespmem:s17], [sflag:$0x3] =	stream.linear.gather [hbm4b:s14+s7], $0x1400, $0x38;
	[tilespmem:$0x1E800] =	vst v63  }
0x83: {  	_ =	swait.ge [sflag:s16], $0x1400  }
0x84: {  	[sflag:s16] =	ssyncset.done $0x0  }
0x85: {  	[sflag:s16] =	ssyncadd.s32 $0xFFFFEC00  }
0x86: {  	[tilespmem:s18], [sflag:$0x1] =	stream.indirect.gather [hbm4b:s5+s19], $0x80, s7, s19, $0xb8;
	[tilespmem:$0x1E800] =	vst v63  }
0x87: {  	s2 =	simm.s32 $0x80  }
0x88: {  	[tilespmem:s25], [sflag:$0x2] =	stream.indirect.gather [hbm4b:s5+s19], $0x80, s2, s19, $0xb8;
	[tilespmem:$0x1E800] =	vst v63  }
0x89: {  	_ =	swait.ge [sflag:s26], $0x4000  }
0x8a: {  	[sflag:s26] =	ssyncset.done $0x0  }
0x8b: {  	s6 =	simm.s32 $0x1400;
	[sflag:s26] =	ssyncadd.s32 $0xFFFFC000  }
0x8c: {  	[spmem:s3] =	stream.indirect.scatter.add.f32 [tilespmem:s18], [sflag:$0x3], $0x80, s6, s19, $0xb8;
	[tilespmem:$0x1E800] =	vst v63  }
0x8d: {  	_ =	swait.ge [sflag:s16], $0x4000  }
0x8e: {  	[sflag:s16] =	ssyncset.done $0x0  }
0x8f: {  	s7 =	simm.s32 $0x100;
	[sflag:s16] =	ssyncadd.s32 $0xFFFFC000  }
0x90: {  	[tilespmem:s18], [sflag:$0x1] =	stream.indirect.gather [hbm4b:s5+s19], $0x80, s7, s19, $0xb8;
	[tilespmem:$0x1E800] =	vst v63  }
0x91: {  	_ =	swait.ge [sflag:s28], $0x4000  }
0x92: {  	[sflag:s28] =	ssyncset.done $0x0  }
0x93: {  	s13 =	simm.s32 $0x1480;
	[sflag:s28] =	ssyncadd.s32 $0xFFFFC000  }
0x94: {  	[spmem:s3] =	stream.indirect.scatter.add.f32 [tilespmem:s25], [sflag:$0x3], $0x80, s13, s19, $0xb8;
	[tilespmem:$0x1E800] =	vst v63  }
0x95: {  	_ =	swait.ge [sflag:s16], $0x4000  }
0x96: {  	s1 =	simm.s32 $0x800;
	s2 =	simm.s32 $0x100;
	[sflag:s16] =	ssyncset.done $0x0  }
.LBB2_4:
0x97: {  	s6 =	sadd.s32 $0x80, s2  }
0x98: {  	[sflag:s16] =	ssyncadd.s32 $0xFFFFC000;
	s7 =	smov.u32 s1;
	s13 =	sadd.s32 $0x400, s1  }
0x99: {  	[tilespmem:s25], [sflag:$0x2] =	stream.indirect.gather [hbm4b:s5+s19], $0x80, s6, s19, $0xb8;
	[tilespmem:$0x1E800] =	vst v63  }
0x9a: {  	p0 =	sne.s32 s1, $0x4800;
	_ =	swait.ge [sflag:s26], $0x4000  }
0x9b: {  	[sflag:s26] =	ssyncset.done $0x0  }
0x9c: {  	s1 =	sadd.s32 $0x1400, s2;
	[sflag:s26] =	ssyncadd.s32 $0xFFFFC000  }
0x9d: {  	[spmem:s3] =	stream.indirect.scatter.add.f32 [tilespmem:s18], [sflag:$0x3], $0x80, s1, s19, $0xb8;
	[tilespmem:$0x1E800] =	vst v63  }
0x9e: {  	_ =	swait.ge [sflag:s16], $0x4000  }
0x9f: {  	[sflag:s16] =	ssyncset.done $0x0  }
0xa0: {  	s1 =	sadd.s32 $0x100, s2;
	[sflag:s16] =	ssyncadd.s32 $0xFFFFC000  }
0xa1: {  	[tilespmem:s18], [sflag:$0x1] =	stream.indirect.gather [hbm4b:s5+s19], $0x80, s1, s19, $0xb8;
	[tilespmem:$0x1E800] =	vst v63  }
0xa2: {  	_ =	swait.ge [sflag:s28], $0x4000  }
.Ltmp1:
0xa3: {  	[sflag:s28] =	ssyncset.done $0x0;
	(pc) =	sbr.rel @p0 .LBB2_4-.Ltmp1, $4  }
0xa4: {  	s1 =	sadd.s32 $0x1480, s2;
	[sflag:s28] =	ssyncadd.s32 $0xFFFFC000  }
0xa5: {  	[spmem:s3] =	stream.indirect.scatter.add.f32 [tilespmem:s25], [sflag:$0x3], $0x80, s1, s19, $0xb8;
	[tilespmem:$0x1E800] =	vst v63  }
0xa6: {  	_ =	swait.ge [sflag:s16], $0x4000  }
0xa7: {  	s2 =	sshra.s32 s7, $0x2;
	s1 =	smov.u32 s13;
	[sflag:s16] =	ssyncset.done $0x0  }
0xa8: {  	s1 =	sadd.s32 $0x80, s2;
	[sflag:s16] =	ssyncadd.s32 $0xFFFFC000  }
0xa9: {  	[tilespmem:s25], [sflag:$0x2] =	stream.indirect.gather [hbm4b:s5+s19], $0x80, s1, s19, $0xb8;
	[tilespmem:$0x1E800] =	vst v63  }
0xaa: {  	_ =	swait.ge [sflag:s26], $0x4000  }
0xab: {  	[sflag:s26] =	ssyncset.done $0x0  }
0xac: {  	s6 =	sadd.s32 $0x1400, s2;
	[sflag:s26] =	ssyncadd.s32 $0xFFFFC000  }
0xad: {  	[spmem:s3] =	stream.indirect.scatter.add.f32 [tilespmem:s18], [sflag:$0x3], $0x80, s6, s19, $0xb8;
	[tilespmem:$0x1E800] =	vst v63  }
0xae: {  	_ =	swait.ge [sflag:s16], $0x4000  }
0xaf: {  	[sflag:s16] =	ssyncset.done $0x0  }
0xb0: {  	s7 =	sadd.s32 $0x100, s2;
	[sflag:s16] =	ssyncadd.s32 $0xFFFFC000  }
0xb1: {  	[tilespmem:s18], [sflag:$0x1] =	stream.indirect.gather [hbm4b:s5+s19], $0x80, s7, s19, $0xb8;
	[tilespmem:$0x1E800] =	vst v63  }
0xb2: {  	_ =	swait.ge [sflag:s28], $0x4000  }
0xb3: {  	[sflag:s28] =	ssyncset.done $0x0  }
0xb4: {  	s13 =	sadd.s32 $0x1480, s2;
	[sflag:s28] =	ssyncadd.s32 $0xFFFFC000  }
0xb5: {  	[spmem:s3] =	stream.indirect.scatter.add.f32 [tilespmem:s25], [sflag:$0x3], $0x80, s13, s19, $0xb8;
	[tilespmem:$0x1E800] =	vst v63  }
0xb6: {  	_ =	swait.ge [sflag:s16], $0x4000  }
0xb7: {  	[sflag:s16] =	ssyncset.done $0x0  }
0xb8: {  	[sflag:s16] =	ssyncadd.s32 $0xFFFFC000  }
0xb9: {  	[tilespmem:s25], [sflag:$0x2] =	stream.indirect.gather [hbm4b:s5+s19], $0x80, s29, s19, $0xb8;
	[tilespmem:$0x1E800] =	vst v63  }
0xba: {  	_ =	swait.ge [sflag:s26], $0x4000  }
0xbb: {  	[sflag:s26] =	ssyncset.done $0x0  }
0xbc: {  	[sflag:s26] =	ssyncadd.s32 $0xFFFFC000  }
0xbd: {  	[spmem:s3] =	stream.indirect.scatter.add.f32 [tilespmem:s18], [sflag:$0x3], $0x80, s30, s19, $0xb8;
	[tilespmem:$0x1E800] =	vst v63  }
0xbe: {  	_ =	swait.ge [sflag:s16], $0x4000  }
0xbf: {  	[sflag:s16] =	ssyncset.done $0x0  }
0xc0: {  	[sflag:s16] =	ssyncadd.s32 $0xFFFFC000  }
0xc1: {  	_ =	swait.ge [sflag:s28], $0x4000  }
0xc2: {  	[sflag:s28] =	ssyncset.done $0x0  }
0xc3: {  	[sflag:s28] =	ssyncadd.s32 $0xFFFFC000  }
0xc4: {  	[spmem:s3] =	stream.indirect.scatter.add.f32 [tilespmem:s25], [sflag:$0x3], $0x80, s31, s19, $0xb8;
	[tilespmem:$0x1E800] =	vst v63  }
0xc5: {  	_ =	swait.ge [sflag:s16], $0x4000  }
0xc6: {  	[sflag:s16] =	ssyncset.done $0x0  }
0xc7: {  	[sflag:s16] =	ssyncadd.s32 $0xFFFFC000  }
0xc8: {  	[bflag:$0x0] =	sbarrier.arrive $0xFFFF  }
0xc9: {  	[tilespmem:s18], [sflag:$0x3] =	stream.linear.gather [spmem:s8], $0x4000, $0x38;
	[tilespmem:$0x1E800] =	vst v63  }
0xca: {  	_ =	swait.ge [sflag:s16], $0x4000  }
0xcb: {  	[sflag:s16] =	ssyncset.done $0x0  }
0xcc: {  	[sflag:s16] =	ssyncadd.s32 $0xFFFFC000  }
0xcd: {  	[hbm4b:s20+s4] =	stream.linear.scatter [tilespmem:s18], [sflag:$0x3], $0x4000, $0x38;
	[tilespmem:$0x1E800] =	vst v63  }
0xce: {  	_ =	swait.ge [sflag:s16], $0x4000  }
0xcf: {  	[sflag:s16] =	ssyncset.done $0x0  }
0xd0: {  	[sflag:s16] =	ssyncadd.s32 $0xFFFFC000  }
0xd1: {  	[tilespmem:s18], [sflag:$0x3] =	stream.linear.gather [spmem:s9], $0x4000, $0x38;
	[tilespmem:$0x1E800] =	vst v63  }
0xd2: {  	_ =	swait.ge [sflag:s16], $0x4000  }
0xd3: {  	[sflag:s16] =	ssyncset.done $0x0  }
0xd4: {  	[sflag:s16] =	ssyncadd.s32 $0xFFFFC000  }
0xd5: {  	[hbm4b:s21+s4] =	stream.linear.scatter [tilespmem:s18], [sflag:$0x3], $0x4000, $0x38;
	[tilespmem:$0x1E800] =	vst v63  }
0xd6: {  	_ =	swait.ge [sflag:s16], $0x4000  }
0xd7: {  	[sflag:s16] =	ssyncset.done $0x0  }
0xd8: {  	[sflag:s16] =	ssyncadd.s32 $0xFFFFC000  }
0xd9: {  	[tilespmem:s18], [sflag:$0x3] =	stream.linear.gather [spmem:s10], $0x4000, $0x38;
	[tilespmem:$0x1E800] =	vst v63  }
0xda: {  	_ =	swait.ge [sflag:s16], $0x4000  }
0xdb: {  	[sflag:s16] =	ssyncset.done $0x0  }
0xdc: {  	[sflag:s16] =	ssyncadd.s32 $0xFFFFC000  }
0xdd: {  	[hbm4b:s22+s4] =	stream.linear.scatter [tilespmem:s18], [sflag:$0x3], $0x4000, $0x38;
	[tilespmem:$0x1E800] =	vst v63  }
0xde: {  	_ =	swait.ge [sflag:s16], $0x4000  }
0xdf: {  	[sflag:s16] =	ssyncset.done $0x0  }
0xe0: {  	[sflag:s16] =	ssyncadd.s32 $0xFFFFC000  }
0xe1: {  	[tilespmem:s18], [sflag:$0x3] =	stream.linear.gather [spmem:s11], $0x4000, $0x38;
	[tilespmem:$0x1E800] =	vst v63  }
0xe2: {  	_ =	swait.ge [sflag:s16], $0x4000  }
0xe3: {  	[sflag:s16] =	ssyncset.done $0x0  }
0xe4: {  	[sflag:s16] =	ssyncadd.s32 $0xFFFFC000  }
0xe5: {  	[hbm4b:s23+s4] =	stream.linear.scatter [tilespmem:s18], [sflag:$0x3], $0x4000, $0x38;
	[tilespmem:$0x1E800] =	vst v63  }
0xe6: {  	_ =	swait.ge [sflag:s16], $0x4000  }
0xe7: {  	[sflag:s16] =	ssyncset.done $0x0  }
0xe8: {  	[sflag:s16] =	ssyncadd.s32 $0xFFFFC000  }
0xe9: {  	[tilespmem:s18], [sflag:$0x3] =	stream.linear.gather [spmem:s12], $0x4000, $0x38;
	[tilespmem:$0x1E800] =	vst v63  }
0xea: {  	s0 =	sadd.s32 $0x1, s0;
	_ =	swait.ge [sflag:s16], $0x4000  }
0xeb: {  	p0 =	sne.s32 s0, s15;
	[sflag:s16] =	ssyncset.done $0x0  }
.Ltmp2:
0xec: {  	[sflag:s16] =	ssyncadd.s32 $0xFFFFC000;
	(pc) =	sbr.rel @p0 .LBB2_1-.Ltmp2, $4  }
0xed: {  	[hbm4b:s24+s4] =	stream.linear.scatter [tilespmem:s18], [sflag:$0x3], $0x4000, $0x38;
	[tilespmem:$0x1E800] =	vst v63  }
0xee: {  	_ =	swait.ge [sflag:s16], $0x4000  }
0xef: {  	[sflag:s16] =	ssyncset.done $0x0  }
0xf0: {  	[sflag:s16] =	ssyncadd.s32 $0xFFFFC000  }
0xf1: {  	_ =	sfence.sel $0x180000  }
0xf2: {  	[bflag:$0x0] =	sbarrier.arrive $0xFFFF  }
0xf3: {  	_ =	strace $0x9000004D  }
0xf4: {  	s0 =	stileid.u32;
	[bflag:$0x2] =	sbarrier.arrive $0xFFFF  }
0xf5: {  	p0 =	sne.s32 s0, $0x0;
	s0 =	rddreg [dreg:$0x3]  }
0xf6: {  	s0 =	sadd.s32 @!p0 $0x100000, s0  }
0xf7: {  	[sflag:s0] =	ssyncadd.tile.s32 @!p0 $0x1;
	_ =	shalt  }
.Lfunc_end2:
_tile_overlayer_lowered:
.L_overlay_start_2:
0xf8: {  	(tag) =	ssettag $0x2  }
0xf9: {  	s0 =	rddreg [dreg:$0x0];
	s2 =	stileid.u32  }
0xfa: {  	s1 =	rddreg [dreg:$0x1];
	p0 =	sne.s32 s2, $0x0  }
0xfb: {  	s3 =	rddreg [dreg:$0x2];
	[bflag:$0x3] =	sbarrier.arrive $0xFFFF;
	s2 =	simm.s32 @!p0 $0x1C03  }
0xfc: {  	[timem:s3], [sflag:s2] =	dma.local @!p0 [hbm:s0], s1  }
0xfd: {  	s0 =	simm.s32 @!p0 $0x3  }
0xfe: {  	_ =	swait.ge @!p0 [sflag:s0], s1  }
0xff: {  	s1 =	ssub.s32 @!p0 $0x0, s1;
	[sflag:s0] =	ssyncset.done @!p0 $0x0  }
0x100: {  	[sflag:s0] =	ssyncadd.s32 @!p0 s1  }
0x101: {  	[bflag:$0x3] =	sbarrier.arrive $0xFFFF  }
0x102: {  	_ =	shalt  }

// kernel: kernel.8.cloned.1.call-start
scs
__scs_entry_jumppad:
0x0: {  	(pc) =	sbr.rel $0x88, $3  }
0x1: {  	(tag) =	ssettag $0x0;
	lr =	simm.s32 $0x1  }
0x2: {  	[smem:$0x3F99] =	sst lr;
	_ =	strace $0xD0000000  }
0x3: {  	_ = 	snop  }
0x4: {  	_ = 	snop  }
0x5: {  	_ = 	snop  }
0x6: {  	_ = 	snop  }
0x7: {  	_ = 	snop  }
__scs_overlays_trampoline_lowered:
0x8: {  	[smem:$0x3FA8] =	sst s0  }
0x9: {  	[smem:$0x3FA9] =	sst s1  }
0xa: {  	[smem:$0x3FAA] =	sst s2  }
0xb: {  	[smem:$0x3FAB] =	sst s3  }
0xc: {  	[smem:$0x3FAC] =	sst s4  }
0xd: {  	[smem:$0x3FAD] =	sst s5  }
0xe: {  	[smem:$0x3FAE] =	sst s6  }
0xf: {  	[smem:$0x3FAF] =	sst s7  }
0x10: {  	[smem:$0x3FB0] =	sst s8  }
0x11: {  	[smem:$0x3FB1] =	sst s9;
	s0 =	simm.s32 @!p0 $0x0  }
0x12: {  	s1 =	sld [smem:$0x3F97];
	s0 =	simm.s32 @p0 $0x1  }
0x13: {  	[smem:$0x3FB2] =	sst s0;
	s0 =	simm.s32 @!p1 $0x0  }
0x14: {  	s2 =	sld [smem:$0x3F96];
	s0 =	simm.s32 @p1 $0x1  }
0x15: {  	[smem:$0x3FB3] =	sst s0;
	s0 =	simm.s32 @!p2 $0x0  }
0x16: {  	s3 =	sld [smem:$0x3FDB];
	s0 =	simm.s32 @p2 $0x1  }
0x17: {  	s4 =	simm.s32 $0x1BF5;
	[smem:$0x3FB5] =	sst s0  }
0x18: {  	s0 =	sld [smem:$0x3F98];
	_ =	swait.ge [sflag:s4], $0x0  }
0x19: {  	s7 =	sld [smem:$0x3F99]  }
0x1a: {  	s8 =	sadd.s32 $0xFFFFE003, lr  }
0x1b: {  	s9 =	sadd.s32 $0xFFFFFEF7, lr;
	s5 =	simm.s32 $0xFFFFFFFF;
	p2 =	slt.u32 s8, $0xFFFFF086  }
0x1c: {  	p1 =	slt.u32 s9, $0xF7A;
	s5 =	simm.s32 @!p2 $0x0  }
0x1d: {  	s5 =	simm.s32 @p1 $0x1;
	p0 =	seq.s32 s7, s2  }
0x1e: {  	s7 =	smul.u32 @!p0 $0xF7A, s2;
	p2 =	seq.s32 @!p0 s5, $0x0  }
0x1f: {  	s9 =	smul.u32 $0xF7A, s1;
	s8 =	simm.s32 @!p0 $0x1BF5;
	p2 =	por !p2, p0  }
0x20: {  	[sflag:s8] =	ssyncset.s32 @!p0 $0xFFFFF086;
	s6 =	sadd.s32 @!p0 s3, s7;
	s7 =	simm.s32 @!p0 $0x108  }
0x21: {  	s3 =	sadd.s32 s3, s9;
	s6 =	sadd.s32 @!p0 $0x88, s6;
	s7 =	simm.s32 @p2 $0x1082  }
0x22: {  	[simem:s7], [sflag:s8] =	dma.local @!p0 [hbm:s6], $0xF7A  }
0x23: {  	s9 =	sor.u32 $0xD0000000, s2;
	s6 =	simm.s32 $0x108;
	_ =	swait.ge @!p0 [sflag:s8], $0x0  }
0x24: {  	s3 =	sadd.s32 $0x88, s3;
	s6 =	simm.s32 @!p1 $0x1082;
	[sflag:s4] =	ssyncset.s32 $0xFFFFF086  }
0x25: {  	[simem:s6], [sflag:s4] =	dma.local [hbm:s3], $0xF7A  }
0x26: {  	[smem:$0x3F99] =	sst s1;
	(tag) =	ssettag s2;
	_ =	strace s9  }
0x27: {  	s1 =	sld [smem:$0x3FA9]  }
0x28: {  	s2 =	sld [smem:$0x3FAA]  }
0x29: {  	s4 =	sld [smem:$0x3FAC]  }
0x2a: {  	p0 =	seq.s32 s5, $0x0;
	s5 =	sld [smem:$0x3FAD]  }
0x2b: {  	s6 =	sld [smem:$0x3FAE]  }
0x2c: {  	s7 =	sld [smem:$0x3FAF]  }
0x2d: {  	s3 =	simm.s32 $0x108;
	s8 =	sld [smem:$0x3FB0]  }
0x2e: {  	s3 =	simm.s32 @!p0 $0x1082;
	s9 =	sld [smem:$0x3FB1]  }
0x2f: {  	lr =	sadd.s32 s0, s3;
	s0 =	sld [smem:$0x3FA8]  }
0x30: {  	s3 =	sld [smem:$0x3FAB]  }
0x31: {  	[smem:$0x3FB4] =	sst s10  }
0x32: {  	s10 =	sld [smem:$0x3FB2];
	_ =	sdelay $0x3  }
0x33: {  	p0 =	seq.s32 s10, $0x1;
	s10 =	sld [smem:$0x3FB4];
	_ =	sdelay $0x3  }
0x34: {  	[smem:$0x3FB4] =	sst s10  }
0x35: {  	s10 =	sld [smem:$0x3FB3];
	_ =	sdelay $0x3  }
0x36: {  	p1 =	seq.s32 s10, $0x1;
	s10 =	sld [smem:$0x3FB4];
	_ =	sdelay $0x3  }
0x37: {  	[smem:$0x3FB4] =	sst s10  }
0x38: {  	s10 =	sld [smem:$0x3FB5]  }
0x39: {  	_ = 	snop;
	(pc) =	sbr.ind lr, $3  }
0x3a: {  	_ = 	snop  }
0x3b: {  	_ = 	snop  }
0x3c: {  	p2 =	seq.s32 s10, $0x1;
	s10 =	sld [smem:$0x3FB4]  }
0x3d: {  	_ =	shalt  }
0x3e: {  	_ =	shalt  }
0x3f: {  	_ =	shalt  }
0x40: {  	_ =	shalt  }
0x41: {  	_ =	shalt  }
0x42: {  	_ =	shalt  }
0x43: {  	_ =	shalt  }
0x44: {  	_ =	shalt  }
0x45: {  	_ =	shalt  }
0x46: {  	_ =	shalt  }
0x47: {  	_ =	shalt  }
0x48: {  	_ =	shalt  }
0x49: {  	_ =	shalt  }
0x4a: {  	_ =	shalt  }
0x4b: {  	_ =	shalt  }
0x4c: {  	_ =	shalt  }
0x4d: {  	_ =	shalt  }
0x4e: {  	_ =	shalt  }
0x4f: {  	_ =	shalt  }
0x50: {  	_ =	shalt  }
0x51: {  	_ =	shalt  }
0x52: {  	_ =	shalt  }
0x53: {  	_ =	shalt  }
0x54: {  	_ =	shalt  }
0x55: {  	_ =	shalt  }
0x56: {  	_ =	shalt  }
0x57: {  	_ =	shalt  }
0x58: {  	_ =	shalt  }
0x59: {  	_ =	shalt  }
0x5a: {  	_ =	shalt  }
0x5b: {  	_ =	shalt  }
0x5c: {  	_ =	shalt  }
0x5d: {  	_ =	shalt  }
0x5e: {  	_ =	shalt  }
0x5f: {  	_ =	shalt  }
0x60: {  	_ =	shalt  }
0x61: {  	_ =	shalt  }
0x62: {  	_ =	shalt  }
0x63: {  	_ =	shalt  }
0x64: {  	_ =	shalt  }
0x65: {  	_ =	shalt  }
0x66: {  	_ =	shalt  }
0x67: {  	_ =	shalt  }
0x68: {  	_ =	shalt  }
0x69: {  	_ =	shalt  }
0x6a: {  	_ =	shalt  }
0x6b: {  	_ =	shalt  }
0x6c: {  	_ =	shalt  }
0x6d: {  	_ =	shalt  }
0x6e: {  	_ =	shalt  }
0x6f: {  	_ =	shalt  }
0x70: {  	_ =	shalt  }
0x71: {  	_ =	shalt  }
0x72: {  	_ =	shalt  }
0x73: {  	_ =	shalt  }
0x74: {  	_ =	shalt  }
0x75: {  	_ =	shalt  }
0x76: {  	_ =	shalt  }
0x77: {  	_ =	shalt  }
0x78: {  	_ =	shalt  }
0x79: {  	_ =	shalt  }
0x7a: {  	_ =	shalt  }
0x7b: {  	_ =	shalt  }
0x7c: {  	_ =	shalt  }
0x7d: {  	_ =	shalt  }
0x7e: {  	_ =	shalt  }
0x7f: {  	_ =	shalt  }
0x80: {  	_ =	shalt  }
0x81: {  	_ =	shalt  }
0x82: {  	_ =	shalt  }
0x83: {  	_ =	shalt  }
0x84: {  	_ =	shalt  }
0x85: {  	_ =	shalt  }
0x86: {  	_ =	shalt  }
0x87: {  	_ =	shalt  }
.Lfunc_end0:
.L_simem_size_0:
called_computation_lowered:
.L_overlay_start_0:
0x88: {  	s2 =	sld [smem:$0x3FD9]  }
0x89: {  	s3 =	sld [smem:$0x3FFE];
	_ =	sdelay $0x1  }
0x8a: {  	s1 =	srdreg.scid  }
0x8b: {  	s0 =	sand.u32 $0x1, s1  }
0x8c: {  	s17 =	sshll.u32 s0, $0xA;
	s2 =	sadd.s32 s3, s2  }
0x8d: {  	s2 =	sadd.s32 s2, s17  }
0x8e: {  	[smem:$0x3FC0] =	sst s2  }
0x8f: {  	_ = 	snop  }
0x90: {  	s2 =	sld [smem:$0x3FC9]  }
0x91: {  	s18 =	sld [smem:$0x3FD0];
	(tm) =	ssettm $0x1  }
0x92: {  	s4 =	sld [smem:$0x3FFB];
	_ =	sdelay $0x3  }
0x93: {  	_ =	strace s4  }
0x94: {  	s4 =	sld [smem:$0x3FFC];
	_ =	sdelay $0x3  }
0x95: {  	_ =	strace s4  }
0x96: {  	s4 =	sld [smem:$0x3FFD];
	_ =	sdelay $0x3  }
0x97: {  	_ =	strace s4  }
0x98: {  	_ =	strace $0x8FFFFFFF  }
0x99: {  	s19 =	sld [smem:$0x3FDB];
	_ =	sdelay $0x1  }
0x9a: {  	s5 =	simm.s32 $_scs_section_size  }
0x9b: {  	s6 =	simm.s32 $_size__tile_overlayer_lowered;
	s7 =	simm.s32 $_tile_overlayer_lowered  }
0x9c: {  	s22 =	simm.s32 $0x1BFF;
	s21 =	sshll.u32 s7, $0x1;
	s4 =	sadd.s32 s5, s19  }
0x9d: {  	s8 =	simm.s32 $0x0;
	s20 =	sshll.u32 s6, $0x1;
	s6 =	sadd.s32 s21, s4  }
0x9e: {  	[timem:s8], [sflag:s22] =	dma.local [hbm:s6], s20  }
0x9f: {  	_ =	swait.ge [sflag:s22], s20  }
0xa0: {  	s5 =	ssub.s32 $0x0, s20;
	[sflag:s22] =	ssyncset.done $0x0  }
0xa1: {  	[sflag:s22] =	ssyncadd.s32 s5;
	_ =	sdelay $0x1  }
0xa2: {  	s23 =	simm.s32 $0x1B8B  }
0xa3: {  	_ =	swait.ge [sflag:s23], $0x1  }
0xa4: {  	[sflag:s23] =	ssyncset.done $0x0  }
0xa5: {  	s25 =	simm.s32 $0x1B8E;
	s24 =	sld [smem:$0x3FFE];
	[sflag:s23] =	ssyncadd.s32 $0xFFFFFFFF  }
0xa6: {  	s26 =	simm.s32 $execute0_lowered;
	[smem:$0x3FD2] =	sst s25  }
0xa7: {  	s6 =	sshll.u32 s26, $0x1;
	_ =	strace $0x80000046;
	[dreg:$0x1] =	wrdreg $0xFFFFFFFF  }
0xa8: {  	s28 =	simm.s32 $_size_execute0_lowered;
	s4 =	sadd.s32 s4, s6;
	[dreg:$0x0] =	wrdreg $0x0  }
0xa9: {  	s6 =	sshll.u32 s28, $0x1;
	[dreg:$0x2] =	wrdreg s4  }
0xaa: {  	[dreg:$0x3] =	wrdreg s6  }
0xab: {  	[dreg:$0x4] =	wrdreg $0xC0  }
0xac: {  	_ =	task [dreg:s8], $0x5FFFF  }
0xad: {  	[dreg:$0x1] =	wrdreg $0xFFFFFFFF  }
0xae: {  	[dreg:$0x0] =	wrdreg $0x60  }
0xaf: {  	[dreg:$0x2] =	wrdreg s2  }
0xb0: {  	[dreg:$0x3] =	wrdreg s24  }
0xb1: {  	[dreg:$0x4] =	wrdreg s18  }
0xb2: {  	[dreg:$0x5] =	wrdreg $0xA8000  }
0xb3: {  	[dreg:$0x6] =	wrdreg $0x9  }
0xb4: {  	_ =	task.clear_ibuf [dreg:s8], $0x7FFFF;
	_ =	strace $0x90000046  }
0xb5: {  	s29 =	simm.s32 $0x9;
	_ =	strace $0x80000048  }
0xb6: {  	_ =	swait.ge [sflag:s29], $0x1  }
0xb7: {  	[sflag:s29] =	ssyncadd.s32 $0xFFFFFFFF  }
0xb8: {  	_ =	strace $0x90000048  }
0xb9: {  	_ =	sfence  }
0xba: {  	s30 =	sld [smem:$0x0];
	_ =	sdelay $0x2  }
0xbb: {  	s31 =	sshll.u32 s1, $0xD;
	s1 =	sshrl.u32 s1, $0x2  }
0xbc: {  	s3 =	sand.u32 $0x4000, s31;
	s1 =	sadd.s32 s1, s30  }
0xbd: {  	s0 =	sor.u32 s3, s0;
	s1 =	sshll.u32 s1, $0x11  }
0xbe: {  	s0 =	sor.u32 s1, s0  }
0xbf: {  	s0 =	sadd.s32 $0x8F2B, s0  }
0xc0: {  	[sflag:s0] =	ssyncadd.remote.s32 $0x1  }
0xc1: {  	_ =	sfence.sel $0xFFFF  }
0xc2: {  	[dreg:$0x0] =	wrdreg $0xFFFFFFFF;
	(pc) =	sbr.abs _section_cstart, $3  }
0xc3: {  	[dreg:$0x1] =	wrdreg $0xFFFFFFFF  }
0xc4: {  	_ =	task.clear_ibuf [dreg:s8], $0x2FFFF;
	_ =	strace $0x9FFFFFFF  }
0xc5: {  	(tm) =	ssettm $0x7FFFFFFF  }
tec
execute0_lowered:
.L_overlay_start_1:
0x0: {  	(tag) =	ssettag $0x1  }
0x1: {  	s1 =	rddreg [dreg:$0x0]  }
0x2: {  	s0 =	rddreg [dreg:$0x1]  }
0x3: {  	s4 =	rddreg [dreg:$0x3]  }
0x4: {  	s2 =	srdreg.scid;
	s19 =	stileid.u32  }
0x5: {  	s5 =	simm.s32 $0x0;
	s28 =	simm.s32 $0x2;
	s29 =	simm.s32 $0x1380  }
0x6: {  	s30 =	simm.s32 $0x2700;
	s31 =	simm.s32 $0x2780;
	s11 =	smul.u32 $0x280, s19  }
0x7: {  	s2 =	sand.u32 $0x1, s2;
	s3 =	sshll.u32 s19, $0x1;
	s8 =	smul.u32 $0x50000, s19  }
0x8: {  	[smem:$0x7FF] =	sst s5;
	s13 =	sadd.s32 $0x2200, s0;
	s26 =	smul.u32 $0x2800, s19  }
0x9: {  	s14 =	sadd.s32 $0xC200, s0;
	s19 =	simm.s32 $0x80;
	s6 =	smul.u32 $0x28000, s2  }
0xa: {  	s3 =	sor.u32 s2, s3;
	_ =	strace $0x80000047;
	s2 =	ssub.s32 $0x2, s2  }
0xb: {  	s7 =	smul.u32 $0x500, s3;
	s21 =	sshrl.u32 s2, $0x1;
	s8 =	sshrl.u32 s8, $0x2  }
0xc: {  	s15 =	sadd.s32 $0x80, s11;
	s16 =	sadd.s32 $0x100, s11;
	s3 =	smul.u32 $0x2800, s3  }
0xd: {  	s17 =	sadd.s32 $0x180, s11;
	s18 =	sadd.s32 $0x200, s11;
	s0 =	sadd.s32 s6, s0  }
0xe: {  	s2 =	ssub.s32 s2, s21;
	s9 =	sshll.u32 s15, $0x7;
	s10 =	sshll.u32 s16, $0x7  }
0xf: {  	s8 =	sadd.s32 s8, s4;
	s24 =	sshll.u32 s17, $0x7;
	s12 =	sshll.u32 s18, $0x7  }
0x10: {  	s21 =	sshll.u32 s15, $0x4;
	s22 =	sadd.s32 s13, s7;
	s23 =	sadd.s32 s14, s7  }
0x11: {  	s9 =	sadd.s32 s9, s4;
	s10 =	sadd.s32 s10, s4;
	s3 =	sshrl.u32 s3, $0x3  }
0x12: {  	s11 =	sadd.s32 s24, s4;
	s12 =	sadd.s32 s12, s4;
	s0 =	sadd.s32 $0x16200, s0  }
0x13: {  	s24 =	sshll.u32 s18, $0x4;
	s15 =	smax.u32 s2, $0x1;
	[dreg:$0x5] =	wrdreg s22  }
0x14: {  	s18 =	simm.s32 $0x2800;
	[dreg:$0x6] =	wrdreg s23;
	s3 =	sadd.s32 $0x280, s3  }
0x15: {  	s22 =	sshll.u32 s16, $0x4;
	s23 =	sshll.u32 s17, $0x4;
	s16 =	simm.s32 $0x3  }
0x16: {  	s17 =	simm.s32 $0x1400;
	s20 =	sadd.s32 s26, s0;
	s21 =	sadd.s32 s21, s0  }
0x17: {  	s24 =	sadd.s32 s24, s0;
	s26 =	simm.s32 $0x1;
	s25 =	sadd.s32 s13, s3  }
0x18: {  	s14 =	sadd.s32 s14, s3;
	s22 =	sadd.s32 s22, s0;
	s23 =	sadd.s32 s23, s0  }
0x19: {  	s0 =	simm.s32 $0x0;
	[dreg:$0x7] =	wrdreg s25;
	s25 =	simm.s32 $0x6800  }
.LBB2_1:
0x1a: {  	s2 =	rddreg [dreg:$0x5]  }
0x1b: {  	[tilespmem:s5], [sflag:$0x3] =	stream.linear.gather [hbm4b:s2+s5], $0x1400, $0x38;
	[tilespmem:$0x1E800] =	vst v63  }
0x1c: {  	_ =	swait.ge [sflag:s16], $0x1400  }
0x1d: {  	[sflag:s16] =	ssyncset.done $0x0  }
0x1e: {  	s7 =	rddreg [dreg:$0x6];
	[sflag:s16] =	ssyncadd.s32 $0xFFFFEC00  }
0x1f: {  	[tilespmem:s17], [sflag:$0x3] =	stream.linear.gather [hbm4b:s7+s5], $0x1400, $0x38;
	[tilespmem:$0x1E800] =	vst v63  }
0x20: {  	_ =	swait.ge [sflag:s16], $0x1400  }
0x21: {  	[sflag:s16] =	ssyncset.done $0x0  }
0x22: {  	[sflag:s16] =	ssyncadd.s32 $0xFFFFEC00  }
0x23: {  	s13 =	rddreg [dreg:$0x2]  }
0x24: {  	[tilespmem:s18], [sflag:$0x3] =	stream.linear.gather [hbm4b:s13+s5], $0x4000, $0x38;
	[tilespmem:$0x1E800] =	vst v63  }
0x25: {  	_ =	swait.ge [sflag:s16], $0x4000  }
0x26: {  	[sflag:s16] =	ssyncset.done $0x0  }
0x27: {  	[sflag:s16] =	ssyncadd.s32 $0xFFFFC000  }
0x28: {  	[spmem:s8] =	stream.linear.scatter [tilespmem:s18], [sflag:$0x3], $0x4000, $0x38;
	[tilespmem:$0x1E800] =	vst v63  }
0x29: {  	_ =	swait.ge [sflag:s16], $0x4000  }
0x2a: {  	[sflag:s16] =	ssyncset.done $0x0  }
0x2b: {  	[sflag:s16] =	ssyncadd.s32 $0xFFFFC000  }
0x2c: {  	[spmem:s9] =	stream.linear.scatter [tilespmem:s18], [sflag:$0x3], $0x4000, $0x38;
	[tilespmem:$0x1E800] =	vst v63  }
0x2d: {  	_ =	swait.ge [sflag:s16], $0x4000  }
0x2e: {  	[sflag:s16] =	ssyncset.done $0x0  }
0x2f: {  	[sflag:s16] =	ssyncadd.s32 $0xFFFFC000  }
0x30: {  	[spmem:s10] =	stream.linear.scatter [tilespmem:s18], [sflag:$0x3], $0x4000, $0x38;
	[tilespmem:$0x1E800] =	vst v63  }
0x31: {  	_ =	swait.ge [sflag:s16], $0x4000  }
0x32: {  	[sflag:s16] =	ssyncset.done $0x0  }
0x33: {  	[sflag:s16] =	ssyncadd.s32 $0xFFFFC000  }
0x34: {  	[spmem:s11] =	stream.linear.scatter [tilespmem:s18], [sflag:$0x3], $0x4000, $0x38;
	[tilespmem:$0x1E800] =	vst v63  }
0x35: {  	_ =	swait.ge [sflag:s16], $0x4000  }
0x36: {  	[sflag:s16] =	ssyncset.done $0x0  }
0x37: {  	[sflag:s16] =	ssyncadd.s32 $0xFFFFC000  }
0x38: {  	[spmem:s12] =	stream.linear.scatter [tilespmem:s18], [sflag:$0x3], $0x4000, $0x38;
	[tilespmem:$0x1E800] =	vst v63  }
0x39: {  	_ =	swait.ge [sflag:s16], $0x4000  }
0x3a: {  	[sflag:s16] =	ssyncset.done $0x0  }
0x3b: {  	[sflag:s16] =	ssyncadd.s32 $0xFFFFC000  }
0x3c: {  	[bflag:$0x0] =	sbarrier.arrive $0xFFFF  }
0x3d: {  	[tilespmem:s18], [sflag:$0x1] =	stream.indirect.gather [hbm4b:s1+s19], $0x80, s5, s19, $0xb8;
	[tilespmem:$0x1E800] =	vst v63  }
0x3e: {  	s3 =	simm.s32 $0x80  }
0x3f: {  	[tilespmem:s25], [sflag:$0x2] =	stream.indirect.gather [hbm4b:s1+s19], $0x80, s3, s19, $0xb8;
	[tilespmem:$0x1E800] =	vst v63  }
0x40: {  	_ =	swait.ge [sflag:s26], $0x4000  }
0x41: {  	[sflag:s26] =	ssyncset.done $0x0  }
0x42: {  	s6 =	simm.s32 $0x1400;
	[sflag:s26] =	ssyncadd.s32 $0xFFFFC000  }
0x43: {  	[spmem:s4] =	stream.indirect.scatter.add.f32 [tilespmem:s18], [sflag:$0x3], $0x80, s6, s19, $0xb8;
	[tilespmem:$0x1E800] =	vst v63  }
0x44: {  	_ =	swait.ge [sflag:s16], $0x4000  }
0x45: {  	[sflag:s16] =	ssyncset.done $0x0  }
0x46: {  	s7 =	simm.s32 $0x100;
	[sflag:s16] =	ssyncadd.s32 $0xFFFFC000  }
0x47: {  	[tilespmem:s18], [sflag:$0x1] =	stream.indirect.gather [hbm4b:s1+s19], $0x80, s7, s19, $0xb8;
	[tilespmem:$0x1E800] =	vst v63  }
0x48: {  	_ =	swait.ge [sflag:s28], $0x4000  }
0x49: {  	[sflag:s28] =	ssyncset.done $0x0  }
0x4a: {  	s13 =	simm.s32 $0x1480;
	[sflag:s28] =	ssyncadd.s32 $0xFFFFC000  }
0x4b: {  	[spmem:s4] =	stream.indirect.scatter.add.f32 [tilespmem:s25], [sflag:$0x3], $0x80, s13, s19, $0xb8;
	[tilespmem:$0x1E800] =	vst v63  }
0x4c: {  	_ =	swait.ge [sflag:s16], $0x4000  }
0x4d: {  	s2 =	simm.s32 $0x100;
	s3 =	simm.s32 $0x800;
	[sflag:s16] =	ssyncset.done $0x0  }
.LBB2_2:
0x4e: {  	s6 =	sadd.s32 $0x80, s2  }
0x4f: {  	[sflag:s16] =	ssyncadd.s32 $0xFFFFC000;
	s7 =	smov.u32 s3;
	s13 =	sadd.s32 $0x400, s3  }
0x50: {  	[tilespmem:s25], [sflag:$0x2] =	stream.indirect.gather [hbm4b:s1+s19], $0x80, s6, s19, $0xb8;
	[tilespmem:$0x1E800] =	vst v63  }
0x51: {  	p0 =	sne.s32 s3, $0x4800;
	_ =	swait.ge [sflag:s26], $0x4000  }
0x52: {  	[sflag:s26] =	ssyncset.done $0x0  }
0x53: {  	s3 =	sadd.s32 $0x1400, s2;
	[sflag:s26] =	ssyncadd.s32 $0xFFFFC000  }
0x54: {  	[spmem:s4] =	stream.indirect.scatter.add.f32 [tilespmem:s18], [sflag:$0x3], $0x80, s3, s19, $0xb8;
	[tilespmem:$0x1E800] =	vst v63  }
0x55: {  	_ =	swait.ge [sflag:s16], $0x4000  }
0x56: {  	[sflag:s16] =	ssyncset.done $0x0  }
0x57: {  	s3 =	sadd.s32 $0x100, s2;
	[sflag:s16] =	ssyncadd.s32 $0xFFFFC000  }
0x58: {  	[tilespmem:s18], [sflag:$0x1] =	stream.indirect.gather [hbm4b:s1+s19], $0x80, s3, s19, $0xb8;
	[tilespmem:$0x1E800] =	vst v63  }
0x59: {  	_ =	swait.ge [sflag:s28], $0x4000  }
.Ltmp0:
0x5a: {  	[sflag:s28] =	ssyncset.done $0x0;
	(pc) =	sbr.rel @p0 .LBB2_2-.Ltmp0, $4  }
0x5b: {  	s2 =	sadd.s32 $0x1480, s2;
	[sflag:s28] =	ssyncadd.s32 $0xFFFFC000  }
0x5c: {  	[spmem:s4] =	stream.indirect.scatter.add.f32 [tilespmem:s25], [sflag:$0x3], $0x80, s2, s19, $0xb8;
	[tilespmem:$0x1E800] =	vst v63  }
0x5d: {  	_ =	swait.ge [sflag:s16], $0x4000  }
0x5e: {  	s3 =	smov.u32 s13;
	s2 =	sshra.s32 s7, $0x2;
	[sflag:s16] =	ssyncset.done $0x0  }
0x5f: {  	s3 =	sadd.s32 $0x80, s2;
	[sflag:s16] =	ssyncadd.s32 $0xFFFFC000  }
0x60: {  	[tilespmem:s25], [sflag:$0x2] =	stream.indirect.gather [hbm4b:s1+s19], $0x80, s3, s19, $0xb8;
	[tilespmem:$0x1E800] =	vst v63  }
0x61: {  	_ =	swait.ge [sflag:s26], $0x4000  }
0x62: {  	[sflag:s26] =	ssyncset.done $0x0  }
0x63: {  	s7 =	sadd.s32 $0x1400, s2;
	[sflag:s26] =	ssyncadd.s32 $0xFFFFC000  }
0x64: {  	[spmem:s4] =	stream.indirect.scatter.add.f32 [tilespmem:s18], [sflag:$0x3], $0x80, s7, s19, $0xb8;
	[tilespmem:$0x1E800] =	vst v63  }
0x65: {  	_ =	swait.ge [sflag:s16], $0x4000  }
0x66: {  	[sflag:s16] =	ssyncset.done $0x0  }
0x67: {  	s13 =	sadd.s32 $0x100, s2;
	[sflag:s16] =	ssyncadd.s32 $0xFFFFC000  }
0x68: {  	[tilespmem:s18], [sflag:$0x1] =	stream.indirect.gather [hbm4b:s1+s19], $0x80, s13, s19, $0xb8;
	[tilespmem:$0x1E800] =	vst v63  }
0x69: {  	_ =	swait.ge [sflag:s28], $0x4000  }
0x6a: {  	[sflag:s28] =	ssyncset.done $0x0  }
0x6b: {  	s6 =	sadd.s32 $0x1480, s2;
	[sflag:s28] =	ssyncadd.s32 $0xFFFFC000  }
0x6c: {  	[spmem:s4] =	stream.indirect.scatter.add.f32 [tilespmem:s25], [sflag:$0x3], $0x80, s6, s19, $0xb8;
	[tilespmem:$0x1E800] =	vst v63  }
0x6d: {  	_ =	swait.ge [sflag:s16], $0x4000  }
0x6e: {  	[sflag:s16] =	ssyncset.done $0x0  }
0x6f: {  	[sflag:s16] =	ssyncadd.s32 $0xFFFFC000  }
0x70: {  	[tilespmem:s25], [sflag:$0x2] =	stream.indirect.gather [hbm4b:s1+s19], $0x80, s29, s19, $0xb8;
	[tilespmem:$0x1E800] =	vst v63  }
0x71: {  	_ =	swait.ge [sflag:s26], $0x4000  }
0x72: {  	[sflag:s26] =	ssyncset.done $0x0  }
0x73: {  	[sflag:s26] =	ssyncadd.s32 $0xFFFFC000  }
0x74: {  	[spmem:s4] =	stream.indirect.scatter.add.f32 [tilespmem:s18], [sflag:$0x3], $0x80, s30, s19, $0xb8;
	[tilespmem:$0x1E800] =	vst v63  }
0x75: {  	_ =	swait.ge [sflag:s16], $0x4000  }
0x76: {  	[sflag:s16] =	ssyncset.done $0x0  }
0x77: {  	[sflag:s16] =	ssyncadd.s32 $0xFFFFC000  }
0x78: {  	_ =	swait.ge [sflag:s28], $0x4000  }
0x79: {  	[sflag:s28] =	ssyncset.done $0x0  }
0x7a: {  	[sflag:s28] =	ssyncadd.s32 $0xFFFFC000  }
0x7b: {  	[spmem:s4] =	stream.indirect.scatter.add.f32 [tilespmem:s25], [sflag:$0x3], $0x80, s31, s19, $0xb8;
	[tilespmem:$0x1E800] =	vst v63  }
0x7c: {  	_ =	swait.ge [sflag:s16], $0x4000  }
0x7d: {  	[sflag:s16] =	ssyncset.done $0x0  }
0x7e: {  	s7 =	simm.s32 $0x0;
	s13 =	rddreg [dreg:$0x7];
	[sflag:s16] =	ssyncadd.s32 $0xFFFFC000  }
0x7f: {  	[tilespmem:s7], [sflag:$0x3] =	stream.linear.gather [hbm4b:s13+s7], $0x1400, $0x38;
	[tilespmem:$0x1E800] =	vst v63  }
0x80: {  	_ =	swait.ge [sflag:s16], $0x1400  }
0x81: {  	[sflag:s16] =	ssyncset.done $0x0  }
0x82: {  	[sflag:s16] =	ssyncadd.s32 $0xFFFFEC00  }
0x83: {  	[tilespmem:s17], [sflag:$0x3] =	stream.linear.gather [hbm4b:s14+s7], $0x1400, $0x38;
	[tilespmem:$0x1E800] =	vst v63  }
0x84: {  	_ =	swait.ge [sflag:s16], $0x1400  }
0x85: {  	[sflag:s16] =	ssyncset.done $0x0  }
0x86: {  	[sflag:s16] =	ssyncadd.s32 $0xFFFFEC00  }
0x87: {  	[tilespmem:s18], [sflag:$0x1] =	stream.indirect.gather [hbm4b:s1+s19], $0x80, s7, s19, $0xb8;
	[tilespmem:$0x1E800] =	vst v63  }
0x88: {  	s3 =	simm.s32 $0x80  }
0x89: {  	[tilespmem:s25], [sflag:$0x2] =	stream.indirect.gather [hbm4b:s1+s19], $0x80, s3, s19, $0xb8;
	[tilespmem:$0x1E800] =	vst v63  }
0x8a: {  	_ =	swait.ge [sflag:s26], $0x4000  }
0x8b: {  	[sflag:s26] =	ssyncset.done $0x0  }
0x8c: {  	s6 =	simm.s32 $0x1400;
	[sflag:s26] =	ssyncadd.s32 $0xFFFFC000  }
0x8d: {  	[spmem:s4] =	stream.indirect.scatter.add.f32 [tilespmem:s18], [sflag:$0x3], $0x80, s6, s19, $0xb8;
	[tilespmem:$0x1E800] =	vst v63  }
0x8e: {  	_ =	swait.ge [sflag:s16], $0x4000  }
0x8f: {  	[sflag:s16] =	ssyncset.done $0x0  }
0x90: {  	s7 =	simm.s32 $0x100;
	[sflag:s16] =	ssyncadd.s32 $0xFFFFC000  }
0x91: {  	[tilespmem:s18], [sflag:$0x1] =	stream.indirect.gather [hbm4b:s1+s19], $0x80, s7, s19, $0xb8;
	[tilespmem:$0x1E800] =	vst v63  }
0x92: {  	_ =	swait.ge [sflag:s28], $0x4000  }
0x93: {  	[sflag:s28] =	ssyncset.done $0x0  }
0x94: {  	s13 =	simm.s32 $0x1480;
	[sflag:s28] =	ssyncadd.s32 $0xFFFFC000  }
0x95: {  	[spmem:s4] =	stream.indirect.scatter.add.f32 [tilespmem:s25], [sflag:$0x3], $0x80, s13, s19, $0xb8;
	[tilespmem:$0x1E800] =	vst v63  }
0x96: {  	_ =	swait.ge [sflag:s16], $0x4000  }
0x97: {  	s2 =	simm.s32 $0x100;
	s3 =	simm.s32 $0x800;
	[sflag:s16] =	ssyncset.done $0x0  }
.LBB2_4:
0x98: {  	s6 =	sadd.s32 $0x80, s2  }
0x99: {  	[sflag:s16] =	ssyncadd.s32 $0xFFFFC000;
	s7 =	smov.u32 s3;
	s13 =	sadd.s32 $0x400, s3  }
0x9a: {  	[tilespmem:s25], [sflag:$0x2] =	stream.indirect.gather [hbm4b:s1+s19], $0x80, s6, s19, $0xb8;
	[tilespmem:$0x1E800] =	vst v63  }
0x9b: {  	p0 =	sne.s32 s3, $0x4800;
	_ =	swait.ge [sflag:s26], $0x4000  }
0x9c: {  	[sflag:s26] =	ssyncset.done $0x0  }
0x9d: {  	s3 =	sadd.s32 $0x1400, s2;
	[sflag:s26] =	ssyncadd.s32 $0xFFFFC000  }
0x9e: {  	[spmem:s4] =	stream.indirect.scatter.add.f32 [tilespmem:s18], [sflag:$0x3], $0x80, s3, s19, $0xb8;
	[tilespmem:$0x1E800] =	vst v63  }
0x9f: {  	_ =	swait.ge [sflag:s16], $0x4000  }
0xa0: {  	[sflag:s16] =	ssyncset.done $0x0  }
0xa1: {  	s3 =	sadd.s32 $0x100, s2;
	[sflag:s16] =	ssyncadd.s32 $0xFFFFC000  }
0xa2: {  	[tilespmem:s18], [sflag:$0x1] =	stream.indirect.gather [hbm4b:s1+s19], $0x80, s3, s19, $0xb8;
	[tilespmem:$0x1E800] =	vst v63  }
0xa3: {  	_ =	swait.ge [sflag:s28], $0x4000  }
.Ltmp1:
0xa4: {  	[sflag:s28] =	ssyncset.done $0x0;
	(pc) =	sbr.rel @p0 .LBB2_4-.Ltmp1, $4  }
0xa5: {  	s2 =	sadd.s32 $0x1480, s2;
	[sflag:s28] =	ssyncadd.s32 $0xFFFFC000  }
0xa6: {  	[spmem:s4] =	stream.indirect.scatter.add.f32 [tilespmem:s25], [sflag:$0x3], $0x80, s2, s19, $0xb8;
	[tilespmem:$0x1E800] =	vst v63  }
0xa7: {  	_ =	swait.ge [sflag:s16], $0x4000  }
0xa8: {  	s3 =	smov.u32 s13;
	s2 =	sshra.s32 s7, $0x2;
	[sflag:s16] =	ssyncset.done $0x0  }
0xa9: {  	s3 =	sadd.s32 $0x80, s2;
	[sflag:s16] =	ssyncadd.s32 $0xFFFFC000  }
0xaa: {  	[tilespmem:s25], [sflag:$0x2] =	stream.indirect.gather [hbm4b:s1+s19], $0x80, s3, s19, $0xb8;
	[tilespmem:$0x1E800] =	vst v63  }
0xab: {  	_ =	swait.ge [sflag:s26], $0x4000  }
0xac: {  	[sflag:s26] =	ssyncset.done $0x0  }
0xad: {  	s6 =	sadd.s32 $0x1400, s2;
	[sflag:s26] =	ssyncadd.s32 $0xFFFFC000  }
0xae: {  	[spmem:s4] =	stream.indirect.scatter.add.f32 [tilespmem:s18], [sflag:$0x3], $0x80, s6, s19, $0xb8;
	[tilespmem:$0x1E800] =	vst v63  }
0xaf: {  	_ =	swait.ge [sflag:s16], $0x4000  }
0xb0: {  	[sflag:s16] =	ssyncset.done $0x0  }
0xb1: {  	s7 =	sadd.s32 $0x100, s2;
	[sflag:s16] =	ssyncadd.s32 $0xFFFFC000  }
0xb2: {  	[tilespmem:s18], [sflag:$0x1] =	stream.indirect.gather [hbm4b:s1+s19], $0x80, s7, s19, $0xb8;
	[tilespmem:$0x1E800] =	vst v63  }
0xb3: {  	_ =	swait.ge [sflag:s28], $0x4000  }
0xb4: {  	[sflag:s28] =	ssyncset.done $0x0  }
0xb5: {  	s13 =	sadd.s32 $0x1480, s2;
	[sflag:s28] =	ssyncadd.s32 $0xFFFFC000  }
0xb6: {  	[spmem:s4] =	stream.indirect.scatter.add.f32 [tilespmem:s25], [sflag:$0x3], $0x80, s13, s19, $0xb8;
	[tilespmem:$0x1E800] =	vst v63  }
0xb7: {  	_ =	swait.ge [sflag:s16], $0x4000  }
0xb8: {  	[sflag:s16] =	ssyncset.done $0x0  }
0xb9: {  	[sflag:s16] =	ssyncadd.s32 $0xFFFFC000  }
0xba: {  	[tilespmem:s25], [sflag:$0x2] =	stream.indirect.gather [hbm4b:s1+s19], $0x80, s29, s19, $0xb8;
	[tilespmem:$0x1E800] =	vst v63  }
0xbb: {  	_ =	swait.ge [sflag:s26], $0x4000  }
0xbc: {  	[sflag:s26] =	ssyncset.done $0x0  }
0xbd: {  	[sflag:s26] =	ssyncadd.s32 $0xFFFFC000  }
0xbe: {  	[spmem:s4] =	stream.indirect.scatter.add.f32 [tilespmem:s18], [sflag:$0x3], $0x80, s30, s19, $0xb8;
	[tilespmem:$0x1E800] =	vst v63  }
0xbf: {  	_ =	swait.ge [sflag:s16], $0x4000  }
0xc0: {  	[sflag:s16] =	ssyncset.done $0x0  }
0xc1: {  	[sflag:s16] =	ssyncadd.s32 $0xFFFFC000  }
0xc2: {  	_ =	swait.ge [sflag:s28], $0x4000  }
0xc3: {  	[sflag:s28] =	ssyncset.done $0x0  }
0xc4: {  	[sflag:s28] =	ssyncadd.s32 $0xFFFFC000  }
0xc5: {  	[spmem:s4] =	stream.indirect.scatter.add.f32 [tilespmem:s25], [sflag:$0x3], $0x80, s31, s19, $0xb8;
	[tilespmem:$0x1E800] =	vst v63  }
0xc6: {  	_ =	swait.ge [sflag:s16], $0x4000  }
0xc7: {  	[sflag:s16] =	ssyncset.done $0x0  }
0xc8: {  	[sflag:s16] =	ssyncadd.s32 $0xFFFFC000  }
0xc9: {  	[bflag:$0x0] =	sbarrier.arrive $0xFFFF  }
0xca: {  	[tilespmem:s18], [sflag:$0x3] =	stream.linear.gather [spmem:s8], $0x4000, $0x38;
	[tilespmem:$0x1E800] =	vst v63  }
0xcb: {  	_ =	swait.ge [sflag:s16], $0x4000  }
0xcc: {  	[sflag:s16] =	ssyncset.done $0x0  }
0xcd: {  	[sflag:s16] =	ssyncadd.s32 $0xFFFFC000  }
0xce: {  	[hbm4b:s20+s5] =	stream.linear.scatter [tilespmem:s18], [sflag:$0x3], $0x4000, $0x38;
	[tilespmem:$0x1E800] =	vst v63  }
0xcf: {  	_ =	swait.ge [sflag:s16], $0x4000  }
0xd0: {  	[sflag:s16] =	ssyncset.done $0x0  }
0xd1: {  	[sflag:s16] =	ssyncadd.s32 $0xFFFFC000  }
0xd2: {  	[tilespmem:s18], [sflag:$0x3] =	stream.linear.gather [spmem:s9], $0x4000, $0x38;
	[tilespmem:$0x1E800] =	vst v63  }
0xd3: {  	_ =	swait.ge [sflag:s16], $0x4000  }
0xd4: {  	[sflag:s16] =	ssyncset.done $0x0  }
0xd5: {  	[sflag:s16] =	ssyncadd.s32 $0xFFFFC000  }
0xd6: {  	[hbm4b:s21+s5] =	stream.linear.scatter [tilespmem:s18], [sflag:$0x3], $0x4000, $0x38;
	[tilespmem:$0x1E800] =	vst v63  }
0xd7: {  	_ =	swait.ge [sflag:s16], $0x4000  }
0xd8: {  	[sflag:s16] =	ssyncset.done $0x0  }
0xd9: {  	[sflag:s16] =	ssyncadd.s32 $0xFFFFC000  }
0xda: {  	[tilespmem:s18], [sflag:$0x3] =	stream.linear.gather [spmem:s10], $0x4000, $0x38;
	[tilespmem:$0x1E800] =	vst v63  }
0xdb: {  	_ =	swait.ge [sflag:s16], $0x4000  }
0xdc: {  	[sflag:s16] =	ssyncset.done $0x0  }
0xdd: {  	[sflag:s16] =	ssyncadd.s32 $0xFFFFC000  }
0xde: {  	[hbm4b:s22+s5] =	stream.linear.scatter [tilespmem:s18], [sflag:$0x3], $0x4000, $0x38;
	[tilespmem:$0x1E800] =	vst v63  }
0xdf: {  	_ =	swait.ge [sflag:s16], $0x4000  }
0xe0: {  	[sflag:s16] =	ssyncset.done $0x0  }
0xe1: {  	[sflag:s16] =	ssyncadd.s32 $0xFFFFC000  }
0xe2: {  	[tilespmem:s18], [sflag:$0x3] =	stream.linear.gather [spmem:s11], $0x4000, $0x38;
	[tilespmem:$0x1E800] =	vst v63  }
0xe3: {  	_ =	swait.ge [sflag:s16], $0x4000  }
0xe4: {  	[sflag:s16] =	ssyncset.done $0x0  }
0xe5: {  	[sflag:s16] =	ssyncadd.s32 $0xFFFFC000  }
0xe6: {  	[hbm4b:s23+s5] =	stream.linear.scatter [tilespmem:s18], [sflag:$0x3], $0x4000, $0x38;
	[tilespmem:$0x1E800] =	vst v63  }
0xe7: {  	_ =	swait.ge [sflag:s16], $0x4000  }
0xe8: {  	[sflag:s16] =	ssyncset.done $0x0  }
0xe9: {  	[sflag:s16] =	ssyncadd.s32 $0xFFFFC000  }
0xea: {  	[tilespmem:s18], [sflag:$0x3] =	stream.linear.gather [spmem:s12], $0x4000, $0x38;
	[tilespmem:$0x1E800] =	vst v63  }
0xeb: {  	s0 =	sadd.s32 $0x1, s0;
	_ =	swait.ge [sflag:s16], $0x4000  }
0xec: {  	p0 =	sne.s32 s0, s15;
	[sflag:s16] =	ssyncset.done $0x0  }
.Ltmp2:
0xed: {  	[sflag:s16] =	ssyncadd.s32 $0xFFFFC000;
	(pc) =	sbr.rel @p0 .LBB2_1-.Ltmp2, $4  }
0xee: {  	[hbm4b:s24+s5] =	stream.linear.scatter [tilespmem:s18], [sflag:$0x3], $0x4000, $0x38;
	[tilespmem:$0x1E800] =	vst v63  }
0xef: {  	_ =	swait.ge [sflag:s16], $0x4000  }
0xf0: {  	[sflag:s16] =	ssyncset.done $0x0  }
0xf1: {  	[sflag:s16] =	ssyncadd.s32 $0xFFFFC000  }
0xf2: {  	_ =	sfence.sel $0x180000  }
0xf3: {  	[bflag:$0x0] =	sbarrier.arrive $0xFFFF  }
0xf4: {  	_ =	strace $0x90000047  }
0xf5: {  	s0 =	stileid.u32;
	[bflag:$0x2] =	sbarrier.arrive $0xFFFF  }
0xf6: {  	p0 =	sne.s32 s0, $0x0;
	s0 =	rddreg [dreg:$0x4]  }
0xf7: {  	s0 =	sadd.s32 @!p0 $0x100000, s0  }
0xf8: {  	[sflag:s0] =	ssyncadd.tile.s32 @!p0 $0x1;
	_ =	shalt  }
.Lfunc_end2:
_tile_overlayer_lowered:
.L_overlay_start_2:
0xf9: {  	(tag) =	ssettag $0x2  }
0xfa: {  	s0 =	rddreg [dreg:$0x0];
	s2 =	stileid.u32  }
0xfb: {  	s1 =	rddreg [dreg:$0x1];
	p0 =	sne.s32 s2, $0x0  }
0xfc: {  	s3 =	rddreg [dreg:$0x2];
	[bflag:$0x3] =	sbarrier.arrive $0xFFFF;
	s2 =	simm.s32 @!p0 $0x1C03  }
0xfd: {  	[timem:s3], [sflag:s2] =	dma.local @!p0 [hbm:s0], s1  }
0xfe: {  	s0 =	simm.s32 @!p0 $0x3  }
0xff: {  	_ =	swait.ge @!p0 [sflag:s0], s1  }
0x100: {  	s1 =	ssub.s32 @!p0 $0x0, s1;
	[sflag:s0] =	ssyncset.done @!p0 $0x0  }
0x101: {  	[sflag:s0] =	ssyncadd.s32 @!p0 s1  }
0x102: {  	[bflag:$0x3] =	sbarrier.arrive $0xFFFF  }
0x103: {  	_ =	shalt  }

</sc_bundles>
